<compile_context>
chip_gen: v7x
topology: tpu7x:2x2x1
jax: 0.10.2.dev20260603
libtpu: 0.0.44.dev20260713+nightly
codegen_flags: <defaults>
</compile_context>

<pallas_src>
import functools

import jax
import jax.numpy as jnp
from jax import lax
from jax.experimental import pallas as pl
from jax.experimental.pallas import tpu as pltpu
from jax.experimental.pallas import tpu_sc as plsc

NC = 2
NS = 16
KCH = 80
RPT = 640


def _sc_mesh():
    return plsc.VectorSubcoreMesh(core_axis_name="c", subcore_axis_name="s")


def _own_rows(n, s):
    last = n - (NS - 1) * RPT
    return s * RPT, RPT if s < NS - 1 else last


def _degree_partials(dst3, ones_k, zeros_r, n):
    per_w = dst3.shape[1]

    @functools.partial(
        pl.kernel,
        out_type=jax.ShapeDtypeStruct((NC, n, 1), jnp.float32),
        mesh=_sc_mesh(),
        scratch_types=[
            pltpu.VMEM((per_w, KCH), jnp.int32),
            pltpu.VMEM((KCH, 1), jnp.float32),
            pltpu.VMEM_SHARED((n + 8, 1), jnp.float32),
        ],
    )
    def k(dst_hbm, ones_hbm, zeros_hbm, out_hbm, didx, onesb, acc):
        c = lax.axis_index("c")
        s = lax.axis_index("s")
        wid = c * NS + s
        pltpu.sync_copy(ones_hbm, onesb)
        pltpu.sync_copy(dst_hbm.at[wid], didx)

        @pl.when(s < NS - 1)
        def _():
            pltpu.sync_copy(zeros_hbm, acc.at[pl.ds(s * RPT, RPT), :])

        @pl.when(s == NS - 1)
        def _():
            base, size = _own_rows(n, NS - 1)
            pltpu.sync_copy(zeros_hbm.at[pl.ds(0, size), :],
                            acc.at[pl.ds(base, size), :])

        plsc.subcore_barrier()

        def sub(j, _):
            pltpu.sync_copy(onesb, acc.at[didx.at[j]], add=True)
            return 0

        lax.fori_loop(0, per_w, sub, 0)
        plsc.subcore_barrier()

        @pl.when(s < NS - 1)
        def _():
            pltpu.sync_copy(acc.at[pl.ds(s * RPT, RPT), :],
                            out_hbm.at[c, pl.ds(s * RPT, RPT), :])

        @pl.when(s == NS - 1)
        def _():
            base, size = _own_rows(n, NS - 1)
            pltpu.sync_copy(acc.at[pl.ds(base, size), :],
                            out_hbm.at[c, pl.ds(base, size), :])

    return k(dst3, ones_k, zeros_r)


def _aggregate_partials(g, src3, dst3, zeros_r, n, h):
    ngrp = src3.shape[1]

    @functools.partial(
        pl.kernel,
        out_type=jax.ShapeDtypeStruct((NC, n, h), jnp.float32),
        mesh=_sc_mesh(),
        scratch_types=[
            pltpu.VMEM((8, KCH), jnp.int32),
            pltpu.VMEM((8, KCH), jnp.int32),
            pltpu.VMEM((KCH, h), jnp.float32),
            pltpu.VMEM((KCH, h), jnp.float32),
            pltpu.VMEM_SHARED((n + 8, h), jnp.float32),
            pltpu.SemaphoreType.DMA,
            pltpu.SemaphoreType.DMA,
        ],
    )
    def k(g_hbm, src_hbm, dst_hbm, zeros_hbm, out_hbm, sidx, didx, rows_a,
          rows_b, acc, sem_a, sem_b):
        c = lax.axis_index("c")
        s = lax.axis_index("s")
        wid = c * NS + s

        b0, sz = _own_rows(n, NS - 1)

        @pl.when(s < NS - 1)
        def _():
            pltpu.sync_copy(zeros_hbm, acc.at[pl.ds(s * RPT, RPT), :])

        @pl.when(s == NS - 1)
        def _():
            pltpu.sync_copy(zeros_hbm.at[pl.ds(0, sz), :],
                            acc.at[pl.ds(b0, sz), :])
            pltpu.sync_copy(zeros_hbm.at[pl.ds(0, 8), :],
                            acc.at[pl.ds(n, 8), :])

        plsc.subcore_barrier()

        def grp(gi, _):
            pltpu.sync_copy(src_hbm.at[wid, gi], sidx)
            pltpu.sync_copy(dst_hbm.at[wid, gi], didx)
            bufs = (rows_a, rows_b)
            sems = (sem_a, sem_b)
            pend = pltpu.async_copy(g_hbm.at[sidx.at[0]], rows_a, sem_a)
            for jj in range(8):
                rb_ = bufs[jj % 2]
                pend.wait()
                if jj + 1 < 8:
                    pend = pltpu.async_copy(g_hbm.at[sidx.at[jj + 1]],
                                            bufs[(jj + 1) % 2],
                                            sems[(jj + 1) % 2])
                pltpu.sync_copy(rb_, acc.at[didx.at[jj]], add=True)
            return 0

        lax.fori_loop(0, ngrp, grp, 0)
        plsc.subcore_barrier()

        @pl.when(s < NS - 1)
        def _():
            pltpu.sync_copy(acc.at[pl.ds(s * RPT, RPT), :],
                            out_hbm.at[c, pl.ds(s * RPT, RPT), :])

        @pl.when(s == NS - 1)
        def _():
            base, size = _own_rows(n, NS - 1)
            pltpu.sync_copy(acc.at[pl.ds(base, size), :],
                            out_hbm.at[c, pl.ds(base, size), :])

    return k(g, src3, dst3, zeros_r)


def _tc_pre(p, x, w1, rb):
    n, d = x.shape
    hh = w1.shape[1]
    grid = n // rb

    def body(p_ref, x_ref, w_ref, out_ref):
        pp = p_ref[...]
        dv = lax.rsqrt(pp[0] + pp[1] + 1.0)
        out_ref[...] = dv * jnp.dot(x_ref[...], w_ref[...],
                                    preferred_element_type=jnp.float32)

    return pl.pallas_call(
        body,
        grid=(grid,),
        in_specs=[
            pl.BlockSpec((2, rb, 1), lambda i: (0, i, 0)),
            pl.BlockSpec((rb, d), lambda i: (i, 0)),
            pl.BlockSpec((d, hh), lambda i: (0, 0)),
        ],
        out_specs=pl.BlockSpec((rb, hh), lambda i: (i, 0)),
        out_shape=jax.ShapeDtypeStruct((n, hh), jnp.float32),
    )(p, x, w1)


def _tc_mid(p, s1, g1, b1, w2, rb):
    n, hh = g1.shape

    def body(p_ref, s_ref, g_ref, b_ref, w_ref, out_ref):
        pp = p_ref[...]
        dv = lax.rsqrt(pp[0] + pp[1] + 1.0)
        ss = s_ref[...]
        h1 = jax.nn.relu(dv * (ss[0] + ss[1] + g_ref[...]) + b_ref[...])
        out_ref[...] = dv * jnp.dot(h1, w_ref[...],
                                    preferred_element_type=jnp.float32)

    return pl.pallas_call(
        body,
        grid=(n // rb,),
        in_specs=[
            pl.BlockSpec((2, rb, 1), lambda i: (0, i, 0)),
            pl.BlockSpec((2, rb, hh), lambda i: (0, i, 0)),
            pl.BlockSpec((rb, hh), lambda i: (i, 0)),
            pl.BlockSpec((1, hh), lambda i: (0, 0)),
            pl.BlockSpec((hh, hh), lambda i: (0, 0)),
        ],
        out_specs=pl.BlockSpec((rb, hh), lambda i: (i, 0)),
        out_shape=jax.ShapeDtypeStruct((n, hh), jnp.float32),
    )(p, s1, g1, b1, w2)


def _tc_final(p, s2, g2, b2, batch3, wlin, blin, rb, nseg):
    n, hh = g2.shape
    cc = wlin.shape[1]
    grid = n // rb

    def body(p_ref, s_ref, g_ref, b_ref, bat_ref, wl_ref, bl_ref, out_ref,
             acc, cnt):
        i = pl.program_id(0)

        @pl.when(i == 0)
        def _():
            acc[...] = jnp.zeros_like(acc)
            cnt[...] = jnp.zeros_like(cnt)

        pp = p_ref[...]
        dv = lax.rsqrt(pp[0] + pp[1] + 1.0)
        ss = s_ref[...]
        h2 = jax.nn.relu(dv * (ss[0] + ss[1] + g_ref[...]) + b_ref[...])
        bat = bat_ref[...].reshape(1, rb)
        seg = lax.broadcasted_iota(jnp.int32, (nseg, rb), 0)
        mask = (seg == jnp.broadcast_to(bat, (nseg, rb))).astype(jnp.float32)
        acc[...] += jnp.dot(mask, h2, preferred_element_type=jnp.float32)
        cnt[...] += jnp.sum(mask, axis=1, keepdims=True)

        @pl.when(i == grid - 1)
        def _():
            pooled = acc[...] / jnp.maximum(cnt[...], 1.0)
            out_ref[...] = jnp.dot(pooled, wl_ref[...],
                                   preferred_element_type=jnp.float32) \
                + bl_ref[...]

    return pl.pallas_call(
        body,
        grid=(grid,),
        in_specs=[
            pl.BlockSpec((2, rb, 1), lambda i: (0, i, 0)),
            pl.BlockSpec((2, rb, hh), lambda i: (0, i, 0)),
            pl.BlockSpec((rb, hh), lambda i: (i, 0)),
            pl.BlockSpec((1, hh), lambda i: (0, 0)),
            pl.BlockSpec((1, 1, rb), lambda i: (i, 0, 0)),
            pl.BlockSpec((hh, cc), lambda i: (0, 0)),
            pl.BlockSpec((1, cc), lambda i: (0, 0)),
        ],
        out_specs=pl.BlockSpec((nseg, cc), lambda i: (0, 0)),
        out_shape=jax.ShapeDtypeStruct((nseg, cc), jnp.float32),
        scratch_shapes=[
            pltpu.VMEM((nseg, hh), jnp.float32),
            pltpu.VMEM((nseg, 1), jnp.float32),
        ],
    )(p, s2, g2, b2, batch3, wlin, blin)


def kernel(x, edge_index, batch, W1, b1, W2, b2, Wlin, blin):
    n, d = x.shape
    e = edge_index.shape[1]
    hh = W1.shape[1]
    nseg = 64
    rb = 1000

    per_w = e // (NC * NS * KCH)
    per_wp = (per_w + 7) // 8 * 8
    npad = per_wp - per_w
    src2 = edge_index[0].reshape(NC * NS, per_w, KCH)
    dst2 = edge_index[1].reshape(NC * NS, per_w, KCH)
    if npad:
        spread = (jnp.arange(NC * NS * npad * KCH, dtype=jnp.int32)
                  .reshape(NC * NS, npad, KCH))
        src2 = jnp.concatenate([src2, spread * 2003 % n], axis=1)
        dst2 = jnp.concatenate([dst2, n + spread % 8], axis=1)
    src4 = src2.reshape(NC * NS, per_wp // 8, 8, KCH)
    dst4 = dst2.reshape(NC * NS, per_wp // 8, 8, KCH)
    zeros_r = jnp.zeros((RPT, hh), jnp.float32)
    ones_k = jnp.ones((KCH, 1), jnp.float32)
    zeros_d = jnp.zeros((RPT, 1), jnp.float32)
    batch3 = batch.reshape(n // rb, 1, rb)
    b1r = b1.reshape(1, hh)
    b2r = b2.reshape(1, hh)
    blr = blin.reshape(1, -1)

    p = _degree_partials(dst2, ones_k, zeros_d, n)
    g1 = _tc_pre(p, x, W1, rb)
    s1 = _aggregate_partials(g1, src4, dst4, zeros_r, n, hh)
    g2 = _tc_mid(p, s1, g1, b1r, W2, rb)
    s2 = _aggregate_partials(g2, src4, dst4, zeros_r, n, hh)
    return _tc_final(p, s2, g2, b2r, batch3, Wlin, blr, rb, nseg)

# --- scband reference (transcript-rebuilt; emitter-appended) ---
"""Pipeline reference for scband-gcn-26663156973940 (READ-ONLY COPY).

The authoritative reference and input builder live on the scoring server;
editing this copy changes nothing except your own understanding.
"""

import jax, jax.numpy as jnp
import numpy as np

N = 10000
E = 320000
D = 128
H = 128
C = 10
B = 64


def setup_inputs(seed: int = 0) -> dict:
    key = jax.random.key(seed)
    ks = jax.random.split(key, 10)
    x = jax.random.normal(ks[0], (N, D), dtype=jnp.float32)
    edge_index = jax.random.randint(ks[1], (2, E), 0, N, dtype=jnp.int32)
    batch = jnp.sort(jax.random.randint(ks[2], (N,), 0, B, dtype=jnp.int32))
    W1 = jax.random.normal(ks[3], (D, H), dtype=jnp.float32) * (1.0 / np.sqrt(D))
    b1 = jnp.zeros((H,), dtype=jnp.float32)
    W2 = jax.random.normal(ks[4], (H, H), dtype=jnp.float32) * (1.0 / np.sqrt(H))
    b2 = jnp.zeros((H,), dtype=jnp.float32)
    Wlin = jax.random.normal(ks[5], (H, C), dtype=jnp.float32) * (1.0 / np.sqrt(H))
    blin = jnp.zeros((C,), dtype=jnp.float32)
    return {"x": x, "edge_index": edge_index, "batch": batch,
            "W1": W1, "b1": b1, "W2": W2, "b2": b2, "Wlin": Wlin, "blin": blin}


def _gcn_conv(x, edge_index, W, b):
    # GCNConv with normalize=True: add self-loops, symmetric deg normalization,
    # linear transform, scatter-add aggregation, bias.
    n = x.shape[0]
    loop = jnp.arange(n, dtype=edge_index.dtype)
    src = jnp.concatenate([edge_index[0], loop])
    dst = jnp.concatenate([edge_index[1], loop])
    deg = jnp.zeros((n,), dtype=x.dtype).at[dst].add(1.0)
    dinv = jnp.where(deg > 0, deg ** -0.5, 0.0)
    norm = dinv[src] * dinv[dst]
    h = x @ W
    out = jnp.zeros((n, W.shape[1]), dtype=x.dtype).at[dst].add(norm[:, None] * h[src])
    return out + b


def reference(x, edge_index, batch, W1, b1, W2, b2, Wlin, blin):
    h = jax.nn.relu(_gcn_conv(x, edge_index, W1, b1))
    # dropout p=0.0 -> identity
    h = jax.nn.relu(_gcn_conv(h, edge_index, W2, b2))
    # global average pooling per graph (segment mean over batch ids)
    sums = jax.ops.segment_sum(h, batch, num_segments=B)
    counts = jax.ops.segment_sum(jnp.ones((h.shape[0],), dtype=h.dtype), batch, num_segments=B)
    pooled = sums / jnp.maximum(counts, 1.0)[:, None]
    logits = pooled @ Wlin + blin
    return logits

if __name__ == "__main__":
    import jax
    _d = setup_inputs()
    print(jax.jit(kernel)(*tuple(_d.values())))

</pallas_src>

<mosaic_0001>
#map = affine_map<(d0, d1) -> (0, 0, 0)>
#map1 = affine_map<(d0, d1) -> (0, 0)>
module attributes {stable_mosaic.version = 14 : i64} {
  func.func @k(%arg0: i32, %arg1: i32, %arg2: memref<32x128x80xi32, #tpu.memory_space<hbm>>, %arg3: memref<80x1xf32, #tpu.memory_space<hbm>>, %arg4: memref<640x1xf32, #tpu.memory_space<hbm>>, %arg5: memref<2x10000x1xf32, #tpu.memory_space<hbm>>, %arg6: memref<128x80xi32, #tpu.memory_space<vmem>>, %arg7: memref<80x1xf32, #tpu.memory_space<vmem>>, %arg8: memref<10008x1xf32, #tpu.memory_space<vmem_shared>>) attributes {dimension_semantics = [#tpu.dimension_semantics<core_parallel>, #tpu.dimension_semantics<subcore_parallel>], iteration_bounds = array<i64: 2, 16>, scalar_prefetch = 0 : i64, scratch_operands = 3 : i64, tpu.core_type = #tpu.core_type<sc_vector_subcore>, window_params = [{transform_indices = #map}, {transform_indices = #map1}, {transform_indices = #map1}, {transform_indices = #map}]} {
    %mul3A = arith.constant 16 : i32
    %mul3A_0 = arith.muli %arg0, %mul3A : i32
    %add3A = arith.addi %mul3A_0, %arg1 : i32
    "tpu.region"() ({
      %run_scoped3A = tpu.sem_alloc : memref<!tpu.dma_semaphore, #tpu.memory_space<semaphore_mem>>
      tpu.enqueue_dma source(%arg3 : memref<80x1xf32, #tpu.memory_space<hbm>>) target(%arg7 : memref<80x1xf32, #tpu.memory_space<vmem>>) target_semaphore(%run_scoped3A : memref<!tpu.dma_semaphore, #tpu.memory_space<semaphore_mem>>)
      tpu.wait_dma2 semaphore(%run_scoped3A : memref<!tpu.dma_semaphore, #tpu.memory_space<semaphore_mem>>) src(%arg3 : memref<80x1xf32, #tpu.memory_space<hbm>>) dst(%arg7 : memref<80x1xf32, #tpu.memory_space<vmem>>)
      tpu.yield
    }) : () -> ()
    "tpu.region"() ({
      %run_scoped3A = tpu.sem_alloc : memref<!tpu.dma_semaphore, #tpu.memory_space<semaphore_mem>>
      %dma_start3A = arith.constant 0 : i32
      %dma_start3A_24 = arith.constant 0 : i32
      %dma_start3A_25 = tpu.memref_slice %arg2[%add3A, %dma_start3A, %dma_start3A_24] : memref<32x128x80xi32, #tpu.memory_space<hbm>> -> memref<1x128x80xi32, #tpu.memory_space<hbm>>
      %dma_start3A_26 = tpu.memref_squeeze %dma_start3A_25 : memref<1x128x80xi32, #tpu.memory_space<hbm>> -> memref<128x80xi32, #tpu.memory_space<hbm>>
      %dma_start3A_27 = arith.constant 0 : i32
      %dma_start3A_28 = arith.constant 0 : i32
      %dma_start3A_29 = tpu.memref_slice %arg2[%add3A, %dma_start3A_27, %dma_start3A_28] : memref<32x128x80xi32, #tpu.memory_space<hbm>> -> memref<1x128x80xi32, #tpu.memory_space<hbm>>
      %dma_start3A_30 = tpu.memref_squeeze %dma_start3A_29 : memref<1x128x80xi32, #tpu.memory_space<hbm>> -> memref<128x80xi32, #tpu.memory_space<hbm>>
      tpu.enqueue_dma source(%dma_start3A_30 : memref<128x80xi32, #tpu.memory_space<hbm>>) target(%arg6 : memref<128x80xi32, #tpu.memory_space<vmem>>) target_semaphore(%run_scoped3A : memref<!tpu.dma_semaphore, #tpu.memory_space<semaphore_mem>>)
      %dma_wait3A = arith.constant 0 : i32
      %dma_wait3A_31 = arith.constant 0 : i32
      %dma_wait3A_32 = tpu.memref_slice %arg2[%add3A, %dma_wait3A, %dma_wait3A_31] : memref<32x128x80xi32, #tpu.memory_space<hbm>> -> memref<1x128x80xi32, #tpu.memory_space<hbm>>
      %dma_wait3A_33 = tpu.memref_squeeze %dma_wait3A_32 : memref<1x128x80xi32, #tpu.memory_space<hbm>> -> memref<128x80xi32, #tpu.memory_space<hbm>>
      %dma_wait3A_34 = arith.constant 0 : i32
      %dma_wait3A_35 = arith.constant 0 : i32
      %dma_wait3A_36 = tpu.memref_slice %arg2[%add3A, %dma_wait3A_34, %dma_wait3A_35] : memref<32x128x80xi32, #tpu.memory_space<hbm>> -> memref<1x128x80xi32, #tpu.memory_space<hbm>>
      %dma_wait3A_37 = tpu.memref_squeeze %dma_wait3A_36 : memref<1x128x80xi32, #tpu.memory_space<hbm>> -> memref<128x80xi32, #tpu.memory_space<hbm>>
      tpu.wait_dma2 semaphore(%run_scoped3A : memref<!tpu.dma_semaphore, #tpu.memory_space<semaphore_mem>>) src(%dma_wait3A_37 : memref<128x80xi32, #tpu.memory_space<hbm>>) dst(%arg6 : memref<128x80xi32, #tpu.memory_space<vmem>>)
      tpu.yield
    }) : () -> ()
    %lt3A = arith.constant 15 : i32
    %lt3A_1 = arith.cmpi slt, %arg1, %lt3A : i32
    %convert_element_type3A = arith.extui %lt3A_1 : i1 to i32
    %cond3A = arith.constant 0 : i32
    %cond3A_2 = arith.cmpi ne, %convert_element_type3A, %cond3A : i32
    scf.if %cond3A_2 {
      %mul3A_24 = arith.constant 640 : i32
      %mul3A_25 = arith.muli %arg1, %mul3A_24 : i32
      "tpu.region"() ({
        %run_scoped3A = tpu.sem_alloc : memref<!tpu.dma_semaphore, #tpu.memory_space<semaphore_mem>>
        %dma_start3A = arith.constant 0 : i32
        %dma_start3A_26 = tpu.memref_slice %arg8[%mul3A_25, %dma_start3A] : memref<10008x1xf32, #tpu.memory_space<vmem_shared>> -> memref<640x1xf32, #tpu.memory_space<vmem_shared>>
        tpu.enqueue_dma source(%arg4 : memref<640x1xf32, #tpu.memory_space<hbm>>) target(%dma_start3A_26 : memref<640x1xf32, #tpu.memory_space<vmem_shared>>) target_semaphore(%run_scoped3A : memref<!tpu.dma_semaphore, #tpu.memory_space<semaphore_mem>>)
        %dma_wait3A = arith.constant 0 : i32
        %dma_wait3A_27 = tpu.memref_slice %arg8[%mul3A_25, %dma_wait3A] : memref<10008x1xf32, #tpu.memory_space<vmem_shared>> -> memref<640x1xf32, #tpu.memory_space<vmem_shared>>
        tpu.wait_dma2 semaphore(%run_scoped3A : memref<!tpu.dma_semaphore, #tpu.memory_space<semaphore_mem>>) src(%arg4 : memref<640x1xf32, #tpu.memory_space<hbm>>) dst(%dma_wait3A_27 : memref<640x1xf32, #tpu.memory_space<vmem_shared>>)
        tpu.yield
      }) : () -> ()
    } else {
    }
    %eq3A = arith.constant 15 : i32
    %eq3A_3 = arith.cmpi eq, %arg1, %eq3A : i32
    %convert_element_type3A_4 = arith.extui %eq3A_3 : i1 to i32
    %cond3A_5 = arith.constant 0 : i32
    %cond3A_6 = arith.cmpi ne, %convert_element_type3A_4, %cond3A_5 : i32
    scf.if %cond3A_6 {
      "tpu.region"() ({
        %run_scoped3A = tpu.sem_alloc : memref<!tpu.dma_semaphore, #tpu.memory_space<semaphore_mem>>
        %dma_start3A = arith.constant 9600 : i32
        %dma_start3A_24 = arith.constant 0 : i32
        %dma_start3A_25 = tpu.memref_slice %arg8[%dma_start3A, %dma_start3A_24] : memref<10008x1xf32, #tpu.memory_space<vmem_shared>> -> memref<400x1xf32, #tpu.memory_space<vmem_shared>>
        %dma_start3A_26 = arith.constant 0 : i32
        %dma_start3A_27 = arith.constant 0 : i32
        %dma_start3A_28 = tpu.memref_slice %arg4[%dma_start3A_26, %dma_start3A_27] : memref<640x1xf32, #tpu.memory_space<hbm>> -> memref<400x1xf32, #tpu.memory_space<hbm>>
        tpu.enqueue_dma source(%dma_start3A_28 : memref<400x1xf32, #tpu.memory_space<hbm>>) target(%dma_start3A_25 : memref<400x1xf32, #tpu.memory_space<vmem_shared>>) target_semaphore(%run_scoped3A : memref<!tpu.dma_semaphore, #tpu.memory_space<semaphore_mem>>)
        %dma_wait3A = arith.constant 9600 : i32
        %dma_wait3A_29 = arith.constant 0 : i32
        %dma_wait3A_30 = tpu.memref_slice %arg8[%dma_wait3A, %dma_wait3A_29] : memref<10008x1xf32, #tpu.memory_space<vmem_shared>> -> memref<400x1xf32, #tpu.memory_space<vmem_shared>>
        %dma_wait3A_31 = arith.constant 0 : i32
        %dma_wait3A_32 = arith.constant 0 : i32
        %dma_wait3A_33 = tpu.memref_slice %arg4[%dma_wait3A_31, %dma_wait3A_32] : memref<640x1xf32, #tpu.memory_space<hbm>> -> memref<400x1xf32, #tpu.memory_space<hbm>>
        tpu.wait_dma2 semaphore(%run_scoped3A : memref<!tpu.dma_semaphore, #tpu.memory_space<semaphore_mem>>) src(%dma_wait3A_33 : memref<400x1xf32, #tpu.memory_space<hbm>>) dst(%dma_wait3A_30 : memref<400x1xf32, #tpu.memory_space<vmem_shared>>)
        tpu.yield
      }) : () -> ()
    } else {
    }
    %barrier3A = arith.constant 0 : index
    tpu.barrier barrier_id(%barrier3A)
    %scan3A = arith.constant 0 : i32
    %scan3A_7 = arith.constant 0 : i32
    %scan3A_8 = arith.constant 128 : i32
    %scan3A_9 = arith.addi %scan3A_7, %scan3A_8 : i32
    %scan3A_10 = arith.constant 1 : i32
    %scan3A_11 = scf.for %scan3A_24 = %scan3A_7 to %scan3A_9 step %scan3A_10 iter_args(%scan3A_25 = %scan3A) -> (i32)  : i32 {
      "tpu.region"() ({
        %run_scoped3A = tpu.sem_alloc : memref<!tpu.dma_semaphore, #tpu.memory_space<semaphore_mem>>
        %dma_start3A = arith.constant 0 : i32
        %dma_start3A_27 = tpu.memref_slice %arg6[%scan3A_24, %dma_start3A] : memref<128x80xi32, #tpu.memory_space<vmem>> -> memref<1x80xi32, #tpu.memory_space<vmem>>
        %dma_start3A_28 = tpu.memref_squeeze %dma_start3A_27 : memref<1x80xi32, #tpu.memory_space<vmem>> -> memref<80xi32, #tpu.memory_space<vmem>>
        %dma_start3A_29 = arith.constant 0 : i32
        %dma_start3A_30 = arith.constant 0 : i32
        %dma_start3A_31 = tpu.memref_slice %arg8[%dma_start3A_29, %dma_start3A_30] : memref<10008x1xf32, #tpu.memory_space<vmem_shared>> -> memref<10008x1xf32, #tpu.memory_space<vmem_shared>>
        tpu.enqueue_indirect_dma source(%arg7 : memref<80x1xf32, #tpu.memory_space<vmem>>) target(%dma_start3A_31 : memref<10008x1xf32, #tpu.memory_space<vmem_shared>>) offsets(%dma_start3A_28 : memref<80xi32, #tpu.memory_space<vmem>>) semaphore(%run_scoped3A : memref<!tpu.dma_semaphore, #tpu.memory_space<semaphore_mem>>) {add = true}
        %dma_wait3A = arith.constant 0 : i32
        %dma_wait3A_32 = tpu.memref_slice %arg6[%scan3A_24, %dma_wait3A] : memref<128x80xi32, #tpu.memory_space<vmem>> -> memref<1x80xi32, #tpu.memory_space<vmem>>
        %dma_wait3A_33 = tpu.memref_squeeze %dma_wait3A_32 : memref<1x80xi32, #tpu.memory_space<vmem>> -> memref<80xi32, #tpu.memory_space<vmem>>
        %dma_wait3A_34 = arith.constant 0 : i32
        %dma_wait3A_35 = arith.constant 0 : i32
        %dma_wait3A_36 = tpu.memref_slice %arg8[%dma_wait3A_34, %dma_wait3A_35] : memref<10008x1xf32, #tpu.memory_space<vmem_shared>> -> memref<10008x1xf32, #tpu.memory_space<vmem_shared>>
        tpu.wait_indirect_dma semaphore(%run_scoped3A : memref<!tpu.dma_semaphore, #tpu.memory_space<semaphore_mem>>) src(%arg7 : memref<80x1xf32, #tpu.memory_space<vmem>>) dst(%dma_wait3A_36 : memref<10008x1xf32, #tpu.memory_space<vmem_shared>>)
        tpu.yield
      }) : () -> ()
      %scan3A_26 = arith.constant 0 : i32
      scf.yield %scan3A_26 : i32
    }
    %scan3A_12 = arith.constant 128 : i32
    %barrier3A_13 = arith.constant 0 : index
    tpu.barrier barrier_id(%barrier3A_13)
    %lt3A_14 = arith.constant 15 : i32
    %lt3A_15 = arith.cmpi slt, %arg1, %lt3A_14 : i32
    %convert_element_type3A_16 = arith.extui %lt3A_15 : i1 to i32
    %cond3A_17 = arith.constant 0 : i32
    %cond3A_18 = arith.cmpi ne, %convert_element_type3A_16, %cond3A_17 : i32
    scf.if %cond3A_18 {
      %mul3A_24 = arith.constant 640 : i32
      %mul3A_25 = arith.muli %arg1, %mul3A_24 : i32
      %mul3A_26 = arith.constant 640 : i32
      %mul3A_27 = arith.muli %arg1, %mul3A_26 : i32
      "tpu.region"() ({
        %run_scoped3A = tpu.sem_alloc : memref<!tpu.dma_semaphore, #tpu.memory_space<semaphore_mem>>
        %dma_start3A = arith.constant 0 : i32
        %dma_start3A_28 = tpu.memref_slice %arg5[%arg0, %mul3A_27, %dma_start3A] : memref<2x10000x1xf32, #tpu.memory_space<hbm>> -> memref<1x640x1xf32, #tpu.memory_space<hbm>>
        %dma_start3A_29 = tpu.memref_squeeze %dma_start3A_28 : memref<1x640x1xf32, #tpu.memory_space<hbm>> -> memref<640x1xf32, #tpu.memory_space<hbm>>
        %dma_start3A_30 = arith.constant 0 : i32
        %dma_start3A_31 = tpu.memref_slice %arg8[%mul3A_25, %dma_start3A_30] : memref<10008x1xf32, #tpu.memory_space<vmem_shared>> -> memref<640x1xf32, #tpu.memory_space<vmem_shared>>
        tpu.enqueue_dma source(%dma_start3A_31 : memref<640x1xf32, #tpu.memory_space<vmem_shared>>) target(%dma_start3A_29 : memref<640x1xf32, #tpu.memory_space<hbm>>) target_semaphore(%run_scoped3A : memref<!tpu.dma_semaphore, #tpu.memory_space<semaphore_mem>>)
        %dma_wait3A = arith.constant 0 : i32
        %dma_wait3A_32 = tpu.memref_slice %arg5[%arg0, %mul3A_27, %dma_wait3A] : memref<2x10000x1xf32, #tpu.memory_space<hbm>> -> memref<1x640x1xf32, #tpu.memory_space<hbm>>
        %dma_wait3A_33 = tpu.memref_squeeze %dma_wait3A_32 : memref<1x640x1xf32, #tpu.memory_space<hbm>> -> memref<640x1xf32, #tpu.memory_space<hbm>>
        %dma_wait3A_34 = arith.constant 0 : i32
        %dma_wait3A_35 = tpu.memref_slice %arg8[%mul3A_25, %dma_wait3A_34] : memref<10008x1xf32, #tpu.memory_space<vmem_shared>> -> memref<640x1xf32, #tpu.memory_space<vmem_shared>>
        tpu.wait_dma2 semaphore(%run_scoped3A : memref<!tpu.dma_semaphore, #tpu.memory_space<semaphore_mem>>) src(%dma_wait3A_35 : memref<640x1xf32, #tpu.memory_space<vmem_shared>>) dst(%dma_wait3A_33 : memref<640x1xf32, #tpu.memory_space<hbm>>)
        tpu.yield
      }) : () -> ()
    } else {
    }
    %eq3A_19 = arith.constant 15 : i32
    %eq3A_20 = arith.cmpi eq, %arg1, %eq3A_19 : i32
    %convert_element_type3A_21 = arith.extui %eq3A_20 : i1 to i32
    %cond3A_22 = arith.constant 0 : i32
    %cond3A_23 = arith.cmpi ne, %convert_element_type3A_21, %cond3A_22 : i32
    scf.if %cond3A_23 {
      "tpu.region"() ({
        %run_scoped3A = tpu.sem_alloc : memref<!tpu.dma_semaphore, #tpu.memory_space<semaphore_mem>>
        %dma_start3A = arith.constant 9600 : i32
        %dma_start3A_24 = arith.constant 0 : i32
        %dma_start3A_25 = tpu.memref_slice %arg5[%arg0, %dma_start3A, %dma_start3A_24] : memref<2x10000x1xf32, #tpu.memory_space<hbm>> -> memref<1x400x1xf32, #tpu.memory_space<hbm>>
        %dma_start3A_26 = tpu.memref_squeeze %dma_start3A_25 : memref<1x400x1xf32, #tpu.memory_space<hbm>> -> memref<400x1xf32, #tpu.memory_space<hbm>>
        %dma_start3A_27 = arith.constant 9600 : i32
        %dma_start3A_28 = arith.constant 0 : i32
        %dma_start3A_29 = tpu.memref_slice %arg8[%dma_start3A_27, %dma_start3A_28] : memref<10008x1xf32, #tpu.memory_space<vmem_shared>> -> memref<400x1xf32, #tpu.memory_space<vmem_shared>>
        tpu.enqueue_dma source(%dma_start3A_29 : memref<400x1xf32, #tpu.memory_space<vmem_shared>>) target(%dma_start3A_26 : memref<400x1xf32, #tpu.memory_space<hbm>>) target_semaphore(%run_scoped3A : memref<!tpu.dma_semaphore, #tpu.memory_space<semaphore_mem>>)
        %dma_wait3A = arith.constant 9600 : i32
        %dma_wait3A_30 = arith.constant 0 : i32
        %dma_wait3A_31 = tpu.memref_slice %arg5[%arg0, %dma_wait3A, %dma_wait3A_30] : memref<2x10000x1xf32, #tpu.memory_space<hbm>> -> memref<1x400x1xf32, #tpu.memory_space<hbm>>
        %dma_wait3A_32 = tpu.memref_squeeze %dma_wait3A_31 : memref<1x400x1xf32, #tpu.memory_space<hbm>> -> memref<400x1xf32, #tpu.memory_space<hbm>>
        %dma_wait3A_33 = arith.constant 9600 : i32
        %dma_wait3A_34 = arith.constant 0 : i32
        %dma_wait3A_35 = tpu.memref_slice %arg8[%dma_wait3A_33, %dma_wait3A_34] : memref<10008x1xf32, #tpu.memory_space<vmem_shared>> -> memref<400x1xf32, #tpu.memory_space<vmem_shared>>
        tpu.wait_dma2 semaphore(%run_scoped3A : memref<!tpu.dma_semaphore, #tpu.memory_space<semaphore_mem>>) src(%dma_wait3A_35 : memref<400x1xf32, #tpu.memory_space<vmem_shared>>) dst(%dma_wait3A_32 : memref<400x1xf32, #tpu.memory_space<hbm>>)
        tpu.yield
      }) : () -> ()
    } else {
    }
    return
  }
}

#map = affine_map<(d0, d1) -> (0, 0)>
#map1 = affine_map<(d0, d1) -> (0, 0, 0, 0)>
#map2 = affine_map<(d0, d1) -> (0, 0, 0)>
module attributes {stable_mosaic.version = 14 : i64} {
  func.func @k(%arg0: i32, %arg1: i32, %arg2: memref<10000x128xf32, #tpu.memory_space<hbm>>, %arg3: memref<32x16x8x80xi32, #tpu.memory_space<hbm>>, %arg4: memref<32x16x8x80xi32, #tpu.memory_space<hbm>>, %arg5: memref<640x128xf32, #tpu.memory_space<hbm>>, %arg6: memref<2x10000x128xf32, #tpu.memory_space<hbm>>, %arg7: memref<8x80xi32, #tpu.memory_space<vmem>>, %arg8: memref<8x80xi32, #tpu.memory_space<vmem>>, %arg9: memref<80x128xf32, #tpu.memory_space<vmem>>, %arg10: memref<80x128xf32, #tpu.memory_space<vmem>>, %arg11: memref<10008x128xf32, #tpu.memory_space<vmem_shared>>, %arg12: memref<!tpu.dma_semaphore, #tpu.memory_space<semaphore_mem>>, %arg13: memref<!tpu.dma_semaphore, #tpu.memory_space<semaphore_mem>>) attributes {dimension_semantics = [#tpu.dimension_semantics<core_parallel>, #tpu.dimension_semantics<subcore_parallel>], iteration_bounds = array<i64: 2, 16>, scalar_prefetch = 0 : i64, scratch_operands = 7 : i64, tpu.core_type = #tpu.core_type<sc_vector_subcore>, window_params = [{transform_indices = #map}, {transform_indices = #map1}, {transform_indices = #map1}, {transform_indices = #map}, {transform_indices = #map2}]} {
    %mul3A = arith.constant 16 : i32
    %mul3A_0 = arith.muli %arg0, %mul3A : i32
    %add3A = arith.addi %mul3A_0, %arg1 : i32
    %lt3A = arith.constant 15 : i32
    %lt3A_1 = arith.cmpi slt, %arg1, %lt3A : i32
    %convert_element_type3A = arith.extui %lt3A_1 : i1 to i32
    %cond3A = arith.constant 0 : i32
    %cond3A_2 = arith.cmpi ne, %convert_element_type3A, %cond3A : i32
    scf.if %cond3A_2 {
      %mul3A_24 = arith.constant 640 : i32
      %mul3A_25 = arith.muli %arg1, %mul3A_24 : i32
      "tpu.region"() ({
        %run_scoped3A = tpu.sem_alloc : memref<!tpu.dma_semaphore, #tpu.memory_space<semaphore_mem>>
        %dma_start3A = arith.constant 0 : i32
        %dma_start3A_26 = tpu.memref_slice %arg11[%mul3A_25, %dma_start3A] : memref<10008x128xf32, #tpu.memory_space<vmem_shared>> -> memref<640x128xf32, #tpu.memory_space<vmem_shared>>
        tpu.enqueue_dma source(%arg5 : memref<640x128xf32, #tpu.memory_space<hbm>>) target(%dma_start3A_26 : memref<640x128xf32, #tpu.memory_space<vmem_shared>>) target_semaphore(%run_scoped3A : memref<!tpu.dma_semaphore, #tpu.memory_space<semaphore_mem>>)
        %dma_wait3A = arith.constant 0 : i32
        %dma_wait3A_27 = tpu.memref_slice %arg11[%mul3A_25, %dma_wait3A] : memref<10008x128xf32, #tpu.memory_space<vmem_shared>> -> memref<640x128xf32, #tpu.memory_space<vmem_shared>>
        tpu.wait_dma2 semaphore(%run_scoped3A : memref<!tpu.dma_semaphore, #tpu.memory_space<semaphore_mem>>) src(%arg5 : memref<640x128xf32, #tpu.memory_space<hbm>>) dst(%dma_wait3A_27 : memref<640x128xf32, #tpu.memory_space<vmem_shared>>)
        tpu.yield
      }) : () -> ()
    } else {
    }
    %eq3A = arith.constant 15 : i32
    %eq3A_3 = arith.cmpi eq, %arg1, %eq3A : i32
    %convert_element_type3A_4 = arith.extui %eq3A_3 : i1 to i32
    %cond3A_5 = arith.constant 0 : i32
    %cond3A_6 = arith.cmpi ne, %convert_element_type3A_4, %cond3A_5 : i32
    scf.if %cond3A_6 {
      "tpu.region"() ({
        %run_scoped3A = tpu.sem_alloc : memref<!tpu.dma_semaphore, #tpu.memory_space<semaphore_mem>>
        %dma_start3A = arith.constant 9600 : i32
        %dma_start3A_24 = arith.constant 0 : i32
        %dma_start3A_25 = tpu.memref_slice %arg11[%dma_start3A, %dma_start3A_24] : memref<10008x128xf32, #tpu.memory_space<vmem_shared>> -> memref<400x128xf32, #tpu.memory_space<vmem_shared>>
        %dma_start3A_26 = arith.constant 0 : i32
        %dma_start3A_27 = arith.constant 0 : i32
        %dma_start3A_28 = tpu.memref_slice %arg5[%dma_start3A_26, %dma_start3A_27] : memref<640x128xf32, #tpu.memory_space<hbm>> -> memref<400x128xf32, #tpu.memory_space<hbm>>
        tpu.enqueue_dma source(%dma_start3A_28 : memref<400x128xf32, #tpu.memory_space<hbm>>) target(%dma_start3A_25 : memref<400x128xf32, #tpu.memory_space<vmem_shared>>) target_semaphore(%run_scoped3A : memref<!tpu.dma_semaphore, #tpu.memory_space<semaphore_mem>>)
        %dma_wait3A = arith.constant 9600 : i32
        %dma_wait3A_29 = arith.constant 0 : i32
        %dma_wait3A_30 = tpu.memref_slice %arg11[%dma_wait3A, %dma_wait3A_29] : memref<10008x128xf32, #tpu.memory_space<vmem_shared>> -> memref<400x128xf32, #tpu.memory_space<vmem_shared>>
        %dma_wait3A_31 = arith.constant 0 : i32
        %dma_wait3A_32 = arith.constant 0 : i32
        %dma_wait3A_33 = tpu.memref_slice %arg5[%dma_wait3A_31, %dma_wait3A_32] : memref<640x128xf32, #tpu.memory_space<hbm>> -> memref<400x128xf32, #tpu.memory_space<hbm>>
        tpu.wait_dma2 semaphore(%run_scoped3A : memref<!tpu.dma_semaphore, #tpu.memory_space<semaphore_mem>>) src(%dma_wait3A_33 : memref<400x128xf32, #tpu.memory_space<hbm>>) dst(%dma_wait3A_30 : memref<400x128xf32, #tpu.memory_space<vmem_shared>>)
        tpu.yield
      }) : () -> ()
      "tpu.region"() ({
        %run_scoped3A = tpu.sem_alloc : memref<!tpu.dma_semaphore, #tpu.memory_space<semaphore_mem>>
        %dma_start3A = arith.constant 10000 : i32
        %dma_start3A_24 = arith.constant 0 : i32
        %dma_start3A_25 = tpu.memref_slice %arg11[%dma_start3A, %dma_start3A_24] : memref<10008x128xf32, #tpu.memory_space<vmem_shared>> -> memref<8x128xf32, #tpu.memory_space<vmem_shared>>
        %dma_start3A_26 = arith.constant 0 : i32
        %dma_start3A_27 = arith.constant 0 : i32
        %dma_start3A_28 = tpu.memref_slice %arg5[%dma_start3A_26, %dma_start3A_27] : memref<640x128xf32, #tpu.memory_space<hbm>> -> memref<8x128xf32, #tpu.memory_space<hbm>>
        tpu.enqueue_dma source(%dma_start3A_28 : memref<8x128xf32, #tpu.memory_space<hbm>>) target(%dma_start3A_25 : memref<8x128xf32, #tpu.memory_space<vmem_shared>>) target_semaphore(%run_scoped3A : memref<!tpu.dma_semaphore, #tpu.memory_space<semaphore_mem>>)
        %dma_wait3A = arith.constant 10000 : i32
        %dma_wait3A_29 = arith.constant 0 : i32
        %dma_wait3A_30 = tpu.memref_slice %arg11[%dma_wait3A, %dma_wait3A_29] : memref<10008x128xf32, #tpu.memory_space<vmem_shared>> -> memref<8x128xf32, #tpu.memory_space<vmem_shared>>
        %dma_wait3A_31 = arith.constant 0 : i32
        %dma_wait3A_32 = arith.constant 0 : i32
        %dma_wait3A_33 = tpu.memref_slice %arg5[%dma_wait3A_31, %dma_wait3A_32] : memref<640x128xf32, #tpu.memory_space<hbm>> -> memref<8x128xf32, #tpu.memory_space<hbm>>
        tpu.wait_dma2 semaphore(%run_scoped3A : memref<!tpu.dma_semaphore, #tpu.memory_space<semaphore_mem>>) src(%dma_wait3A_33 : memref<8x128xf32, #tpu.memory_space<hbm>>) dst(%dma_wait3A_30 : memref<8x128xf32, #tpu.memory_space<vmem_shared>>)
        tpu.yield
      }) : () -> ()
    } else {
    }
    %barrier3A = arith.constant 0 : index
    tpu.barrier barrier_id(%barrier3A)
    %scan3A = arith.constant 0 : i32
    %scan3A_7 = arith.constant 0 : i32
    %scan3A_8 = arith.constant 16 : i32
    %scan3A_9 = arith.addi %scan3A_7, %scan3A_8 : i32
    %scan3A_10 = arith.constant 1 : i32
    %scan3A_11 = scf.for %scan3A_24 = %scan3A_7 to %scan3A_9 step %scan3A_10 iter_args(%scan3A_25 = %scan3A) -> (i32)  : i32 {
      "tpu.region"() ({
        %run_scoped3A_144 = tpu.sem_alloc : memref<!tpu.dma_semaphore, #tpu.memory_space<semaphore_mem>>
        %dma_start3A_145 = arith.constant 0 : i32
        %dma_start3A_146 = arith.constant 0 : i32
        %dma_start3A_147 = tpu.memref_slice %arg3[%add3A, %scan3A_24, %dma_start3A_145, %dma_start3A_146] : memref<32x16x8x80xi32, #tpu.memory_space<hbm>> -> memref<1x1x8x80xi32, #tpu.memory_space<hbm>>
        %dma_start3A_148 = tpu.memref_squeeze %dma_start3A_147 : memref<1x1x8x80xi32, #tpu.memory_space<hbm>> -> memref<8x80xi32, #tpu.memory_space<hbm>>
        %dma_start3A_149 = arith.constant 0 : i32
        %dma_start3A_150 = arith.constant 0 : i32
        %dma_start3A_151 = tpu.memref_slice %arg3[%add3A, %scan3A_24, %dma_start3A_149, %dma_start3A_150] : memref<32x16x8x80xi32, #tpu.memory_space<hbm>> -> memref<1x1x8x80xi32, #tpu.memory_space<hbm>>
        %dma_start3A_152 = tpu.memref_squeeze %dma_start3A_151 : memref<1x1x8x80xi32, #tpu.memory_space<hbm>> -> memref<8x80xi32, #tpu.memory_space<hbm>>
        tpu.enqueue_dma source(%dma_start3A_152 : memref<8x80xi32, #tpu.memory_space<hbm>>) target(%arg7 : memref<8x80xi32, #tpu.memory_space<vmem>>) target_semaphore(%run_scoped3A_144 : memref<!tpu.dma_semaphore, #tpu.memory_space<semaphore_mem>>)
        %dma_wait3A_153 = arith.constant 0 : i32
        %dma_wait3A_154 = arith.constant 0 : i32
        %dma_wait3A_155 = tpu.memref_slice %arg3[%add3A, %scan3A_24, %dma_wait3A_153, %dma_wait3A_154] : memref<32x16x8x80xi32, #tpu.memory_space<hbm>> -> memref<1x1x8x80xi32, #tpu.memory_space<hbm>>
        %dma_wait3A_156 = tpu.memref_squeeze %dma_wait3A_155 : memref<1x1x8x80xi32, #tpu.memory_space<hbm>> -> memref<8x80xi32, #tpu.memory_space<hbm>>
        %dma_wait3A_157 = arith.constant 0 : i32
        %dma_wait3A_158 = arith.constant 0 : i32
        %dma_wait3A_159 = tpu.memref_slice %arg3[%add3A, %scan3A_24, %dma_wait3A_157, %dma_wait3A_158] : memref<32x16x8x80xi32, #tpu.memory_space<hbm>> -> memref<1x1x8x80xi32, #tpu.memory_space<hbm>>
        %dma_wait3A_160 = tpu.memref_squeeze %dma_wait3A_159 : memref<1x1x8x80xi32, #tpu.memory_space<hbm>> -> memref<8x80xi32, #tpu.memory_space<hbm>>
        tpu.wait_dma2 semaphore(%run_scoped3A_144 : memref<!tpu.dma_semaphore, #tpu.memory_space<semaphore_mem>>) src(%dma_wait3A_160 : memref<8x80xi32, #tpu.memory_space<hbm>>) dst(%arg7 : memref<8x80xi32, #tpu.memory_space<vmem>>)
        tpu.yield
      }) : () -> ()
      "tpu.region"() ({
        %run_scoped3A_144 = tpu.sem_alloc : memref<!tpu.dma_semaphore, #tpu.memory_space<semaphore_mem>>
        %dma_start3A_145 = arith.constant 0 : i32
        %dma_start3A_146 = arith.constant 0 : i32
        %dma_start3A_147 = tpu.memref_slice %arg4[%add3A, %scan3A_24, %dma_start3A_145, %dma_start3A_146] : memref<32x16x8x80xi32, #tpu.memory_space<hbm>> -> memref<1x1x8x80xi32, #tpu.memory_space<hbm>>
        %dma_start3A_148 = tpu.memref_squeeze %dma_start3A_147 : memref<1x1x8x80xi32, #tpu.memory_space<hbm>> -> memref<8x80xi32, #tpu.memory_space<hbm>>
        %dma_start3A_149 = arith.constant 0 : i32
        %dma_start3A_150 = arith.constant 0 : i32
        %dma_start3A_151 = tpu.memref_slice %arg4[%add3A, %scan3A_24, %dma_start3A_149, %dma_start3A_150] : memref<32x16x8x80xi32, #tpu.memory_space<hbm>> -> memref<1x1x8x80xi32, #tpu.memory_space<hbm>>
        %dma_start3A_152 = tpu.memref_squeeze %dma_start3A_151 : memref<1x1x8x80xi32, #tpu.memory_space<hbm>> -> memref<8x80xi32, #tpu.memory_space<hbm>>
        tpu.enqueue_dma source(%dma_start3A_152 : memref<8x80xi32, #tpu.memory_space<hbm>>) target(%arg8 : memref<8x80xi32, #tpu.memory_space<vmem>>) target_semaphore(%run_scoped3A_144 : memref<!tpu.dma_semaphore, #tpu.memory_space<semaphore_mem>>)
        %dma_wait3A_153 = arith.constant 0 : i32
        %dma_wait3A_154 = arith.constant 0 : i32
        %dma_wait3A_155 = tpu.memref_slice %arg4[%add3A, %scan3A_24, %dma_wait3A_153, %dma_wait3A_154] : memref<32x16x8x80xi32, #tpu.memory_space<hbm>> -> memref<1x1x8x80xi32, #tpu.memory_space<hbm>>
        %dma_wait3A_156 = tpu.memref_squeeze %dma_wait3A_155 : memref<1x1x8x80xi32, #tpu.memory_space<hbm>> -> memref<8x80xi32, #tpu.memory_space<hbm>>
        %dma_wait3A_157 = arith.constant 0 : i32
        %dma_wait3A_158 = arith.constant 0 : i32
        %dma_wait3A_159 = tpu.memref_slice %arg4[%add3A, %scan3A_24, %dma_wait3A_157, %dma_wait3A_158] : memref<32x16x8x80xi32, #tpu.memory_space<hbm>> -> memref<1x1x8x80xi32, #tpu.memory_space<hbm>>
        %dma_wait3A_160 = tpu.memref_squeeze %dma_wait3A_159 : memref<1x1x8x80xi32, #tpu.memory_space<hbm>> -> memref<8x80xi32, #tpu.memory_space<hbm>>
        tpu.wait_dma2 semaphore(%run_scoped3A_144 : memref<!tpu.dma_semaphore, #tpu.memory_space<semaphore_mem>>) src(%dma_wait3A_160 : memref<8x80xi32, #tpu.memory_space<hbm>>) dst(%arg8 : memref<8x80xi32, #tpu.memory_space<vmem>>)
        tpu.yield
      }) : () -> ()
      %dma_start3A = arith.constant 0 : i32
      %dma_start3A_26 = arith.constant 0 : i32
      %dma_start3A_27 = tpu.memref_slice %arg7[%dma_start3A, %dma_start3A_26] : memref<8x80xi32, #tpu.memory_space<vmem>> -> memref<1x80xi32, #tpu.memory_space<vmem>>
      %dma_start3A_28 = tpu.memref_squeeze %dma_start3A_27 : memref<1x80xi32, #tpu.memory_space<vmem>> -> memref<80xi32, #tpu.memory_space<vmem>>
      %dma_start3A_29 = arith.constant 0 : i32
      %dma_start3A_30 = arith.constant 0 : i32
      %dma_start3A_31 = tpu.memref_slice %arg2[%dma_start3A_29, %dma_start3A_30] : memref<10000x128xf32, #tpu.memory_space<hbm>> -> memref<10000x128xf32, #tpu.memory_space<hbm>>
      tpu.enqueue_indirect_dma source(%dma_start3A_31 : memref<10000x128xf32, #tpu.memory_space<hbm>>) target(%arg9 : memref<80x128xf32, #tpu.memory_space<vmem>>) offsets(%dma_start3A_28 : memref<80xi32, #tpu.memory_space<vmem>>) semaphore(%arg12 : memref<!tpu.dma_semaphore, #tpu.memory_space<semaphore_mem>>)
      %dma_wait3A = arith.constant 0 : i32
      %dma_wait3A_32 = arith.constant 0 : i32
      %dma_wait3A_33 = tpu.memref_slice %arg7[%dma_wait3A, %dma_wait3A_32] : memref<8x80xi32, #tpu.memory_space<vmem>> -> memref<1x80xi32, #tpu.memory_space<vmem>>
      %dma_wait3A_34 = tpu.memref_squeeze %dma_wait3A_33 : memref<1x80xi32, #tpu.memory_space<vmem>> -> memref<80xi32, #tpu.memory_space<vmem>>
      %dma_wait3A_35 = arith.constant 0 : i32
      %dma_wait3A_36 = arith.constant 0 : i32
      %dma_wait3A_37 = tpu.memref_slice %arg2[%dma_wait3A_35, %dma_wait3A_36] : memref<10000x128xf32, #tpu.memory_space<hbm>> -> memref<10000x128xf32, #tpu.memory_space<hbm>>
      tpu.wait_indirect_dma semaphore(%arg12 : memref<!tpu.dma_semaphore, #tpu.memory_space<semaphore_mem>>) src(%dma_wait3A_37 : memref<10000x128xf32, #tpu.memory_space<hbm>>) dst(%arg9 : memref<80x128xf32, #tpu.memory_space<vmem>>)
      %dma_start3A_38 = arith.constant 1 : i32
      %dma_start3A_39 = arith.constant 0 : i32
      %dma_start3A_40 = tpu.memref_slice %arg7[%dma_start3A_38, %dma_start3A_39] : memref<8x80xi32, #tpu.memory_space<vmem>> -> memref<1x80xi32, #tpu.memory_space<vmem>>
      %dma_start3A_41 = tpu.memref_squeeze %dma_start3A_40 : memref<1x80xi32, #tpu.memory_space<vmem>> -> memref<80xi32, #tpu.memory_space<vmem>>
      %dma_start3A_42 = arith.constant 0 : i32
      %dma_start3A_43 = arith.constant 0 : i32
      %dma_start3A_44 = tpu.memref_slice %arg2[%dma_start3A_42, %dma_start3A_43] : memref<10000x128xf32, #tpu.memory_space<hbm>> -> memref<10000x128xf32, #tpu.memory_space<hbm>>
      tpu.enqueue_indirect_dma source(%dma_start3A_44 : memref<10000x128xf32, #tpu.memory_space<hbm>>) target(%arg10 : memref<80x128xf32, #tpu.memory_space<vmem>>) offsets(%dma_start3A_41 : memref<80xi32, #tpu.memory_space<vmem>>) semaphore(%arg13 : memref<!tpu.dma_semaphore, #tpu.memory_space<semaphore_mem>>)
      %run_scoped3A = arith.constant 0 : i32
      "tpu.region"() ({
        %run_scoped3A_144 = tpu.sem_alloc : memref<!tpu.dma_semaphore, #tpu.memory_space<semaphore_mem>>
        %dma_start3A_145 = arith.constant 0 : i32
        %dma_start3A_146 = tpu.memref_slice %arg8[%run_scoped3A, %dma_start3A_145] : memref<8x80xi32, #tpu.memory_space<vmem>> -> memref<1x80xi32, #tpu.memory_space<vmem>>
        %dma_start3A_147 = tpu.memref_squeeze %dma_start3A_146 : memref<1x80xi32, #tpu.memory_space<vmem>> -> memref<80xi32, #tpu.memory_space<vmem>>
        %dma_start3A_148 = arith.constant 0 : i32
        %dma_start3A_149 = arith.constant 0 : i32
        %dma_start3A_150 = tpu.memref_slice %arg11[%dma_start3A_148, %dma_start3A_149] : memref<10008x128xf32, #tpu.memory_space<vmem_shared>> -> memref<10008x128xf32, #tpu.memory_space<vmem_shared>>
        tpu.enqueue_indirect_dma source(%arg9 : memref<80x128xf32, #tpu.memory_space<vmem>>) target(%dma_start3A_150 : memref<10008x128xf32, #tpu.memory_space<vmem_shared>>) offsets(%dma_start3A_147 : memref<80xi32, #tpu.memory_space<vmem>>) semaphore(%run_scoped3A_144 : memref<!tpu.dma_semaphore, #tpu.memory_space<semaphore_mem>>) {add = true}
        %dma_wait3A_151 = arith.constant 0 : i32
        %dma_wait3A_152 = tpu.memref_slice %arg8[%run_scoped3A, %dma_wait3A_151] : memref<8x80xi32, #tpu.memory_space<vmem>> -> memref<1x80xi32, #tpu.memory_space<vmem>>
        %dma_wait3A_153 = tpu.memref_squeeze %dma_wait3A_152 : memref<1x80xi32, #tpu.memory_space<vmem>> -> memref<80xi32, #tpu.memory_space<vmem>>
        %dma_wait3A_154 = arith.constant 0 : i32
        %dma_wait3A_155 = arith.constant 0 : i32
        %dma_wait3A_156 = tpu.memref_slice %arg11[%dma_wait3A_154, %dma_wait3A_155] : memref<10008x128xf32, #tpu.memory_space<vmem_shared>> -> memref<10008x128xf32, #tpu.memory_space<vmem_shared>>
        tpu.wait_indirect_dma semaphore(%run_scoped3A_144 : memref<!tpu.dma_semaphore, #tpu.memory_space<semaphore_mem>>) src(%arg9 : memref<80x128xf32, #tpu.memory_space<vmem>>) dst(%dma_wait3A_156 : memref<10008x128xf32, #tpu.memory_space<vmem_shared>>)
        tpu.yield
      }) : () -> ()
      %dma_wait3A_45 = arith.constant 1 : i32
      %dma_wait3A_46 = arith.constant 0 : i32
      %dma_wait3A_47 = tpu.memref_slice %arg7[%dma_wait3A_45, %dma_wait3A_46] : memref<8x80xi32, #tpu.memory_space<vmem>> -> memref<1x80xi32, #tpu.memory_space<vmem>>
      %dma_wait3A_48 = tpu.memref_squeeze %dma_wait3A_47 : memref<1x80xi32, #tpu.memory_space<vmem>> -> memref<80xi32, #tpu.memory_space<vmem>>
      %dma_wait3A_49 = arith.constant 0 : i32
      %dma_wait3A_50 = arith.constant 0 : i32
      %dma_wait3A_51 = tpu.memref_slice %arg2[%dma_wait3A_49, %dma_wait3A_50] : memref<10000x128xf32, #tpu.memory_space<hbm>> -> memref<10000x128xf32, #tpu.memory_space<hbm>>
      tpu.wait_indirect_dma semaphore(%arg13 : memref<!tpu.dma_semaphore, #tpu.memory_space<semaphore_mem>>) src(%dma_wait3A_51 : memref<10000x128xf32, #tpu.memory_space<hbm>>) dst(%arg10 : memref<80x128xf32, #tpu.memory_space<vmem>>)
      %dma_start3A_52 = arith.constant 2 : i32
      %dma_start3A_53 = arith.constant 0 : i32
      %dma_start3A_54 = tpu.memref_slice %arg7[%dma_start3A_52, %dma_start3A_53] : memref<8x80xi32, #tpu.memory_space<vmem>> -> memref<1x80xi32, #tpu.memory_space<vmem>>
      %dma_start3A_55 = tpu.memref_squeeze %dma_start3A_54 : memref<1x80xi32, #tpu.memory_space<vmem>> -> memref<80xi32, #tpu.memory_space<vmem>>
      %dma_start3A_56 = arith.constant 0 : i32
      %dma_start3A_57 = arith.constant 0 : i32
      %dma_start3A_58 = tpu.memref_slice %arg2[%dma_start3A_56, %dma_start3A_57] : memref<10000x128xf32, #tpu.memory_space<hbm>> -> memref<10000x128xf32, #tpu.memory_space<hbm>>
      tpu.enqueue_indirect_dma source(%dma_start3A_58 : memref<10000x128xf32, #tpu.memory_space<hbm>>) target(%arg9 : memref<80x128xf32, #tpu.memory_space<vmem>>) offsets(%dma_start3A_55 : memref<80xi32, #tpu.memory_space<vmem>>) semaphore(%arg12 : memref<!tpu.dma_semaphore, #tpu.memory_space<semaphore_mem>>)
      %run_scoped3A_59 = arith.constant 1 : i32
      "tpu.region"() ({
        %run_scoped3A_144 = tpu.sem_alloc : memref<!tpu.dma_semaphore, #tpu.memory_space<semaphore_mem>>
        %dma_start3A_145 = arith.constant 0 : i32
        %dma_start3A_146 = tpu.memref_slice %arg8[%run_scoped3A_59, %dma_start3A_145] : memref<8x80xi32, #tpu.memory_space<vmem>> -> memref<1x80xi32, #tpu.memory_space<vmem>>
        %dma_start3A_147 = tpu.memref_squeeze %dma_start3A_146 : memref<1x80xi32, #tpu.memory_space<vmem>> -> memref<80xi32, #tpu.memory_space<vmem>>
        %dma_start3A_148 = arith.constant 0 : i32
        %dma_start3A_149 = arith.constant 0 : i32
        %dma_start3A_150 = tpu.memref_slice %arg11[%dma_start3A_148, %dma_start3A_149] : memref<10008x128xf32, #tpu.memory_space<vmem_shared>> -> memref<10008x128xf32, #tpu.memory_space<vmem_shared>>
        tpu.enqueue_indirect_dma source(%arg10 : memref<80x128xf32, #tpu.memory_space<vmem>>) target(%dma_start3A_150 : memref<10008x128xf32, #tpu.memory_space<vmem_shared>>) offsets(%dma_start3A_147 : memref<80xi32, #tpu.memory_space<vmem>>) semaphore(%run_scoped3A_144 : memref<!tpu.dma_semaphore, #tpu.memory_space<semaphore_mem>>) {add = true}
        %dma_wait3A_151 = arith.constant 0 : i32
        %dma_wait3A_152 = tpu.memref_slice %arg8[%run_scoped3A_59, %dma_wait3A_151] : memref<8x80xi32, #tpu.memory_space<vmem>> -> memref<1x80xi32, #tpu.memory_space<vmem>>
        %dma_wait3A_153 = tpu.memref_squeeze %dma_wait3A_152 : memref<1x80xi32, #tpu.memory_space<vmem>> -> memref<80xi32, #tpu.memory_space<vmem>>
        %dma_wait3A_154 = arith.constant 0 : i32
        %dma_wait3A_155 = arith.constant 0 : i32
        %dma_wait3A_156 = tpu.memref_slice %arg11[%dma_wait3A_154, %dma_wait3A_155] : memref<10008x128xf32, #tpu.memory_space<vmem_shared>> -> memref<10008x128xf32, #tpu.memory_space<vmem_shared>>
        tpu.wait_indirect_dma semaphore(%run_scoped3A_144 : memref<!tpu.dma_semaphore, #tpu.memory_space<semaphore_mem>>) src(%arg10 : memref<80x128xf32, #tpu.memory_space<vmem>>) dst(%dma_wait3A_156 : memref<10008x128xf32, #tpu.memory_space<vmem_shared>>)
        tpu.yield
      }) : () -> ()
      %dma_wait3A_60 = arith.constant 2 : i32
      %dma_wait3A_61 = arith.constant 0 : i32
      %dma_wait3A_62 = tpu.memref_slice %arg7[%dma_wait3A_60, %dma_wait3A_61] : memref<8x80xi32, #tpu.memory_space<vmem>> -> memref<1x80xi32, #tpu.memory_space<vmem>>
      %dma_wait3A_63 = tpu.memref_squeeze %dma_wait3A_62 : memref<1x80xi32, #tpu.memory_space<vmem>> -> memref<80xi32, #tpu.memory_space<vmem>>
      %dma_wait3A_64 = arith.constant 0 : i32
      %dma_wait3A_65 = arith.constant 0 : i32
      %dma_wait3A_66 = tpu.memref_slice %arg2[%dma_wait3A_64, %dma_wait3A_65] : memref<10000x128xf32, #tpu.memory_space<hbm>> -> memref<10000x128xf32, #tpu.memory_space<hbm>>
      tpu.wait_indirect_dma semaphore(%arg12 : memref<!tpu.dma_semaphore, #tpu.memory_space<semaphore_mem>>) src(%dma_wait3A_66 : memref<10000x128xf32, #tpu.memory_space<hbm>>) dst(%arg9 : memref<80x128xf32, #tpu.memory_space<vmem>>)
      %dma_start3A_67 = arith.constant 3 : i32
      %dma_start3A_68 = arith.constant 0 : i32
      %dma_start3A_69 = tpu.memref_slice %arg7[%dma_start3A_67, %dma_start3A_68] : memref<8x80xi32, #tpu.memory_space<vmem>> -> memref<1x80xi32, #tpu.memory_space<vmem>>
      %dma_start3A_70 = tpu.memref_squeeze %dma_start3A_69 : memref<1x80xi32, #tpu.memory_space<vmem>> -> memref<80xi32, #tpu.memory_space<vmem>>
      %dma_start3A_71 = arith.constant 0 : i32
      %dma_start3A_72 = arith.constant 0 : i32
      %dma_start3A_73 = tpu.memref_slice %arg2[%dma_start3A_71, %dma_start3A_72] : memref<10000x128xf32, #tpu.memory_space<hbm>> -> memref<10000x128xf32, #tpu.memory_space<hbm>>
      tpu.enqueue_indirect_dma source(%dma_start3A_73 : memref<10000x128xf32, #tpu.memory_space<hbm>>) target(%arg10 : memref<80x128xf32, #tpu.memory_space<vmem>>) offsets(%dma_start3A_70 : memref<80xi32, #tpu.memory_space<vmem>>) semaphore(%arg13 : memref<!tpu.dma_semaphore, #tpu.memory_space<semaphore_mem>>)
      %run_scoped3A_74 = arith.constant 2 : i32
      "tpu.region"() ({
        %run_scoped3A_144 = tpu.sem_alloc : memref<!tpu.dma_semaphore, #tpu.memory_space<semaphore_mem>>
        %dma_start3A_145 = arith.constant 0 : i32
        %dma_start3A_146 = tpu.memref_slice %arg8[%run_scoped3A_74, %dma_start3A_145] : memref<8x80xi32, #tpu.memory_space<vmem>> -> memref<1x80xi32, #tpu.memory_space<vmem>>
        %dma_start3A_147 = tpu.memref_squeeze %dma_start3A_146 : memref<1x80xi32, #tpu.memory_space<vmem>> -> memref<80xi32, #tpu.memory_space<vmem>>
        %dma_start3A_148 = arith.constant 0 : i32
        %dma_start3A_149 = arith.constant 0 : i32
        %dma_start3A_150 = tpu.memref_slice %arg11[%dma_start3A_148, %dma_start3A_149] : memref<10008x128xf32, #tpu.memory_space<vmem_shared>> -> memref<10008x128xf32, #tpu.memory_space<vmem_shared>>
        tpu.enqueue_indirect_dma source(%arg9 : memref<80x128xf32, #tpu.memory_space<vmem>>) target(%dma_start3A_150 : memref<10008x128xf32, #tpu.memory_space<vmem_shared>>) offsets(%dma_start3A_147 : memref<80xi32, #tpu.memory_space<vmem>>) semaphore(%run_scoped3A_144 : memref<!tpu.dma_semaphore, #tpu.memory_space<semaphore_mem>>) {add = true}
        %dma_wait3A_151 = arith.constant 0 : i32
        %dma_wait3A_152 = tpu.memref_slice %arg8[%run_scoped3A_74, %dma_wait3A_151] : memref<8x80xi32, #tpu.memory_space<vmem>> -> memref<1x80xi32, #tpu.memory_space<vmem>>
        %dma_wait3A_153 = tpu.memref_squeeze %dma_wait3A_152 : memref<1x80xi32, #tpu.memory_space<vmem>> -> memref<80xi32, #tpu.memory_space<vmem>>
        %dma_wait3A_154 = arith.constant 0 : i32
        %dma_wait3A_155 = arith.constant 0 : i32
        %dma_wait3A_156 = tpu.memref_slice %arg11[%dma_wait3A_154, %dma_wait3A_155] : memref<10008x128xf32, #tpu.memory_space<vmem_shared>> -> memref<10008x128xf32, #tpu.memory_space<vmem_shared>>
        tpu.wait_indirect_dma semaphore(%run_scoped3A_144 : memref<!tpu.dma_semaphore, #tpu.memory_space<semaphore_mem>>) src(%arg9 : memref<80x128xf32, #tpu.memory_space<vmem>>) dst(%dma_wait3A_156 : memref<10008x128xf32, #tpu.memory_space<vmem_shared>>)
        tpu.yield
      }) : () -> ()
      %dma_wait3A_75 = arith.constant 3 : i32
      %dma_wait3A_76 = arith.constant 0 : i32
      %dma_wait3A_77 = tpu.memref_slice %arg7[%dma_wait3A_75, %dma_wait3A_76] : memref<8x80xi32, #tpu.memory_space<vmem>> -> memref<1x80xi32, #tpu.memory_space<vmem>>
      %dma_wait3A_78 = tpu.memref_squeeze %dma_wait3A_77 : memref<1x80xi32, #tpu.memory_space<vmem>> -> memref<80xi32, #tpu.memory_space<vmem>>
      %dma_wait3A_79 = arith.constant 0 : i32
      %dma_wait3A_80 = arith.constant 0 : i32
      %dma_wait3A_81 = tpu.memref_slice %arg2[%dma_wait3A_79, %dma_wait3A_80] : memref<10000x128xf32, #tpu.memory_space<hbm>> -> memref<10000x128xf32, #tpu.memory_space<hbm>>
      tpu.wait_indirect_dma semaphore(%arg13 : memref<!tpu.dma_semaphore, #tpu.memory_space<semaphore_mem>>) src(%dma_wait3A_81 : memref<10000x128xf32, #tpu.memory_space<hbm>>) dst(%arg10 : memref<80x128xf32, #tpu.memory_space<vmem>>)
      %dma_start3A_82 = arith.constant 4 : i32
      %dma_start3A_83 = arith.constant 0 : i32
      %dma_start3A_84 = tpu.memref_slice %arg7[%dma_start3A_82, %dma_start3A_83] : memref<8x80xi32, #tpu.memory_space<vmem>> -> memref<1x80xi32, #tpu.memory_space<vmem>>
      %dma_start3A_85 = tpu.memref_squeeze %dma_start3A_84 : memref<1x80xi32, #tpu.memory_space<vmem>> -> memref<80xi32, #tpu.memory_space<vmem>>
      %dma_start3A_86 = arith.constant 0 : i32
      %dma_start3A_87 = arith.constant 0 : i32
      %dma_start3A_88 = tpu.memref_slice %arg2[%dma_start3A_86, %dma_start3A_87] : memref<10000x128xf32, #tpu.memory_space<hbm>> -> memref<10000x128xf32, #tpu.memory_space<hbm>>
      tpu.enqueue_indirect_dma source(%dma_start3A_88 : memref<10000x128xf32, #tpu.memory_space<hbm>>) target(%arg9 : memref<80x128xf32, #tpu.memory_space<vmem>>) offsets(%dma_start3A_85 : memref<80xi32, #tpu.memory_space<vmem>>) semaphore(%arg12 : memref<!tpu.dma_semaphore, #tpu.memory_space<semaphore_mem>>)
      %run_scoped3A_89 = arith.constant 3 : i32
      "tpu.region"() ({
        %run_scoped3A_144 = tpu.sem_alloc : memref<!tpu.dma_semaphore, #tpu.memory_space<semaphore_mem>>
        %dma_start3A_145 = arith.constant 0 : i32
        %dma_start3A_146 = tpu.memref_slice %arg8[%run_scoped3A_89, %dma_start3A_145] : memref<8x80xi32, #tpu.memory_space<vmem>> -> memref<1x80xi32, #tpu.memory_space<vmem>>
        %dma_start3A_147 = tpu.memref_squeeze %dma_start3A_146 : memref<1x80xi32, #tpu.memory_space<vmem>> -> memref<80xi32, #tpu.memory_space<vmem>>
        %dma_start3A_148 = arith.constant 0 : i32
        %dma_start3A_149 = arith.constant 0 : i32
        %dma_start3A_150 = tpu.memref_slice %arg11[%dma_start3A_148, %dma_start3A_149] : memref<10008x128xf32, #tpu.memory_space<vmem_shared>> -> memref<10008x128xf32, #tpu.memory_space<vmem_shared>>
        tpu.enqueue_indirect_dma source(%arg10 : memref<80x128xf32, #tpu.memory_space<vmem>>) target(%dma_start3A_150 : memref<10008x128xf32, #tpu.memory_space<vmem_shared>>) offsets(%dma_start3A_147 : memref<80xi32, #tpu.memory_space<vmem>>) semaphore(%run_scoped3A_144 : memref<!tpu.dma_semaphore, #tpu.memory_space<semaphore_mem>>) {add = true}
        %dma_wait3A_151 = arith.constant 0 : i32
        %dma_wait3A_152 = tpu.memref_slice %arg8[%run_scoped3A_89, %dma_wait3A_151] : memref<8x80xi32, #tpu.memory_space<vmem>> -> memref<1x80xi32, #tpu.memory_space<vmem>>
        %dma_wait3A_153 = tpu.memref_squeeze %dma_wait3A_152 : memref<1x80xi32, #tpu.memory_space<vmem>> -> memref<80xi32, #tpu.memory_space<vmem>>
        %dma_wait3A_154 = arith.constant 0 : i32
        %dma_wait3A_155 = arith.constant 0 : i32
        %dma_wait3A_156 = tpu.memref_slice %arg11[%dma_wait3A_154, %dma_wait3A_155] : memref<10008x128xf32, #tpu.memory_space<vmem_shared>> -> memref<10008x128xf32, #tpu.memory_space<vmem_shared>>
        tpu.wait_indirect_dma semaphore(%run_scoped3A_144 : memref<!tpu.dma_semaphore, #tpu.memory_space<semaphore_mem>>) src(%arg10 : memref<80x128xf32, #tpu.memory_space<vmem>>) dst(%dma_wait3A_156 : memref<10008x128xf32, #tpu.memory_space<vmem_shared>>)
        tpu.yield
      }) : () -> ()
      %dma_wait3A_90 = arith.constant 4 : i32
      %dma_wait3A_91 = arith.constant 0 : i32
      %dma_wait3A_92 = tpu.memref_slice %arg7[%dma_wait3A_90, %dma_wait3A_91] : memref<8x80xi32, #tpu.memory_space<vmem>> -> memref<1x80xi32, #tpu.memory_space<vmem>>
      %dma_wait3A_93 = tpu.memref_squeeze %dma_wait3A_92 : memref<1x80xi32, #tpu.memory_space<vmem>> -> memref<80xi32, #tpu.memory_space<vmem>>
      %dma_wait3A_94 = arith.constant 0 : i32
      %dma_wait3A_95 = arith.constant 0 : i32
      %dma_wait3A_96 = tpu.memref_slice %arg2[%dma_wait3A_94, %dma_wait3A_95] : memref<10000x128xf32, #tpu.memory_space<hbm>> -> memref<10000x128xf32, #tpu.memory_space<hbm>>
      tpu.wait_indirect_dma semaphore(%arg12 : memref<!tpu.dma_semaphore, #tpu.memory_space<semaphore_mem>>) src(%dma_wait3A_96 : memref<10000x128xf32, #tpu.memory_space<hbm>>) dst(%arg9 : memref<80x128xf32, #tpu.memory_space<vmem>>)
      %dma_start3A_97 = arith.constant 5 : i32
      %dma_start3A_98 = arith.constant 0 : i32
      %dma_start3A_99 = tpu.memref_slice %arg7[%dma_start3A_97, %dma_start3A_98] : memref<8x80xi32, #tpu.memory_space<vmem>> -> memref<1x80xi32, #tpu.memory_space<vmem>>
      %dma_start3A_100 = tpu.memref_squeeze %dma_start3A_99 : memref<1x80xi32, #tpu.memory_space<vmem>> -> memref<80xi32, #tpu.memory_space<vmem>>
      %dma_start3A_101 = arith.constant 0 : i32
      %dma_start3A_102 = arith.constant 0 : i32
      %dma_start3A_103 = tpu.memref_slice %arg2[%dma_start3A_101, %dma_start3A_102] : memref<10000x128xf32, #tpu.memory_space<hbm>> -> memref<10000x128xf32, #tpu.memory_space<hbm>>
      tpu.enqueue_indirect_dma source(%dma_start3A_103 : memref<10000x128xf32, #tpu.memory_space<hbm>>) target(%arg10 : memref<80x128xf32, #tpu.memory_space<vmem>>) offsets(%dma_start3A_100 : memref<80xi32, #tpu.memory_space<vmem>>) semaphore(%arg13 : memref<!tpu.dma_semaphore, #tpu.memory_space<semaphore_mem>>)
      %run_scoped3A_104 = arith.constant 4 : i32
      "tpu.region"() ({
        %run_scoped3A_144 = tpu.sem_alloc : memref<!tpu.dma_semaphore, #tpu.memory_space<semaphore_mem>>
        %dma_start3A_145 = arith.constant 0 : i32
        %dma_start3A_146 = tpu.memref_slice %arg8[%run_scoped3A_104, %dma_start3A_145] : memref<8x80xi32, #tpu.memory_space<vmem>> -> memref<1x80xi32, #tpu.memory_space<vmem>>
        %dma_start3A_147 = tpu.memref_squeeze %dma_start3A_146 : memref<1x80xi32, #tpu.memory_space<vmem>> -> memref<80xi32, #tpu.memory_space<vmem>>
        %dma_start3A_148 = arith.constant 0 : i32
        %dma_start3A_149 = arith.constant 0 : i32
        %dma_start3A_150 = tpu.memref_slice %arg11[%dma_start3A_148, %dma_start3A_149] : memref<10008x128xf32, #tpu.memory_space<vmem_shared>> -> memref<10008x128xf32, #tpu.memory_space<vmem_shared>>
        tpu.enqueue_indirect_dma source(%arg9 : memref<80x128xf32, #tpu.memory_space<vmem>>) target(%dma_start3A_150 : memref<10008x128xf32, #tpu.memory_space<vmem_shared>>) offsets(%dma_start3A_147 : memref<80xi32, #tpu.memory_space<vmem>>) semaphore(%run_scoped3A_144 : memref<!tpu.dma_semaphore, #tpu.memory_space<semaphore_mem>>) {add = true}
        %dma_wait3A_151 = arith.constant 0 : i32
        %dma_wait3A_152 = tpu.memref_slice %arg8[%run_scoped3A_104, %dma_wait3A_151] : memref<8x80xi32, #tpu.memory_space<vmem>> -> memref<1x80xi32, #tpu.memory_space<vmem>>
        %dma_wait3A_153 = tpu.memref_squeeze %dma_wait3A_152 : memref<1x80xi32, #tpu.memory_space<vmem>> -> memref<80xi32, #tpu.memory_space<vmem>>
        %dma_wait3A_154 = arith.constant 0 : i32
        %dma_wait3A_155 = arith.constant 0 : i32
        %dma_wait3A_156 = tpu.memref_slice %arg11[%dma_wait3A_154, %dma_wait3A_155] : memref<10008x128xf32, #tpu.memory_space<vmem_shared>> -> memref<10008x128xf32, #tpu.memory_space<vmem_shared>>
        tpu.wait_indirect_dma semaphore(%run_scoped3A_144 : memref<!tpu.dma_semaphore, #tpu.memory_space<semaphore_mem>>) src(%arg9 : memref<80x128xf32, #tpu.memory_space<vmem>>) dst(%dma_wait3A_156 : memref<10008x128xf32, #tpu.memory_space<vmem_shared>>)
        tpu.yield
      }) : () -> ()
      %dma_wait3A_105 = arith.constant 5 : i32
      %dma_wait3A_106 = arith.constant 0 : i32
      %dma_wait3A_107 = tpu.memref_slice %arg7[%dma_wait3A_105, %dma_wait3A_106] : memref<8x80xi32, #tpu.memory_space<vmem>> -> memref<1x80xi32, #tpu.memory_space<vmem>>
      %dma_wait3A_108 = tpu.memref_squeeze %dma_wait3A_107 : memref<1x80xi32, #tpu.memory_space<vmem>> -> memref<80xi32, #tpu.memory_space<vmem>>
      %dma_wait3A_109 = arith.constant 0 : i32
      %dma_wait3A_110 = arith.constant 0 : i32
      %dma_wait3A_111 = tpu.memref_slice %arg2[%dma_wait3A_109, %dma_wait3A_110] : memref<10000x128xf32, #tpu.memory_space<hbm>> -> memref<10000x128xf32, #tpu.memory_space<hbm>>
      tpu.wait_indirect_dma semaphore(%arg13 : memref<!tpu.dma_semaphore, #tpu.memory_space<semaphore_mem>>) src(%dma_wait3A_111 : memref<10000x128xf32, #tpu.memory_space<hbm>>) dst(%arg10 : memref<80x128xf32, #tpu.memory_space<vmem>>)
      %dma_start3A_112 = arith.constant 6 : i32
      %dma_start3A_113 = arith.constant 0 : i32
      %dma_start3A_114 = tpu.memref_slice %arg7[%dma_start3A_112, %dma_start3A_113] : memref<8x80xi32, #tpu.memory_space<vmem>> -> memref<1x80xi32, #tpu.memory_space<vmem>>
      %dma_start3A_115 = tpu.memref_squeeze %dma_start3A_114 : memref<1x80xi32, #tpu.memory_space<vmem>> -> memref<80xi32, #tpu.memory_space<vmem>>
      %dma_start3A_116 = arith.constant 0 : i32
      %dma_start3A_117 = arith.constant 0 : i32
      %dma_start3A_118 = tpu.memref_slice %arg2[%dma_start3A_116, %dma_start3A_117] : memref<10000x128xf32, #tpu.memory_space<hbm>> -> memref<10000x128xf32, #tpu.memory_space<hbm>>
      tpu.enqueue_indirect_dma source(%dma_start3A_118 : memref<10000x128xf32, #tpu.memory_space<hbm>>) target(%arg9 : memref<80x128xf32, #tpu.memory_space<vmem>>) offsets(%dma_start3A_115 : memref<80xi32, #tpu.memory_space<vmem>>) semaphore(%arg12 : memref<!tpu.dma_semaphore, #tpu.memory_space<semaphore_mem>>)
      %run_scoped3A_119 = arith.constant 5 : i32
      "tpu.region"() ({
        %run_scoped3A_144 = tpu.sem_alloc : memref<!tpu.dma_semaphore, #tpu.memory_space<semaphore_mem>>
        %dma_start3A_145 = arith.constant 0 : i32
        %dma_start3A_146 = tpu.memref_slice %arg8[%run_scoped3A_119, %dma_start3A_145] : memref<8x80xi32, #tpu.memory_space<vmem>> -> memref<1x80xi32, #tpu.memory_space<vmem>>
        %dma_start3A_147 = tpu.memref_squeeze %dma_start3A_146 : memref<1x80xi32, #tpu.memory_space<vmem>> -> memref<80xi32, #tpu.memory_space<vmem>>
        %dma_start3A_148 = arith.constant 0 : i32
        %dma_start3A_149 = arith.constant 0 : i32
        %dma_start3A_150 = tpu.memref_slice %arg11[%dma_start3A_148, %dma_start3A_149] : memref<10008x128xf32, #tpu.memory_space<vmem_shared>> -> memref<10008x128xf32, #tpu.memory_space<vmem_shared>>
        tpu.enqueue_indirect_dma source(%arg10 : memref<80x128xf32, #tpu.memory_space<vmem>>) target(%dma_start3A_150 : memref<10008x128xf32, #tpu.memory_space<vmem_shared>>) offsets(%dma_start3A_147 : memref<80xi32, #tpu.memory_space<vmem>>) semaphore(%run_scoped3A_144 : memref<!tpu.dma_semaphore, #tpu.memory_space<semaphore_mem>>) {add = true}
        %dma_wait3A_151 = arith.constant 0 : i32
        %dma_wait3A_152 = tpu.memref_slice %arg8[%run_scoped3A_119, %dma_wait3A_151] : memref<8x80xi32, #tpu.memory_space<vmem>> -> memref<1x80xi32, #tpu.memory_space<vmem>>
        %dma_wait3A_153 = tpu.memref_squeeze %dma_wait3A_152 : memref<1x80xi32, #tpu.memory_space<vmem>> -> memref<80xi32, #tpu.memory_space<vmem>>
        %dma_wait3A_154 = arith.constant 0 : i32
        %dma_wait3A_155 = arith.constant 0 : i32
        %dma_wait3A_156 = tpu.memref_slice %arg11[%dma_wait3A_154, %dma_wait3A_155] : memref<10008x128xf32, #tpu.memory_space<vmem_shared>> -> memref<10008x128xf32, #tpu.memory_space<vmem_shared>>
        tpu.wait_indirect_dma semaphore(%run_scoped3A_144 : memref<!tpu.dma_semaphore, #tpu.memory_space<semaphore_mem>>) src(%arg10 : memref<80x128xf32, #tpu.memory_space<vmem>>) dst(%dma_wait3A_156 : memref<10008x128xf32, #tpu.memory_space<vmem_shared>>)
        tpu.yield
      }) : () -> ()
      %dma_wait3A_120 = arith.constant 6 : i32
      %dma_wait3A_121 = arith.constant 0 : i32
      %dma_wait3A_122 = tpu.memref_slice %arg7[%dma_wait3A_120, %dma_wait3A_121] : memref<8x80xi32, #tpu.memory_space<vmem>> -> memref<1x80xi32, #tpu.memory_space<vmem>>
      %dma_wait3A_123 = tpu.memref_squeeze %dma_wait3A_122 : memref<1x80xi32, #tpu.memory_space<vmem>> -> memref<80xi32, #tpu.memory_space<vmem>>
      %dma_wait3A_124 = arith.constant 0 : i32
      %dma_wait3A_125 = arith.constant 0 : i32
      %dma_wait3A_126 = tpu.memref_slice %arg2[%dma_wait3A_124, %dma_wait3A_125] : memref<10000x128xf32, #tpu.memory_space<hbm>> -> memref<10000x128xf32, #tpu.memory_space<hbm>>
      tpu.wait_indirect_dma semaphore(%arg12 : memref<!tpu.dma_semaphore, #tpu.memory_space<semaphore_mem>>) src(%dma_wait3A_126 : memref<10000x128xf32, #tpu.memory_space<hbm>>) dst(%arg9 : memref<80x128xf32, #tpu.memory_space<vmem>>)
      %dma_start3A_127 = arith.constant 7 : i32
      %dma_start3A_128 = arith.constant 0 : i32
      %dma_start3A_129 = tpu.memref_slice %arg7[%dma_start3A_127, %dma_start3A_128] : memref<8x80xi32, #tpu.memory_space<vmem>> -> memref<1x80xi32, #tpu.memory_space<vmem>>
      %dma_start3A_130 = tpu.memref_squeeze %dma_start3A_129 : memref<1x80xi32, #tpu.memory_space<vmem>> -> memref<80xi32, #tpu.memory_space<vmem>>
      %dma_start3A_131 = arith.constant 0 : i32
      %dma_start3A_132 = arith.constant 0 : i32
      %dma_start3A_133 = tpu.memref_slice %arg2[%dma_start3A_131, %dma_start3A_132] : memref<10000x128xf32, #tpu.memory_space<hbm>> -> memref<10000x128xf32, #tpu.memory_space<hbm>>
      tpu.enqueue_indirect_dma source(%dma_start3A_133 : memref<10000x128xf32, #tpu.memory_space<hbm>>) target(%arg10 : memref<80x128xf32, #tpu.memory_space<vmem>>) offsets(%dma_start3A_130 : memref<80xi32, #tpu.memory_space<vmem>>) semaphore(%arg13 : memref<!tpu.dma_semaphore, #tpu.memory_space<semaphore_mem>>)
      %run_scoped3A_134 = arith.constant 6 : i32
      "tpu.region"() ({
        %run_scoped3A_144 = tpu.sem_alloc : memref<!tpu.dma_semaphore, #tpu.memory_space<semaphore_mem>>
        %dma_start3A_145 = arith.constant 0 : i32
        %dma_start3A_146 = tpu.memref_slice %arg8[%run_scoped3A_134, %dma_start3A_145] : memref<8x80xi32, #tpu.memory_space<vmem>> -> memref<1x80xi32, #tpu.memory_space<vmem>>
        %dma_start3A_147 = tpu.memref_squeeze %dma_start3A_146 : memref<1x80xi32, #tpu.memory_space<vmem>> -> memref<80xi32, #tpu.memory_space<vmem>>
        %dma_start3A_148 = arith.constant 0 : i32
        %dma_start3A_149 = arith.constant 0 : i32
        %dma_start3A_150 = tpu.memref_slice %arg11[%dma_start3A_148, %dma_start3A_149] : memref<10008x128xf32, #tpu.memory_space<vmem_shared>> -> memref<10008x128xf32, #tpu.memory_space<vmem_shared>>
        tpu.enqueue_indirect_dma source(%arg9 : memref<80x128xf32, #tpu.memory_space<vmem>>) target(%dma_start3A_150 : memref<10008x128xf32, #tpu.memory_space<vmem_shared>>) offsets(%dma_start3A_147 : memref<80xi32, #tpu.memory_space<vmem>>) semaphore(%run_scoped3A_144 : memref<!tpu.dma_semaphore, #tpu.memory_space<semaphore_mem>>) {add = true}
        %dma_wait3A_151 = arith.constant 0 : i32
        %dma_wait3A_152 = tpu.memref_slice %arg8[%run_scoped3A_134, %dma_wait3A_151] : memref<8x80xi32, #tpu.memory_space<vmem>> -> memref<1x80xi32, #tpu.memory_space<vmem>>
        %dma_wait3A_153 = tpu.memref_squeeze %dma_wait3A_152 : memref<1x80xi32, #tpu.memory_space<vmem>> -> memref<80xi32, #tpu.memory_space<vmem>>
        %dma_wait3A_154 = arith.constant 0 : i32
        %dma_wait3A_155 = arith.constant 0 : i32
        %dma_wait3A_156 = tpu.memref_slice %arg11[%dma_wait3A_154, %dma_wait3A_155] : memref<10008x128xf32, #tpu.memory_space<vmem_shared>> -> memref<10008x128xf32, #tpu.memory_space<vmem_shared>>
        tpu.wait_indirect_dma semaphore(%run_scoped3A_144 : memref<!tpu.dma_semaphore, #tpu.memory_space<semaphore_mem>>) src(%arg9 : memref<80x128xf32, #tpu.memory_space<vmem>>) dst(%dma_wait3A_156 : memref<10008x128xf32, #tpu.memory_space<vmem_shared>>)
        tpu.yield
      }) : () -> ()
      %dma_wait3A_135 = arith.constant 7 : i32
      %dma_wait3A_136 = arith.constant 0 : i32
      %dma_wait3A_137 = tpu.memref_slice %arg7[%dma_wait3A_135, %dma_wait3A_136] : memref<8x80xi32, #tpu.memory_space<vmem>> -> memref<1x80xi32, #tpu.memory_space<vmem>>
      %dma_wait3A_138 = tpu.memref_squeeze %dma_wait3A_137 : memref<1x80xi32, #tpu.memory_space<vmem>> -> memref<80xi32, #tpu.memory_space<vmem>>
      %dma_wait3A_139 = arith.constant 0 : i32
      %dma_wait3A_140 = arith.constant 0 : i32
      %dma_wait3A_141 = tpu.memref_slice %arg2[%dma_wait3A_139, %dma_wait3A_140] : memref<10000x128xf32, #tpu.memory_space<hbm>> -> memref<10000x128xf32, #tpu.memory_space<hbm>>
      tpu.wait_indirect_dma semaphore(%arg13 : memref<!tpu.dma_semaphore, #tpu.memory_space<semaphore_mem>>) src(%dma_wait3A_141 : memref<10000x128xf32, #tpu.memory_space<hbm>>) dst(%arg10 : memref<80x128xf32, #tpu.memory_space<vmem>>)
      %run_scoped3A_142 = arith.constant 7 : i32
      "tpu.region"() ({
        %run_scoped3A_144 = tpu.sem_alloc : memref<!tpu.dma_semaphore, #tpu.memory_space<semaphore_mem>>
        %dma_start3A_145 = arith.constant 0 : i32
        %dma_start3A_146 = tpu.memref_slice %arg8[%run_scoped3A_142, %dma_start3A_145] : memref<8x80xi32, #tpu.memory_space<vmem>> -> memref<1x80xi32, #tpu.memory_space<vmem>>
        %dma_start3A_147 = tpu.memref_squeeze %dma_start3A_146 : memref<1x80xi32, #tpu.memory_space<vmem>> -> memref<80xi32, #tpu.memory_space<vmem>>
        %dma_start3A_148 = arith.constant 0 : i32
        %dma_start3A_149 = arith.constant 0 : i32
        %dma_start3A_150 = tpu.memref_slice %arg11[%dma_start3A_148, %dma_start3A_149] : memref<10008x128xf32, #tpu.memory_space<vmem_shared>> -> memref<10008x128xf32, #tpu.memory_space<vmem_shared>>
        tpu.enqueue_indirect_dma source(%arg10 : memref<80x128xf32, #tpu.memory_space<vmem>>) target(%dma_start3A_150 : memref<10008x128xf32, #tpu.memory_space<vmem_shared>>) offsets(%dma_start3A_147 : memref<80xi32, #tpu.memory_space<vmem>>) semaphore(%run_scoped3A_144 : memref<!tpu.dma_semaphore, #tpu.memory_space<semaphore_mem>>) {add = true}
        %dma_wait3A_151 = arith.constant 0 : i32
        %dma_wait3A_152 = tpu.memref_slice %arg8[%run_scoped3A_142, %dma_wait3A_151] : memref<8x80xi32, #tpu.memory_space<vmem>> -> memref<1x80xi32, #tpu.memory_space<vmem>>
        %dma_wait3A_153 = tpu.memref_squeeze %dma_wait3A_152 : memref<1x80xi32, #tpu.memory_space<vmem>> -> memref<80xi32, #tpu.memory_space<vmem>>
        %dma_wait3A_154 = arith.constant 0 : i32
        %dma_wait3A_155 = arith.constant 0 : i32
        %dma_wait3A_156 = tpu.memref_slice %arg11[%dma_wait3A_154, %dma_wait3A_155] : memref<10008x128xf32, #tpu.memory_space<vmem_shared>> -> memref<10008x128xf32, #tpu.memory_space<vmem_shared>>
        tpu.wait_indirect_dma semaphore(%run_scoped3A_144 : memref<!tpu.dma_semaphore, #tpu.memory_space<semaphore_mem>>) src(%arg10 : memref<80x128xf32, #tpu.memory_space<vmem>>) dst(%dma_wait3A_156 : memref<10008x128xf32, #tpu.memory_space<vmem_shared>>)
        tpu.yield
      }) : () -> ()
      %scan3A_143 = arith.constant 0 : i32
      scf.yield %scan3A_143 : i32
    }
    %scan3A_12 = arith.constant 16 : i32
    %barrier3A_13 = arith.constant 0 : index
    tpu.barrier barrier_id(%barrier3A_13)
    %lt3A_14 = arith.constant 15 : i32
    %lt3A_15 = arith.cmpi slt, %arg1, %lt3A_14 : i32
    %convert_element_type3A_16 = arith.extui %lt3A_15 : i1 to i32
    %cond3A_17 = arith.constant 0 : i32
    %cond3A_18 = arith.cmpi ne, %convert_element_type3A_16, %cond3A_17 : i32
    scf.if %cond3A_18 {
      %mul3A_24 = arith.constant 640 : i32
      %mul3A_25 = arith.muli %arg1, %mul3A_24 : i32
      %mul3A_26 = arith.constant 640 : i32
      %mul3A_27 = arith.muli %arg1, %mul3A_26 : i32
      "tpu.region"() ({
        %run_scoped3A = tpu.sem_alloc : memref<!tpu.dma_semaphore, #tpu.memory_space<semaphore_mem>>
        %dma_start3A = arith.constant 0 : i32
        %dma_start3A_28 = tpu.memref_slice %arg6[%arg0, %mul3A_27, %dma_start3A] : memref<2x10000x128xf32, #tpu.memory_space<hbm>> -> memref<1x640x128xf32, #tpu.memory_space<hbm>>
        %dma_start3A_29 = tpu.memref_squeeze %dma_start3A_28 : memref<1x640x128xf32, #tpu.memory_space<hbm>> -> memref<640x128xf32, #tpu.memory_space<hbm>>
        %dma_start3A_30 = arith.constant 0 : i32
        %dma_start3A_31 = tpu.memref_slice %arg11[%mul3A_25, %dma_start3A_30] : memref<10008x128xf32, #tpu.memory_space<vmem_shared>> -> memref<640x128xf32, #tpu.memory_space<vmem_shared>>
        tpu.enqueue_dma source(%dma_start3A_31 : memref<640x128xf32, #tpu.memory_space<vmem_shared>>) target(%dma_start3A_29 : memref<640x128xf32, #tpu.memory_space<hbm>>) target_semaphore(%run_scoped3A : memref<!tpu.dma_semaphore, #tpu.memory_space<semaphore_mem>>)
        %dma_wait3A = arith.constant 0 : i32
        %dma_wait3A_32 = tpu.memref_slice %arg6[%arg0, %mul3A_27, %dma_wait3A] : memref<2x10000x128xf32, #tpu.memory_space<hbm>> -> memref<1x640x128xf32, #tpu.memory_space<hbm>>
        %dma_wait3A_33 = tpu.memref_squeeze %dma_wait3A_32 : memref<1x640x128xf32, #tpu.memory_space<hbm>> -> memref<640x128xf32, #tpu.memory_space<hbm>>
        %dma_wait3A_34 = arith.constant 0 : i32
        %dma_wait3A_35 = tpu.memref_slice %arg11[%mul3A_25, %dma_wait3A_34] : memref<10008x128xf32, #tpu.memory_space<vmem_shared>> -> memref<640x128xf32, #tpu.memory_space<vmem_shared>>
        tpu.wait_dma2 semaphore(%run_scoped3A : memref<!tpu.dma_semaphore, #tpu.memory_space<semaphore_mem>>) src(%dma_wait3A_35 : memref<640x128xf32, #tpu.memory_space<vmem_shared>>) dst(%dma_wait3A_33 : memref<640x128xf32, #tpu.memory_space<hbm>>)
        tpu.yield
      }) : () -> ()
    } else {
    }
    %eq3A_19 = arith.constant 15 : i32
    %eq3A_20 = arith.cmpi eq, %arg1, %eq3A_19 : i32
    %convert_element_type3A_21 = arith.extui %eq3A_20 : i1 to i32
    %cond3A_22 = arith.constant 0 : i32
    %cond3A_23 = arith.cmpi ne, %convert_element_type3A_21, %cond3A_22 : i32
    scf.if %cond3A_23 {
      "tpu.region"() ({
        %run_scoped3A = tpu.sem_alloc : memref<!tpu.dma_semaphore, #tpu.memory_space<semaphore_mem>>
        %dma_start3A = arith.constant 9600 : i32
        %dma_start3A_24 = arith.constant 0 : i32
        %dma_start3A_25 = tpu.memref_slice %arg6[%arg0, %dma_start3A, %dma_start3A_24] : memref<2x10000x128xf32, #tpu.memory_space<hbm>> -> memref<1x400x128xf32, #tpu.memory_space<hbm>>
        %dma_start3A_26 = tpu.memref_squeeze %dma_start3A_25 : memref<1x400x128xf32, #tpu.memory_space<hbm>> -> memref<400x128xf32, #tpu.memory_space<hbm>>
        %dma_start3A_27 = arith.constant 9600 : i32
        %dma_start3A_28 = arith.constant 0 : i32
        %dma_start3A_29 = tpu.memref_slice %arg11[%dma_start3A_27, %dma_start3A_28] : memref<10008x128xf32, #tpu.memory_space<vmem_shared>> -> memref<400x128xf32, #tpu.memory_space<vmem_shared>>
        tpu.enqueue_dma source(%dma_start3A_29 : memref<400x128xf32, #tpu.memory_space<vmem_shared>>) target(%dma_start3A_26 : memref<400x128xf32, #tpu.memory_space<hbm>>) target_semaphore(%run_scoped3A : memref<!tpu.dma_semaphore, #tpu.memory_space<semaphore_mem>>)
        %dma_wait3A = arith.constant 9600 : i32
        %dma_wait3A_30 = arith.constant 0 : i32
        %dma_wait3A_31 = tpu.memref_slice %arg6[%arg0, %dma_wait3A, %dma_wait3A_30] : memref<2x10000x128xf32, #tpu.memory_space<hbm>> -> memref<1x400x128xf32, #tpu.memory_space<hbm>>
        %dma_wait3A_32 = tpu.memref_squeeze %dma_wait3A_31 : memref<1x400x128xf32, #tpu.memory_space<hbm>> -> memref<400x128xf32, #tpu.memory_space<hbm>>
        %dma_wait3A_33 = arith.constant 9600 : i32
        %dma_wait3A_34 = arith.constant 0 : i32
        %dma_wait3A_35 = tpu.memref_slice %arg11[%dma_wait3A_33, %dma_wait3A_34] : memref<10008x128xf32, #tpu.memory_space<vmem_shared>> -> memref<400x128xf32, #tpu.memory_space<vmem_shared>>
        tpu.wait_dma2 semaphore(%run_scoped3A : memref<!tpu.dma_semaphore, #tpu.memory_space<semaphore_mem>>) src(%dma_wait3A_35 : memref<400x128xf32, #tpu.memory_space<vmem_shared>>) dst(%dma_wait3A_32 : memref<400x128xf32, #tpu.memory_space<hbm>>)
        tpu.yield
      }) : () -> ()
    } else {
    }
    return
  }
}

#map = affine_map<(d0, d1) -> (0, 0)>
#map1 = affine_map<(d0, d1) -> (0, 0, 0, 0)>
#map2 = affine_map<(d0, d1) -> (0, 0, 0)>
module attributes {stable_mosaic.version = 14 : i64} {
  func.func @k(%arg0: i32, %arg1: i32, %arg2: memref<10000x128xf32, #tpu.memory_space<hbm>>, %arg3: memref<32x16x8x80xi32, #tpu.memory_space<hbm>>, %arg4: memref<32x16x8x80xi32, #tpu.memory_space<hbm>>, %arg5: memref<640x128xf32, #tpu.memory_space<hbm>>, %arg6: memref<2x10000x128xf32, #tpu.memory_space<hbm>>, %arg7: memref<8x80xi32, #tpu.memory_space<vmem>>, %arg8: memref<8x80xi32, #tpu.memory_space<vmem>>, %arg9: memref<80x128xf32, #tpu.memory_space<vmem>>, %arg10: memref<80x128xf32, #tpu.memory_space<vmem>>, %arg11: memref<10008x128xf32, #tpu.memory_space<vmem_shared>>, %arg12: memref<!tpu.dma_semaphore, #tpu.memory_space<semaphore_mem>>, %arg13: memref<!tpu.dma_semaphore, #tpu.memory_space<semaphore_mem>>) attributes {dimension_semantics = [#tpu.dimension_semantics<core_parallel>, #tpu.dimension_semantics<subcore_parallel>], iteration_bounds = array<i64: 2, 16>, scalar_prefetch = 0 : i64, scratch_operands = 7 : i64, tpu.core_type = #tpu.core_type<sc_vector_subcore>, window_params = [{transform_indices = #map}, {transform_indices = #map1}, {transform_indices = #map1}, {transform_indices = #map}, {transform_indices = #map2}]} {
    %mul3A = arith.constant 16 : i32
    %mul3A_0 = arith.muli %arg0, %mul3A : i32
    %add3A = arith.addi %mul3A_0, %arg1 : i32
    %lt3A = arith.constant 15 : i32
    %lt3A_1 = arith.cmpi slt, %arg1, %lt3A : i32
    %convert_element_type3A = arith.extui %lt3A_1 : i1 to i32
    %cond3A = arith.constant 0 : i32
    %cond3A_2 = arith.cmpi ne, %convert_element_type3A, %cond3A : i32
    scf.if %cond3A_2 {
      %mul3A_24 = arith.constant 640 : i32
      %mul3A_25 = arith.muli %arg1, %mul3A_24 : i32
      "tpu.region"() ({
        %run_scoped3A = tpu.sem_alloc : memref<!tpu.dma_semaphore, #tpu.memory_space<semaphore_mem>>
        %dma_start3A = arith.constant 0 : i32
        %dma_start3A_26 = tpu.memref_slice %arg11[%mul3A_25, %dma_start3A] : memref<10008x128xf32, #tpu.memory_space<vmem_shared>> -> memref<640x128xf32, #tpu.memory_space<vmem_shared>>
        tpu.enqueue_dma source(%arg5 : memref<640x128xf32, #tpu.memory_space<hbm>>) target(%dma_start3A_26 : memref<640x128xf32, #tpu.memory_space<vmem_shared>>) target_semaphore(%run_scoped3A : memref<!tpu.dma_semaphore, #tpu.memory_space<semaphore_mem>>)
        %dma_wait3A = arith.constant 0 : i32
        %dma_wait3A_27 = tpu.memref_slice %arg11[%mul3A_25, %dma_wait3A] : memref<10008x128xf32, #tpu.memory_space<vmem_shared>> -> memref<640x128xf32, #tpu.memory_space<vmem_shared>>
        tpu.wait_dma2 semaphore(%run_scoped3A : memref<!tpu.dma_semaphore, #tpu.memory_space<semaphore_mem>>) src(%arg5 : memref<640x128xf32, #tpu.memory_space<hbm>>) dst(%dma_wait3A_27 : memref<640x128xf32, #tpu.memory_space<vmem_shared>>)
        tpu.yield
      }) : () -> ()
    } else {
    }
    %eq3A = arith.constant 15 : i32
    %eq3A_3 = arith.cmpi eq, %arg1, %eq3A : i32
    %convert_element_type3A_4 = arith.extui %eq3A_3 : i1 to i32
    %cond3A_5 = arith.constant 0 : i32
    %cond3A_6 = arith.cmpi ne, %convert_element_type3A_4, %cond3A_5 : i32
    scf.if %cond3A_6 {
      "tpu.region"() ({
        %run_scoped3A = tpu.sem_alloc : memref<!tpu.dma_semaphore, #tpu.memory_space<semaphore_mem>>
        %dma_start3A = arith.constant 9600 : i32
        %dma_start3A_24 = arith.constant 0 : i32
        %dma_start3A_25 = tpu.memref_slice %arg11[%dma_start3A, %dma_start3A_24] : memref<10008x128xf32, #tpu.memory_space<vmem_shared>> -> memref<400x128xf32, #tpu.memory_space<vmem_shared>>
        %dma_start3A_26 = arith.constant 0 : i32
        %dma_start3A_27 = arith.constant 0 : i32
        %dma_start3A_28 = tpu.memref_slice %arg5[%dma_start3A_26, %dma_start3A_27] : memref<640x128xf32, #tpu.memory_space<hbm>> -> memref<400x128xf32, #tpu.memory_space<hbm>>
        tpu.enqueue_dma source(%dma_start3A_28 : memref<400x128xf32, #tpu.memory_space<hbm>>) target(%dma_start3A_25 : memref<400x128xf32, #tpu.memory_space<vmem_shared>>) target_semaphore(%run_scoped3A : memref<!tpu.dma_semaphore, #tpu.memory_space<semaphore_mem>>)
        %dma_wait3A = arith.constant 9600 : i32
        %dma_wait3A_29 = arith.constant 0 : i32
        %dma_wait3A_30 = tpu.memref_slice %arg11[%dma_wait3A, %dma_wait3A_29] : memref<10008x128xf32, #tpu.memory_space<vmem_shared>> -> memref<400x128xf32, #tpu.memory_space<vmem_shared>>
        %dma_wait3A_31 = arith.constant 0 : i32
        %dma_wait3A_32 = arith.constant 0 : i32
        %dma_wait3A_33 = tpu.memref_slice %arg5[%dma_wait3A_31, %dma_wait3A_32] : memref<640x128xf32, #tpu.memory_space<hbm>> -> memref<400x128xf32, #tpu.memory_space<hbm>>
        tpu.wait_dma2 semaphore(%run_scoped3A : memref<!tpu.dma_semaphore, #tpu.memory_space<semaphore_mem>>) src(%dma_wait3A_33 : memref<400x128xf32, #tpu.memory_space<hbm>>) dst(%dma_wait3A_30 : memref<400x128xf32, #tpu.memory_space<vmem_shared>>)
        tpu.yield
      }) : () -> ()
      "tpu.region"() ({
        %run_scoped3A = tpu.sem_alloc : memref<!tpu.dma_semaphore, #tpu.memory_space<semaphore_mem>>
        %dma_start3A = arith.constant 10000 : i32
        %dma_start3A_24 = arith.constant 0 : i32
        %dma_start3A_25 = tpu.memref_slice %arg11[%dma_start3A, %dma_start3A_24] : memref<10008x128xf32, #tpu.memory_space<vmem_shared>> -> memref<8x128xf32, #tpu.memory_space<vmem_shared>>
        %dma_start3A_26 = arith.constant 0 : i32
        %dma_start3A_27 = arith.constant 0 : i32
        %dma_start3A_28 = tpu.memref_slice %arg5[%dma_start3A_26, %dma_start3A_27] : memref<640x128xf32, #tpu.memory_space<hbm>> -> memref<8x128xf32, #tpu.memory_space<hbm>>
        tpu.enqueue_dma source(%dma_start3A_28 : memref<8x128xf32, #tpu.memory_space<hbm>>) target(%dma_start3A_25 : memref<8x128xf32, #tpu.memory_space<vmem_shared>>) target_semaphore(%run_scoped3A : memref<!tpu.dma_semaphore, #tpu.memory_space<semaphore_mem>>)
        %dma_wait3A = arith.constant 10000 : i32
        %dma_wait3A_29 = arith.constant 0 : i32
        %dma_wait3A_30 = tpu.memref_slice %arg11[%dma_wait3A, %dma_wait3A_29] : memref<10008x128xf32, #tpu.memory_space<vmem_shared>> -> memref<8x128xf32, #tpu.memory_space<vmem_shared>>
        %dma_wait3A_31 = arith.constant 0 : i32
        %dma_wait3A_32 = arith.constant 0 : i32
        %dma_wait3A_33 = tpu.memref_slice %arg5[%dma_wait3A_31, %dma_wait3A_32] : memref<640x128xf32, #tpu.memory_space<hbm>> -> memref<8x128xf32, #tpu.memory_space<hbm>>
        tpu.wait_dma2 semaphore(%run_scoped3A : memref<!tpu.dma_semaphore, #tpu.memory_space<semaphore_mem>>) src(%dma_wait3A_33 : memref<8x128xf32, #tpu.memory_space<hbm>>) dst(%dma_wait3A_30 : memref<8x128xf32, #tpu.memory_space<vmem_shared>>)
        tpu.yield
      }) : () -> ()
    } else {
    }
    %barrier3A = arith.constant 0 : index
    tpu.barrier barrier_id(%barrier3A)
    %scan3A = arith.constant 0 : i32
    %scan3A_7 = arith.constant 0 : i32
    %scan3A_8 = arith.constant 16 : i32
    %scan3A_9 = arith.addi %scan3A_7, %scan3A_8 : i32
    %scan3A_10 = arith.constant 1 : i32
    %scan3A_11 = scf.for %scan3A_24 = %scan3A_7 to %scan3A_9 step %scan3A_10 iter_args(%scan3A_25 = %scan3A) -> (i32)  : i32 {
      "tpu.region"() ({
        %run_scoped3A_144 = tpu.sem_alloc : memref<!tpu.dma_semaphore, #tpu.memory_space<semaphore_mem>>
        %dma_start3A_145 = arith.constant 0 : i32
        %dma_start3A_146 = arith.constant 0 : i32
        %dma_start3A_147 = tpu.memref_slice %arg3[%add3A, %scan3A_24, %dma_start3A_145, %dma_start3A_146] : memref<32x16x8x80xi32, #tpu.memory_space<hbm>> -> memref<1x1x8x80xi32, #tpu.memory_space<hbm>>
        %dma_start3A_148 = tpu.memref_squeeze %dma_start3A_147 : memref<1x1x8x80xi32, #tpu.memory_space<hbm>> -> memref<8x80xi32, #tpu.memory_space<hbm>>
        %dma_start3A_149 = arith.constant 0 : i32
        %dma_start3A_150 = arith.constant 0 : i32
        %dma_start3A_151 = tpu.memref_slice %arg3[%add3A, %scan3A_24, %dma_start3A_149, %dma_start3A_150] : memref<32x16x8x80xi32, #tpu.memory_space<hbm>> -> memref<1x1x8x80xi32, #tpu.memory_space<hbm>>
        %dma_start3A_152 = tpu.memref_squeeze %dma_start3A_151 : memref<1x1x8x80xi32, #tpu.memory_space<hbm>> -> memref<8x80xi32, #tpu.memory_space<hbm>>
        tpu.enqueue_dma source(%dma_start3A_152 : memref<8x80xi32, #tpu.memory_space<hbm>>) target(%arg7 : memref<8x80xi32, #tpu.memory_space<vmem>>) target_semaphore(%run_scoped3A_144 : memref<!tpu.dma_semaphore, #tpu.memory_space<semaphore_mem>>)
        %dma_wait3A_153 = arith.constant 0 : i32
        %dma_wait3A_154 = arith.constant 0 : i32
        %dma_wait3A_155 = tpu.memref_slice %arg3[%add3A, %scan3A_24, %dma_wait3A_153, %dma_wait3A_154] : memref<32x16x8x80xi32, #tpu.memory_space<hbm>> -> memref<1x1x8x80xi32, #tpu.memory_space<hbm>>
        %dma_wait3A_156 = tpu.memref_squeeze %dma_wait3A_155 : memref<1x1x8x80xi32, #tpu.memory_space<hbm>> -> memref<8x80xi32, #tpu.memory_space<hbm>>
        %dma_wait3A_157 = arith.constant 0 : i32
        %dma_wait3A_158 = arith.constant 0 : i32
        %dma_wait3A_159 = tpu.memref_slice %arg3[%add3A, %scan3A_24, %dma_wait3A_157, %dma_wait3A_158] : memref<32x16x8x80xi32, #tpu.memory_space<hbm>> -> memref<1x1x8x80xi32, #tpu.memory_space<hbm>>
        %dma_wait3A_160 = tpu.memref_squeeze %dma_wait3A_159 : memref<1x1x8x80xi32, #tpu.memory_space<hbm>> -> memref<8x80xi32, #tpu.memory_space<hbm>>
        tpu.wait_dma2 semaphore(%run_scoped3A_144 : memref<!tpu.dma_semaphore, #tpu.memory_space<semaphore_mem>>) src(%dma_wait3A_160 : memref<8x80xi32, #tpu.memory_space<hbm>>) dst(%arg7 : memref<8x80xi32, #tpu.memory_space<vmem>>)
        tpu.yield
      }) : () -> ()
      "tpu.region"() ({
        %run_scoped3A_144 = tpu.sem_alloc : memref<!tpu.dma_semaphore, #tpu.memory_space<semaphore_mem>>
        %dma_start3A_145 = arith.constant 0 : i32
        %dma_start3A_146 = arith.constant 0 : i32
        %dma_start3A_147 = tpu.memref_slice %arg4[%add3A, %scan3A_24, %dma_start3A_145, %dma_start3A_146] : memref<32x16x8x80xi32, #tpu.memory_space<hbm>> -> memref<1x1x8x80xi32, #tpu.memory_space<hbm>>
        %dma_start3A_148 = tpu.memref_squeeze %dma_start3A_147 : memref<1x1x8x80xi32, #tpu.memory_space<hbm>> -> memref<8x80xi32, #tpu.memory_space<hbm>>
        %dma_start3A_149 = arith.constant 0 : i32
        %dma_start3A_150 = arith.constant 0 : i32
        %dma_start3A_151 = tpu.memref_slice %arg4[%add3A, %scan3A_24, %dma_start3A_149, %dma_start3A_150] : memref<32x16x8x80xi32, #tpu.memory_space<hbm>> -> memref<1x1x8x80xi32, #tpu.memory_space<hbm>>
        %dma_start3A_152 = tpu.memref_squeeze %dma_start3A_151 : memref<1x1x8x80xi32, #tpu.memory_space<hbm>> -> memref<8x80xi32, #tpu.memory_space<hbm>>
        tpu.enqueue_dma source(%dma_start3A_152 : memref<8x80xi32, #tpu.memory_space<hbm>>) target(%arg8 : memref<8x80xi32, #tpu.memory_space<vmem>>) target_semaphore(%run_scoped3A_144 : memref<!tpu.dma_semaphore, #tpu.memory_space<semaphore_mem>>)
        %dma_wait3A_153 = arith.constant 0 : i32
        %dma_wait3A_154 = arith.constant 0 : i32
        %dma_wait3A_155 = tpu.memref_slice %arg4[%add3A, %scan3A_24, %dma_wait3A_153, %dma_wait3A_154] : memref<32x16x8x80xi32, #tpu.memory_space<hbm>> -> memref<1x1x8x80xi32, #tpu.memory_space<hbm>>
        %dma_wait3A_156 = tpu.memref_squeeze %dma_wait3A_155 : memref<1x1x8x80xi32, #tpu.memory_space<hbm>> -> memref<8x80xi32, #tpu.memory_space<hbm>>
        %dma_wait3A_157 = arith.constant 0 : i32
        %dma_wait3A_158 = arith.constant 0 : i32
        %dma_wait3A_159 = tpu.memref_slice %arg4[%add3A, %scan3A_24, %dma_wait3A_157, %dma_wait3A_158] : memref<32x16x8x80xi32, #tpu.memory_space<hbm>> -> memref<1x1x8x80xi32, #tpu.memory_space<hbm>>
        %dma_wait3A_160 = tpu.memref_squeeze %dma_wait3A_159 : memref<1x1x8x80xi32, #tpu.memory_space<hbm>> -> memref<8x80xi32, #tpu.memory_space<hbm>>
        tpu.wait_dma2 semaphore(%run_scoped3A_144 : memref<!tpu.dma_semaphore, #tpu.memory_space<semaphore_mem>>) src(%dma_wait3A_160 : memref<8x80xi32, #tpu.memory_space<hbm>>) dst(%arg8 : memref<8x80xi32, #tpu.memory_space<vmem>>)
        tpu.yield
      }) : () -> ()
      %dma_start3A = arith.constant 0 : i32
      %dma_start3A_26 = arith.constant 0 : i32
      %dma_start3A_27 = tpu.memref_slice %arg7[%dma_start3A, %dma_start3A_26] : memref<8x80xi32, #tpu.memory_space<vmem>> -> memref<1x80xi32, #tpu.memory_space<vmem>>
      %dma_start3A_28 = tpu.memref_squeeze %dma_start3A_27 : memref<1x80xi32, #tpu.memory_space<vmem>> -> memref<80xi32, #tpu.memory_space<vmem>>
      %dma_start3A_29 = arith.constant 0 : i32
      %dma_start3A_30 = arith.constant 0 : i32
      %dma_start3A_31 = tpu.memref_slice %arg2[%dma_start3A_29, %dma_start3A_30] : memref<10000x128xf32, #tpu.memory_space<hbm>> -> memref<10000x128xf32, #tpu.memory_space<hbm>>
      tpu.enqueue_indirect_dma source(%dma_start3A_31 : memref<10000x128xf32, #tpu.memory_space<hbm>>) target(%arg9 : memref<80x128xf32, #tpu.memory_space<vmem>>) offsets(%dma_start3A_28 : memref<80xi32, #tpu.memory_space<vmem>>) semaphore(%arg12 : memref<!tpu.dma_semaphore, #tpu.memory_space<semaphore_mem>>)
      %dma_wait3A = arith.constant 0 : i32
      %dma_wait3A_32 = arith.constant 0 : i32
      %dma_wait3A_33 = tpu.memref_slice %arg7[%dma_wait3A, %dma_wait3A_32] : memref<8x80xi32, #tpu.memory_space<vmem>> -> memref<1x80xi32, #tpu.memory_space<vmem>>
      %dma_wait3A_34 = tpu.memref_squeeze %dma_wait3A_33 : memref<1x80xi32, #tpu.memory_space<vmem>> -> memref<80xi32, #tpu.memory_space<vmem>>
      %dma_wait3A_35 = arith.constant 0 : i32
      %dma_wait3A_36 = arith.constant 0 : i32
      %dma_wait3A_37 = tpu.memref_slice %arg2[%dma_wait3A_35, %dma_wait3A_36] : memref<10000x128xf32, #tpu.memory_space<hbm>> -> memref<10000x128xf32, #tpu.memory_space<hbm>>
      tpu.wait_indirect_dma semaphore(%arg12 : memref<!tpu.dma_semaphore, #tpu.memory_space<semaphore_mem>>) src(%dma_wait3A_37 : memref<10000x128xf32, #tpu.memory_space<hbm>>) dst(%arg9 : memref<80x128xf32, #tpu.memory_space<vmem>>)
      %dma_start3A_38 = arith.constant 1 : i32
      %dma_start3A_39 = arith.constant 0 : i32
      %dma_start3A_40 = tpu.memref_slice %arg7[%dma_start3A_38, %dma_start3A_39] : memref<8x80xi32, #tpu.memory_space<vmem>> -> memref<1x80xi32, #tpu.memory_space<vmem>>
      %dma_start3A_41 = tpu.memref_squeeze %dma_start3A_40 : memref<1x80xi32, #tpu.memory_space<vmem>> -> memref<80xi32, #tpu.memory_space<vmem>>
      %dma_start3A_42 = arith.constant 0 : i32
      %dma_start3A_43 = arith.constant 0 : i32
      %dma_start3A_44 = tpu.memref_slice %arg2[%dma_start3A_42, %dma_start3A_43] : memref<10000x128xf32, #tpu.memory_space<hbm>> -> memref<10000x128xf32, #tpu.memory_space<hbm>>
      tpu.enqueue_indirect_dma source(%dma_start3A_44 : memref<10000x128xf32, #tpu.memory_space<hbm>>) target(%arg10 : memref<80x128xf32, #tpu.memory_space<vmem>>) offsets(%dma_start3A_41 : memref<80xi32, #tpu.memory_space<vmem>>) semaphore(%arg13 : memref<!tpu.dma_semaphore, #tpu.memory_space<semaphore_mem>>)
      %run_scoped3A = arith.constant 0 : i32
      "tpu.region"() ({
        %run_scoped3A_144 = tpu.sem_alloc : memref<!tpu.dma_semaphore, #tpu.memory_space<semaphore_mem>>
        %dma_start3A_145 = arith.constant 0 : i32
        %dma_start3A_146 = tpu.memref_slice %arg8[%run_scoped3A, %dma_start3A_145] : memref<8x80xi32, #tpu.memory_space<vmem>> -> memref<1x80xi32, #tpu.memory_space<vmem>>
        %dma_start3A_147 = tpu.memref_squeeze %dma_start3A_146 : memref<1x80xi32, #tpu.memory_space<vmem>> -> memref<80xi32, #tpu.memory_space<vmem>>
        %dma_start3A_148 = arith.constant 0 : i32
        %dma_start3A_149 = arith.constant 0 : i32
        %dma_start3A_150 = tpu.memref_slice %arg11[%dma_start3A_148, %dma_start3A_149] : memref<10008x128xf32, #tpu.memory_space<vmem_shared>> -> memref<10008x128xf32, #tpu.memory_space<vmem_shared>>
        tpu.enqueue_indirect_dma source(%arg9 : memref<80x128xf32, #tpu.memory_space<vmem>>) target(%dma_start3A_150 : memref<10008x128xf32, #tpu.memory_space<vmem_shared>>) offsets(%dma_start3A_147 : memref<80xi32, #tpu.memory_space<vmem>>) semaphore(%run_scoped3A_144 : memref<!tpu.dma_semaphore, #tpu.memory_space<semaphore_mem>>) {add = true}
        %dma_wait3A_151 = arith.constant 0 : i32
        %dma_wait3A_152 = tpu.memref_slice %arg8[%run_scoped3A, %dma_wait3A_151] : memref<8x80xi32, #tpu.memory_space<vmem>> -> memref<1x80xi32, #tpu.memory_space<vmem>>
        %dma_wait3A_153 = tpu.memref_squeeze %dma_wait3A_152 : memref<1x80xi32, #tpu.memory_space<vmem>> -> memref<80xi32, #tpu.memory_space<vmem>>
        %dma_wait3A_154 = arith.constant 0 : i32
        %dma_wait3A_155 = arith.constant 0 : i32
        %dma_wait3A_156 = tpu.memref_slice %arg11[%dma_wait3A_154, %dma_wait3A_155] : memref<10008x128xf32, #tpu.memory_space<vmem_shared>> -> memref<10008x128xf32, #tpu.memory_space<vmem_shared>>
        tpu.wait_indirect_dma semaphore(%run_scoped3A_144 : memref<!tpu.dma_semaphore, #tpu.memory_space<semaphore_mem>>) src(%arg9 : memref<80x128xf32, #tpu.memory_space<vmem>>) dst(%dma_wait3A_156 : memref<10008x128xf32, #tpu.memory_space<vmem_shared>>)
        tpu.yield
      }) : () -> ()
      %dma_wait3A_45 = arith.constant 1 : i32
      %dma_wait3A_46 = arith.constant 0 : i32
      %dma_wait3A_47 = tpu.memref_slice %arg7[%dma_wait3A_45, %dma_wait3A_46] : memref<8x80xi32, #tpu.memory_space<vmem>> -> memref<1x80xi32, #tpu.memory_space<vmem>>
      %dma_wait3A_48 = tpu.memref_squeeze %dma_wait3A_47 : memref<1x80xi32, #tpu.memory_space<vmem>> -> memref<80xi32, #tpu.memory_space<vmem>>
      %dma_wait3A_49 = arith.constant 0 : i32
      %dma_wait3A_50 = arith.constant 0 : i32
      %dma_wait3A_51 = tpu.memref_slice %arg2[%dma_wait3A_49, %dma_wait3A_50] : memref<10000x128xf32, #tpu.memory_space<hbm>> -> memref<10000x128xf32, #tpu.memory_space<hbm>>
      tpu.wait_indirect_dma semaphore(%arg13 : memref<!tpu.dma_semaphore, #tpu.memory_space<semaphore_mem>>) src(%dma_wait3A_51 : memref<10000x128xf32, #tpu.memory_space<hbm>>) dst(%arg10 : memref<80x128xf32, #tpu.memory_space<vmem>>)
      %dma_start3A_52 = arith.constant 2 : i32
      %dma_start3A_53 = arith.constant 0 : i32
      %dma_start3A_54 = tpu.memref_slice %arg7[%dma_start3A_52, %dma_start3A_53] : memref<8x80xi32, #tpu.memory_space<vmem>> -> memref<1x80xi32, #tpu.memory_space<vmem>>
      %dma_start3A_55 = tpu.memref_squeeze %dma_start3A_54 : memref<1x80xi32, #tpu.memory_space<vmem>> -> memref<80xi32, #tpu.memory_space<vmem>>
      %dma_start3A_56 = arith.constant 0 : i32
      %dma_start3A_57 = arith.constant 0 : i32
      %dma_start3A_58 = tpu.memref_slice %arg2[%dma_start3A_56, %dma_start3A_57] : memref<10000x128xf32, #tpu.memory_space<hbm>> -> memref<10000x128xf32, #tpu.memory_space<hbm>>
      tpu.enqueue_indirect_dma source(%dma_start3A_58 : memref<10000x128xf32, #tpu.memory_space<hbm>>) target(%arg9 : memref<80x128xf32, #tpu.memory_space<vmem>>) offsets(%dma_start3A_55 : memref<80xi32, #tpu.memory_space<vmem>>) semaphore(%arg12 : memref<!tpu.dma_semaphore, #tpu.memory_space<semaphore_mem>>)
      %run_scoped3A_59 = arith.constant 1 : i32
      "tpu.region"() ({
        %run_scoped3A_144 = tpu.sem_alloc : memref<!tpu.dma_semaphore, #tpu.memory_space<semaphore_mem>>
        %dma_start3A_145 = arith.constant 0 : i32
        %dma_start3A_146 = tpu.memref_slice %arg8[%run_scoped3A_59, %dma_start3A_145] : memref<8x80xi32, #tpu.memory_space<vmem>> -> memref<1x80xi32, #tpu.memory_space<vmem>>
        %dma_start3A_147 = tpu.memref_squeeze %dma_start3A_146 : memref<1x80xi32, #tpu.memory_space<vmem>> -> memref<80xi32, #tpu.memory_space<vmem>>
        %dma_start3A_148 = arith.constant 0 : i32
        %dma_start3A_149 = arith.constant 0 : i32
        %dma_start3A_150 = tpu.memref_slice %arg11[%dma_start3A_148, %dma_start3A_149] : memref<10008x128xf32, #tpu.memory_space<vmem_shared>> -> memref<10008x128xf32, #tpu.memory_space<vmem_shared>>
        tpu.enqueue_indirect_dma source(%arg10 : memref<80x128xf32, #tpu.memory_space<vmem>>) target(%dma_start3A_150 : memref<10008x128xf32, #tpu.memory_space<vmem_shared>>) offsets(%dma_start3A_147 : memref<80xi32, #tpu.memory_space<vmem>>) semaphore(%run_scoped3A_144 : memref<!tpu.dma_semaphore, #tpu.memory_space<semaphore_mem>>) {add = true}
        %dma_wait3A_151 = arith.constant 0 : i32
        %dma_wait3A_152 = tpu.memref_slice %arg8[%run_scoped3A_59, %dma_wait3A_151] : memref<8x80xi32, #tpu.memory_space<vmem>> -> memref<1x80xi32, #tpu.memory_space<vmem>>
        %dma_wait3A_153 = tpu.memref_squeeze %dma_wait3A_152 : memref<1x80xi32, #tpu.memory_space<vmem>> -> memref<80xi32, #tpu.memory_space<vmem>>
        %dma_wait3A_154 = arith.constant 0 : i32
        %dma_wait3A_155 = arith.constant 0 : i32
        %dma_wait3A_156 = tpu.memref_slice %arg11[%dma_wait3A_154, %dma_wait3A_155] : memref<10008x128xf32, #tpu.memory_space<vmem_shared>> -> memref<10008x128xf32, #tpu.memory_space<vmem_shared>>
        tpu.wait_indirect_dma semaphore(%run_scoped3A_144 : memref<!tpu.dma_semaphore, #tpu.memory_space<semaphore_mem>>) src(%arg10 : memref<80x128xf32, #tpu.memory_space<vmem>>) dst(%dma_wait3A_156 : memref<10008x128xf32, #tpu.memory_space<vmem_shared>>)
        tpu.yield
      }) : () -> ()
      %dma_wait3A_60 = arith.constant 2 : i32
      %dma_wait3A_61 = arith.constant 0 : i32
      %dma_wait3A_62 = tpu.memref_slice %arg7[%dma_wait3A_60, %dma_wait3A_61] : memref<8x80xi32, #tpu.memory_space<vmem>> -> memref<1x80xi32, #tpu.memory_space<vmem>>
      %dma_wait3A_63 = tpu.memref_squeeze %dma_wait3A_62 : memref<1x80xi32, #tpu.memory_space<vmem>> -> memref<80xi32, #tpu.memory_space<vmem>>
      %dma_wait3A_64 = arith.constant 0 : i32
      %dma_wait3A_65 = arith.constant 0 : i32
      %dma_wait3A_66 = tpu.memref_slice %arg2[%dma_wait3A_64, %dma_wait3A_65] : memref<10000x128xf32, #tpu.memory_space<hbm>> -> memref<10000x128xf32, #tpu.memory_space<hbm>>
      tpu.wait_indirect_dma semaphore(%arg12 : memref<!tpu.dma_semaphore, #tpu.memory_space<semaphore_mem>>) src(%dma_wait3A_66 : memref<10000x128xf32, #tpu.memory_space<hbm>>) dst(%arg9 : memref<80x128xf32, #tpu.memory_space<vmem>>)
      %dma_start3A_67 = arith.constant 3 : i32
      %dma_start3A_68 = arith.constant 0 : i32
      %dma_start3A_69 = tpu.memref_slice %arg7[%dma_start3A_67, %dma_start3A_68] : memref<8x80xi32, #tpu.memory_space<vmem>> -> memref<1x80xi32, #tpu.memory_space<vmem>>
      %dma_start3A_70 = tpu.memref_squeeze %dma_start3A_69 : memref<1x80xi32, #tpu.memory_space<vmem>> -> memref<80xi32, #tpu.memory_space<vmem>>
      %dma_start3A_71 = arith.constant 0 : i32
      %dma_start3A_72 = arith.constant 0 : i32
      %dma_start3A_73 = tpu.memref_slice %arg2[%dma_start3A_71, %dma_start3A_72] : memref<10000x128xf32, #tpu.memory_space<hbm>> -> memref<10000x128xf32, #tpu.memory_space<hbm>>
      tpu.enqueue_indirect_dma source(%dma_start3A_73 : memref<10000x128xf32, #tpu.memory_space<hbm>>) target(%arg10 : memref<80x128xf32, #tpu.memory_space<vmem>>) offsets(%dma_start3A_70 : memref<80xi32, #tpu.memory_space<vmem>>) semaphore(%arg13 : memref<!tpu.dma_semaphore, #tpu.memory_space<semaphore_mem>>)
      %run_scoped3A_74 = arith.constant 2 : i32
      "tpu.region"() ({
        %run_scoped3A_144 = tpu.sem_alloc : memref<!tpu.dma_semaphore, #tpu.memory_space<semaphore_mem>>
        %dma_start3A_145 = arith.constant 0 : i32
        %dma_start3A_146 = tpu.memref_slice %arg8[%run_scoped3A_74, %dma_start3A_145] : memref<8x80xi32, #tpu.memory_space<vmem>> -> memref<1x80xi32, #tpu.memory_space<vmem>>
        %dma_start3A_147 = tpu.memref_squeeze %dma_start3A_146 : memref<1x80xi32, #tpu.memory_space<vmem>> -> memref<80xi32, #tpu.memory_space<vmem>>
        %dma_start3A_148 = arith.constant 0 : i32
        %dma_start3A_149 = arith.constant 0 : i32
        %dma_start3A_150 = tpu.memref_slice %arg11[%dma_start3A_148, %dma_start3A_149] : memref<10008x128xf32, #tpu.memory_space<vmem_shared>> -> memref<10008x128xf32, #tpu.memory_space<vmem_shared>>
        tpu.enqueue_indirect_dma source(%arg9 : memref<80x128xf32, #tpu.memory_space<vmem>>) target(%dma_start3A_150 : memref<10008x128xf32, #tpu.memory_space<vmem_shared>>) offsets(%dma_start3A_147 : memref<80xi32, #tpu.memory_space<vmem>>) semaphore(%run_scoped3A_144 : memref<!tpu.dma_semaphore, #tpu.memory_space<semaphore_mem>>) {add = true}
        %dma_wait3A_151 = arith.constant 0 : i32
        %dma_wait3A_152 = tpu.memref_slice %arg8[%run_scoped3A_74, %dma_wait3A_151] : memref<8x80xi32, #tpu.memory_space<vmem>> -> memref<1x80xi32, #tpu.memory_space<vmem>>
        %dma_wait3A_153 = tpu.memref_squeeze %dma_wait3A_152 : memref<1x80xi32, #tpu.memory_space<vmem>> -> memref<80xi32, #tpu.memory_space<vmem>>
        %dma_wait3A_154 = arith.constant 0 : i32
        %dma_wait3A_155 = arith.constant 0 : i32
        %dma_wait3A_156 = tpu.memref_slice %arg11[%dma_wait3A_154, %dma_wait3A_155] : memref<10008x128xf32, #tpu.memory_space<vmem_shared>> -> memref<10008x128xf32, #tpu.memory_space<vmem_shared>>
        tpu.wait_indirect_dma semaphore(%run_scoped3A_144 : memref<!tpu.dma_semaphore, #tpu.memory_space<semaphore_mem>>) src(%arg9 : memref<80x128xf32, #tpu.memory_space<vmem>>) dst(%dma_wait3A_156 : memref<10008x128xf32, #tpu.memory_space<vmem_shared>>)
        tpu.yield
      }) : () -> ()
      %dma_wait3A_75 = arith.constant 3 : i32
      %dma_wait3A_76 = arith.constant 0 : i32
      %dma_wait3A_77 = tpu.memref_slice %arg7[%dma_wait3A_75, %dma_wait3A_76] : memref<8x80xi32, #tpu.memory_space<vmem>> -> memref<1x80xi32, #tpu.memory_space<vmem>>
      %dma_wait3A_78 = tpu.memref_squeeze %dma_wait3A_77 : memref<1x80xi32, #tpu.memory_space<vmem>> -> memref<80xi32, #tpu.memory_space<vmem>>
      %dma_wait3A_79 = arith.constant 0 : i32
      %dma_wait3A_80 = arith.constant 0 : i32
      %dma_wait3A_81 = tpu.memref_slice %arg2[%dma_wait3A_79, %dma_wait3A_80] : memref<10000x128xf32, #tpu.memory_space<hbm>> -> memref<10000x128xf32, #tpu.memory_space<hbm>>
      tpu.wait_indirect_dma semaphore(%arg13 : memref<!tpu.dma_semaphore, #tpu.memory_space<semaphore_mem>>) src(%dma_wait3A_81 : memref<10000x128xf32, #tpu.memory_space<hbm>>) dst(%arg10 : memref<80x128xf32, #tpu.memory_space<vmem>>)
      %dma_start3A_82 = arith.constant 4 : i32
      %dma_start3A_83 = arith.constant 0 : i32
      %dma_start3A_84 = tpu.memref_slice %arg7[%dma_start3A_82, %dma_start3A_83] : memref<8x80xi32, #tpu.memory_space<vmem>> -> memref<1x80xi32, #tpu.memory_space<vmem>>
      %dma_start3A_85 = tpu.memref_squeeze %dma_start3A_84 : memref<1x80xi32, #tpu.memory_space<vmem>> -> memref<80xi32, #tpu.memory_space<vmem>>
      %dma_start3A_86 = arith.constant 0 : i32
      %dma_start3A_87 = arith.constant 0 : i32
      %dma_start3A_88 = tpu.memref_slice %arg2[%dma_start3A_86, %dma_start3A_87] : memref<10000x128xf32, #tpu.memory_space<hbm>> -> memref<10000x128xf32, #tpu.memory_space<hbm>>
      tpu.enqueue_indirect_dma source(%dma_start3A_88 : memref<10000x128xf32, #tpu.memory_space<hbm>>) target(%arg9 : memref<80x128xf32, #tpu.memory_space<vmem>>) offsets(%dma_start3A_85 : memref<80xi32, #tpu.memory_space<vmem>>) semaphore(%arg12 : memref<!tpu.dma_semaphore, #tpu.memory_space<semaphore_mem>>)
      %run_scoped3A_89 = arith.constant 3 : i32
      "tpu.region"() ({
        %run_scoped3A_144 = tpu.sem_alloc : memref<!tpu.dma_semaphore, #tpu.memory_space<semaphore_mem>>
        %dma_start3A_145 = arith.constant 0 : i32
        %dma_start3A_146 = tpu.memref_slice %arg8[%run_scoped3A_89, %dma_start3A_145] : memref<8x80xi32, #tpu.memory_space<vmem>> -> memref<1x80xi32, #tpu.memory_space<vmem>>
        %dma_start3A_147 = tpu.memref_squeeze %dma_start3A_146 : memref<1x80xi32, #tpu.memory_space<vmem>> -> memref<80xi32, #tpu.memory_space<vmem>>
        %dma_start3A_148 = arith.constant 0 : i32
        %dma_start3A_149 = arith.constant 0 : i32
        %dma_start3A_150 = tpu.memref_slice %arg11[%dma_start3A_148, %dma_start3A_149] : memref<10008x128xf32, #tpu.memory_space<vmem_shared>> -> memref<10008x128xf32, #tpu.memory_space<vmem_shared>>
        tpu.enqueue_indirect_dma source(%arg10 : memref<80x128xf32, #tpu.memory_space<vmem>>) target(%dma_start3A_150 : memref<10008x128xf32, #tpu.memory_space<vmem_shared>>) offsets(%dma_start3A_147 : memref<80xi32, #tpu.memory_space<vmem>>) semaphore(%run_scoped3A_144 : memref<!tpu.dma_semaphore, #tpu.memory_space<semaphore_mem>>) {add = true}
        %dma_wait3A_151 = arith.constant 0 : i32
        %dma_wait3A_152 = tpu.memref_slice %arg8[%run_scoped3A_89, %dma_wait3A_151] : memref<8x80xi32, #tpu.memory_space<vmem>> -> memref<1x80xi32, #tpu.memory_space<vmem>>
        %dma_wait3A_153 = tpu.memref_squeeze %dma_wait3A_152 : memref<1x80xi32, #tpu.memory_space<vmem>> -> memref<80xi32, #tpu.memory_space<vmem>>
        %dma_wait3A_154 = arith.constant 0 : i32
        %dma_wait3A_155 = arith.constant 0 : i32
        %dma_wait3A_156 = tpu.memref_slice %arg11[%dma_wait3A_154, %dma_wait3A_155] : memref<10008x128xf32, #tpu.memory_space<vmem_shared>> -> memref<10008x128xf32, #tpu.memory_space<vmem_shared>>
        tpu.wait_indirect_dma semaphore(%run_scoped3A_144 : memref<!tpu.dma_semaphore, #tpu.memory_space<semaphore_mem>>) src(%arg10 : memref<80x128xf32, #tpu.memory_space<vmem>>) dst(%dma_wait3A_156 : memref<10008x128xf32, #tpu.memory_space<vmem_shared>>)
        tpu.yield
      }) : () -> ()
      %dma_wait3A_90 = arith.constant 4 : i32
      %dma_wait3A_91 = arith.constant 0 : i32
      %dma_wait3A_92 = tpu.memref_slice %arg7[%dma_wait3A_90, %dma_wait3A_91] : memref<8x80xi32, #tpu.memory_space<vmem>> -> memref<1x80xi32, #tpu.memory_space<vmem>>
      %dma_wait3A_93 = tpu.memref_squeeze %dma_wait3A_92 : memref<1x80xi32, #tpu.memory_space<vmem>> -> memref<80xi32, #tpu.memory_space<vmem>>
      %dma_wait3A_94 = arith.constant 0 : i32
      %dma_wait3A_95 = arith.constant 0 : i32
      %dma_wait3A_96 = tpu.memref_slice %arg2[%dma_wait3A_94, %dma_wait3A_95] : memref<10000x128xf32, #tpu.memory_space<hbm>> -> memref<10000x128xf32, #tpu.memory_space<hbm>>
      tpu.wait_indirect_dma semaphore(%arg12 : memref<!tpu.dma_semaphore, #tpu.memory_space<semaphore_mem>>) src(%dma_wait3A_96 : memref<10000x128xf32, #tpu.memory_space<hbm>>) dst(%arg9 : memref<80x128xf32, #tpu.memory_space<vmem>>)
      %dma_start3A_97 = arith.constant 5 : i32
      %dma_start3A_98 = arith.constant 0 : i32
      %dma_start3A_99 = tpu.memref_slice %arg7[%dma_start3A_97, %dma_start3A_98] : memref<8x80xi32, #tpu.memory_space<vmem>> -> memref<1x80xi32, #tpu.memory_space<vmem>>
      %dma_start3A_100 = tpu.memref_squeeze %dma_start3A_99 : memref<1x80xi32, #tpu.memory_space<vmem>> -> memref<80xi32, #tpu.memory_space<vmem>>
      %dma_start3A_101 = arith.constant 0 : i32
      %dma_start3A_102 = arith.constant 0 : i32
      %dma_start3A_103 = tpu.memref_slice %arg2[%dma_start3A_101, %dma_start3A_102] : memref<10000x128xf32, #tpu.memory_space<hbm>> -> memref<10000x128xf32, #tpu.memory_space<hbm>>
      tpu.enqueue_indirect_dma source(%dma_start3A_103 : memref<10000x128xf32, #tpu.memory_space<hbm>>) target(%arg10 : memref<80x128xf32, #tpu.memory_space<vmem>>) offsets(%dma_start3A_100 : memref<80xi32, #tpu.memory_space<vmem>>) semaphore(%arg13 : memref<!tpu.dma_semaphore, #tpu.memory_space<semaphore_mem>>)
      %run_scoped3A_104 = arith.constant 4 : i32
      "tpu.region"() ({
        %run_scoped3A_144 = tpu.sem_alloc : memref<!tpu.dma_semaphore, #tpu.memory_space<semaphore_mem>>
        %dma_start3A_145 = arith.constant 0 : i32
        %dma_start3A_146 = tpu.memref_slice %arg8[%run_scoped3A_104, %dma_start3A_145] : memref<8x80xi32, #tpu.memory_space<vmem>> -> memref<1x80xi32, #tpu.memory_space<vmem>>
        %dma_start3A_147 = tpu.memref_squeeze %dma_start3A_146 : memref<1x80xi32, #tpu.memory_space<vmem>> -> memref<80xi32, #tpu.memory_space<vmem>>
        %dma_start3A_148 = arith.constant 0 : i32
        %dma_start3A_149 = arith.constant 0 : i32
        %dma_start3A_150 = tpu.memref_slice %arg11[%dma_start3A_148, %dma_start3A_149] : memref<10008x128xf32, #tpu.memory_space<vmem_shared>> -> memref<10008x128xf32, #tpu.memory_space<vmem_shared>>
        tpu.enqueue_indirect_dma source(%arg9 : memref<80x128xf32, #tpu.memory_space<vmem>>) target(%dma_start3A_150 : memref<10008x128xf32, #tpu.memory_space<vmem_shared>>) offsets(%dma_start3A_147 : memref<80xi32, #tpu.memory_space<vmem>>) semaphore(%run_scoped3A_144 : memref<!tpu.dma_semaphore, #tpu.memory_space<semaphore_mem>>) {add = true}
        %dma_wait3A_151 = arith.constant 0 : i32
        %dma_wait3A_152 = tpu.memref_slice %arg8[%run_scoped3A_104, %dma_wait3A_151] : memref<8x80xi32, #tpu.memory_space<vmem>> -> memref<1x80xi32, #tpu.memory_space<vmem>>
        %dma_wait3A_153 = tpu.memref_squeeze %dma_wait3A_152 : memref<1x80xi32, #tpu.memory_space<vmem>> -> memref<80xi32, #tpu.memory_space<vmem>>
        %dma_wait3A_154 = arith.constant 0 : i32
        %dma_wait3A_155 = arith.constant 0 : i32
        %dma_wait3A_156 = tpu.memref_slice %arg11[%dma_wait3A_154, %dma_wait3A_155] : memref<10008x128xf32, #tpu.memory_space<vmem_shared>> -> memref<10008x128xf32, #tpu.memory_space<vmem_shared>>
        tpu.wait_indirect_dma semaphore(%run_scoped3A_144 : memref<!tpu.dma_semaphore, #tpu.memory_space<semaphore_mem>>) src(%arg9 : memref<80x128xf32, #tpu.memory_space<vmem>>) dst(%dma_wait3A_156 : memref<10008x128xf32, #tpu.memory_space<vmem_shared>>)
        tpu.yield
      }) : () -> ()
      %dma_wait3A_105 = arith.constant 5 : i32
      %dma_wait3A_106 = arith.constant 0 : i32
      %dma_wait3A_107 = tpu.memref_slice %arg7[%dma_wait3A_105, %dma_wait3A_106] : memref<8x80xi32, #tpu.memory_space<vmem>> -> memref<1x80xi32, #tpu.memory_space<vmem>>
      %dma_wait3A_108 = tpu.memref_squeeze %dma_wait3A_107 : memref<1x80xi32, #tpu.memory_space<vmem>> -> memref<80xi32, #tpu.memory_space<vmem>>
      %dma_wait3A_109 = arith.constant 0 : i32
      %dma_wait3A_110 = arith.constant 0 : i32
      %dma_wait3A_111 = tpu.memref_slice %arg2[%dma_wait3A_109, %dma_wait3A_110] : memref<10000x128xf32, #tpu.memory_space<hbm>> -> memref<10000x128xf32, #tpu.memory_space<hbm>>
      tpu.wait_indirect_dma semaphore(%arg13 : memref<!tpu.dma_semaphore, #tpu.memory_space<semaphore_mem>>) src(%dma_wait3A_111 : memref<10000x128xf32, #tpu.memory_space<hbm>>) dst(%arg10 : memref<80x128xf32, #tpu.memory_space<vmem>>)
      %dma_start3A_112 = arith.constant 6 : i32
      %dma_start3A_113 = arith.constant 0 : i32
      %dma_start3A_114 = tpu.memref_slice %arg7[%dma_start3A_112, %dma_start3A_113] : memref<8x80xi32, #tpu.memory_space<vmem>> -> memref<1x80xi32, #tpu.memory_space<vmem>>
      %dma_start3A_115 = tpu.memref_squeeze %dma_start3A_114 : memref<1x80xi32, #tpu.memory_space<vmem>> -> memref<80xi32, #tpu.memory_space<vmem>>
      %dma_start3A_116 = arith.constant 0 : i32
      %dma_start3A_117 = arith.constant 0 : i32
      %dma_start3A_118 = tpu.memref_slice %arg2[%dma_start3A_116, %dma_start3A_117] : memref<10000x128xf32, #tpu.memory_space<hbm>> -> memref<10000x128xf32, #tpu.memory_space<hbm>>
      tpu.enqueue_indirect_dma source(%dma_start3A_118 : memref<10000x128xf32, #tpu.memory_space<hbm>>) target(%arg9 : memref<80x128xf32, #tpu.memory_space<vmem>>) offsets(%dma_start3A_115 : memref<80xi32, #tpu.memory_space<vmem>>) semaphore(%arg12 : memref<!tpu.dma_semaphore, #tpu.memory_space<semaphore_mem>>)
      %run_scoped3A_119 = arith.constant 5 : i32
      "tpu.region"() ({
        %run_scoped3A_144 = tpu.sem_alloc : memref<!tpu.dma_semaphore, #tpu.memory_space<semaphore_mem>>
        %dma_start3A_145 = arith.constant 0 : i32
        %dma_start3A_146 = tpu.memref_slice %arg8[%run_scoped3A_119, %dma_start3A_145] : memref<8x80xi32, #tpu.memory_space<vmem>> -> memref<1x80xi32, #tpu.memory_space<vmem>>
        %dma_start3A_147 = tpu.memref_squeeze %dma_start3A_146 : memref<1x80xi32, #tpu.memory_space<vmem>> -> memref<80xi32, #tpu.memory_space<vmem>>
        %dma_start3A_148 = arith.constant 0 : i32
        %dma_start3A_149 = arith.constant 0 : i32
        %dma_start3A_150 = tpu.memref_slice %arg11[%dma_start3A_148, %dma_start3A_149] : memref<10008x128xf32, #tpu.memory_space<vmem_shared>> -> memref<10008x128xf32, #tpu.memory_space<vmem_shared>>
        tpu.enqueue_indirect_dma source(%arg10 : memref<80x128xf32, #tpu.memory_space<vmem>>) target(%dma_start3A_150 : memref<10008x128xf32, #tpu.memory_space<vmem_shared>>) offsets(%dma_start3A_147 : memref<80xi32, #tpu.memory_space<vmem>>) semaphore(%run_scoped3A_144 : memref<!tpu.dma_semaphore, #tpu.memory_space<semaphore_mem>>) {add = true}
        %dma_wait3A_151 = arith.constant 0 : i32
        %dma_wait3A_152 = tpu.memref_slice %arg8[%run_scoped3A_119, %dma_wait3A_151] : memref<8x80xi32, #tpu.memory_space<vmem>> -> memref<1x80xi32, #tpu.memory_space<vmem>>
        %dma_wait3A_153 = tpu.memref_squeeze %dma_wait3A_152 : memref<1x80xi32, #tpu.memory_space<vmem>> -> memref<80xi32, #tpu.memory_space<vmem>>
        %dma_wait3A_154 = arith.constant 0 : i32
        %dma_wait3A_155 = arith.constant 0 : i32
        %dma_wait3A_156 = tpu.memref_slice %arg11[%dma_wait3A_154, %dma_wait3A_155] : memref<10008x128xf32, #tpu.memory_space<vmem_shared>> -> memref<10008x128xf32, #tpu.memory_space<vmem_shared>>
        tpu.wait_indirect_dma semaphore(%run_scoped3A_144 : memref<!tpu.dma_semaphore, #tpu.memory_space<semaphore_mem>>) src(%arg10 : memref<80x128xf32, #tpu.memory_space<vmem>>) dst(%dma_wait3A_156 : memref<10008x128xf32, #tpu.memory_space<vmem_shared>>)
        tpu.yield
      }) : () -> ()
      %dma_wait3A_120 = arith.constant 6 : i32
      %dma_wait3A_121 = arith.constant 0 : i32
      %dma_wait3A_122 = tpu.memref_slice %arg7[%dma_wait3A_120, %dma_wait3A_121] : memref<8x80xi32, #tpu.memory_space<vmem>> -> memref<1x80xi32, #tpu.memory_space<vmem>>
      %dma_wait3A_123 = tpu.memref_squeeze %dma_wait3A_122 : memref<1x80xi32, #tpu.memory_space<vmem>> -> memref<80xi32, #tpu.memory_space<vmem>>
      %dma_wait3A_124 = arith.constant 0 : i32
      %dma_wait3A_125 = arith.constant 0 : i32
      %dma_wait3A_126 = tpu.memref_slice %arg2[%dma_wait3A_124, %dma_wait3A_125] : memref<10000x128xf32, #tpu.memory_space<hbm>> -> memref<10000x128xf32, #tpu.memory_space<hbm>>
      tpu.wait_indirect_dma semaphore(%arg12 : memref<!tpu.dma_semaphore, #tpu.memory_space<semaphore_mem>>) src(%dma_wait3A_126 : memref<10000x128xf32, #tpu.memory_space<hbm>>) dst(%arg9 : memref<80x128xf32, #tpu.memory_space<vmem>>)
      %dma_start3A_127 = arith.constant 7 : i32
      %dma_start3A_128 = arith.constant 0 : i32
      %dma_start3A_129 = tpu.memref_slice %arg7[%dma_start3A_127, %dma_start3A_128] : memref<8x80xi32, #tpu.memory_space<vmem>> -> memref<1x80xi32, #tpu.memory_space<vmem>>
      %dma_start3A_130 = tpu.memref_squeeze %dma_start3A_129 : memref<1x80xi32, #tpu.memory_space<vmem>> -> memref<80xi32, #tpu.memory_space<vmem>>
      %dma_start3A_131 = arith.constant 0 : i32
      %dma_start3A_132 = arith.constant 0 : i32
      %dma_start3A_133 = tpu.memref_slice %arg2[%dma_start3A_131, %dma_start3A_132] : memref<10000x128xf32, #tpu.memory_space<hbm>> -> memref<10000x128xf32, #tpu.memory_space<hbm>>
      tpu.enqueue_indirect_dma source(%dma_start3A_133 : memref<10000x128xf32, #tpu.memory_space<hbm>>) target(%arg10 : memref<80x128xf32, #tpu.memory_space<vmem>>) offsets(%dma_start3A_130 : memref<80xi32, #tpu.memory_space<vmem>>) semaphore(%arg13 : memref<!tpu.dma_semaphore, #tpu.memory_space<semaphore_mem>>)
      %run_scoped3A_134 = arith.constant 6 : i32
      "tpu.region"() ({
        %run_scoped3A_144 = tpu.sem_alloc : memref<!tpu.dma_semaphore, #tpu.memory_space<semaphore_mem>>
        %dma_start3A_145 = arith.constant 0 : i32
        %dma_start3A_146 = tpu.memref_slice %arg8[%run_scoped3A_134, %dma_start3A_145] : memref<8x80xi32, #tpu.memory_space<vmem>> -> memref<1x80xi32, #tpu.memory_space<vmem>>
        %dma_start3A_147 = tpu.memref_squeeze %dma_start3A_146 : memref<1x80xi32, #tpu.memory_space<vmem>> -> memref<80xi32, #tpu.memory_space<vmem>>
        %dma_start3A_148 = arith.constant 0 : i32
        %dma_start3A_149 = arith.constant 0 : i32
        %dma_start3A_150 = tpu.memref_slice %arg11[%dma_start3A_148, %dma_start3A_149] : memref<10008x128xf32, #tpu.memory_space<vmem_shared>> -> memref<10008x128xf32, #tpu.memory_space<vmem_shared>>
        tpu.enqueue_indirect_dma source(%arg9 : memref<80x128xf32, #tpu.memory_space<vmem>>) target(%dma_start3A_150 : memref<10008x128xf32, #tpu.memory_space<vmem_shared>>) offsets(%dma_start3A_147 : memref<80xi32, #tpu.memory_space<vmem>>) semaphore(%run_scoped3A_144 : memref<!tpu.dma_semaphore, #tpu.memory_space<semaphore_mem>>) {add = true}
        %dma_wait3A_151 = arith.constant 0 : i32
        %dma_wait3A_152 = tpu.memref_slice %arg8[%run_scoped3A_134, %dma_wait3A_151] : memref<8x80xi32, #tpu.memory_space<vmem>> -> memref<1x80xi32, #tpu.memory_space<vmem>>
        %dma_wait3A_153 = tpu.memref_squeeze %dma_wait3A_152 : memref<1x80xi32, #tpu.memory_space<vmem>> -> memref<80xi32, #tpu.memory_space<vmem>>
        %dma_wait3A_154 = arith.constant 0 : i32
        %dma_wait3A_155 = arith.constant 0 : i32
        %dma_wait3A_156 = tpu.memref_slice %arg11[%dma_wait3A_154, %dma_wait3A_155] : memref<10008x128xf32, #tpu.memory_space<vmem_shared>> -> memref<10008x128xf32, #tpu.memory_space<vmem_shared>>
        tpu.wait_indirect_dma semaphore(%run_scoped3A_144 : memref<!tpu.dma_semaphore, #tpu.memory_space<semaphore_mem>>) src(%arg9 : memref<80x128xf32, #tpu.memory_space<vmem>>) dst(%dma_wait3A_156 : memref<10008x128xf32, #tpu.memory_space<vmem_shared>>)
        tpu.yield
      }) : () -> ()
      %dma_wait3A_135 = arith.constant 7 : i32
      %dma_wait3A_136 = arith.constant 0 : i32
      %dma_wait3A_137 = tpu.memref_slice %arg7[%dma_wait3A_135, %dma_wait3A_136] : memref<8x80xi32, #tpu.memory_space<vmem>> -> memref<1x80xi32, #tpu.memory_space<vmem>>
      %dma_wait3A_138 = tpu.memref_squeeze %dma_wait3A_137 : memref<1x80xi32, #tpu.memory_space<vmem>> -> memref<80xi32, #tpu.memory_space<vmem>>
      %dma_wait3A_139 = arith.constant 0 : i32
      %dma_wait3A_140 = arith.constant 0 : i32
      %dma_wait3A_141 = tpu.memref_slice %arg2[%dma_wait3A_139, %dma_wait3A_140] : memref<10000x128xf32, #tpu.memory_space<hbm>> -> memref<10000x128xf32, #tpu.memory_space<hbm>>
      tpu.wait_indirect_dma semaphore(%arg13 : memref<!tpu.dma_semaphore, #tpu.memory_space<semaphore_mem>>) src(%dma_wait3A_141 : memref<10000x128xf32, #tpu.memory_space<hbm>>) dst(%arg10 : memref<80x128xf32, #tpu.memory_space<vmem>>)
      %run_scoped3A_142 = arith.constant 7 : i32
      "tpu.region"() ({
        %run_scoped3A_144 = tpu.sem_alloc : memref<!tpu.dma_semaphore, #tpu.memory_space<semaphore_mem>>
        %dma_start3A_145 = arith.constant 0 : i32
        %dma_start3A_146 = tpu.memref_slice %arg8[%run_scoped3A_142, %dma_start3A_145] : memref<8x80xi32, #tpu.memory_space<vmem>> -> memref<1x80xi32, #tpu.memory_space<vmem>>
        %dma_start3A_147 = tpu.memref_squeeze %dma_start3A_146 : memref<1x80xi32, #tpu.memory_space<vmem>> -> memref<80xi32, #tpu.memory_space<vmem>>
        %dma_start3A_148 = arith.constant 0 : i32
        %dma_start3A_149 = arith.constant 0 : i32
        %dma_start3A_150 = tpu.memref_slice %arg11[%dma_start3A_148, %dma_start3A_149] : memref<10008x128xf32, #tpu.memory_space<vmem_shared>> -> memref<10008x128xf32, #tpu.memory_space<vmem_shared>>
        tpu.enqueue_indirect_dma source(%arg10 : memref<80x128xf32, #tpu.memory_space<vmem>>) target(%dma_start3A_150 : memref<10008x128xf32, #tpu.memory_space<vmem_shared>>) offsets(%dma_start3A_147 : memref<80xi32, #tpu.memory_space<vmem>>) semaphore(%run_scoped3A_144 : memref<!tpu.dma_semaphore, #tpu.memory_space<semaphore_mem>>) {add = true}
        %dma_wait3A_151 = arith.constant 0 : i32
        %dma_wait3A_152 = tpu.memref_slice %arg8[%run_scoped3A_142, %dma_wait3A_151] : memref<8x80xi32, #tpu.memory_space<vmem>> -> memref<1x80xi32, #tpu.memory_space<vmem>>
        %dma_wait3A_153 = tpu.memref_squeeze %dma_wait3A_152 : memref<1x80xi32, #tpu.memory_space<vmem>> -> memref<80xi32, #tpu.memory_space<vmem>>
        %dma_wait3A_154 = arith.constant 0 : i32
        %dma_wait3A_155 = arith.constant 0 : i32
        %dma_wait3A_156 = tpu.memref_slice %arg11[%dma_wait3A_154, %dma_wait3A_155] : memref<10008x128xf32, #tpu.memory_space<vmem_shared>> -> memref<10008x128xf32, #tpu.memory_space<vmem_shared>>
        tpu.wait_indirect_dma semaphore(%run_scoped3A_144 : memref<!tpu.dma_semaphore, #tpu.memory_space<semaphore_mem>>) src(%arg10 : memref<80x128xf32, #tpu.memory_space<vmem>>) dst(%dma_wait3A_156 : memref<10008x128xf32, #tpu.memory_space<vmem_shared>>)
        tpu.yield
      }) : () -> ()
      %scan3A_143 = arith.constant 0 : i32
      scf.yield %scan3A_143 : i32
    }
    %scan3A_12 = arith.constant 16 : i32
    %barrier3A_13 = arith.constant 0 : index
    tpu.barrier barrier_id(%barrier3A_13)
    %lt3A_14 = arith.constant 15 : i32
    %lt3A_15 = arith.cmpi slt, %arg1, %lt3A_14 : i32
    %convert_element_type3A_16 = arith.extui %lt3A_15 : i1 to i32
    %cond3A_17 = arith.constant 0 : i32
    %cond3A_18 = arith.cmpi ne, %convert_element_type3A_16, %cond3A_17 : i32
    scf.if %cond3A_18 {
      %mul3A_24 = arith.constant 640 : i32
      %mul3A_25 = arith.muli %arg1, %mul3A_24 : i32
      %mul3A_26 = arith.constant 640 : i32
      %mul3A_27 = arith.muli %arg1, %mul3A_26 : i32
      "tpu.region"() ({
        %run_scoped3A = tpu.sem_alloc : memref<!tpu.dma_semaphore, #tpu.memory_space<semaphore_mem>>
        %dma_start3A = arith.constant 0 : i32
        %dma_start3A_28 = tpu.memref_slice %arg6[%arg0, %mul3A_27, %dma_start3A] : memref<2x10000x128xf32, #tpu.memory_space<hbm>> -> memref<1x640x128xf32, #tpu.memory_space<hbm>>
        %dma_start3A_29 = tpu.memref_squeeze %dma_start3A_28 : memref<1x640x128xf32, #tpu.memory_space<hbm>> -> memref<640x128xf32, #tpu.memory_space<hbm>>
        %dma_start3A_30 = arith.constant 0 : i32
        %dma_start3A_31 = tpu.memref_slice %arg11[%mul3A_25, %dma_start3A_30] : memref<10008x128xf32, #tpu.memory_space<vmem_shared>> -> memref<640x128xf32, #tpu.memory_space<vmem_shared>>
        tpu.enqueue_dma source(%dma_start3A_31 : memref<640x128xf32, #tpu.memory_space<vmem_shared>>) target(%dma_start3A_29 : memref<640x128xf32, #tpu.memory_space<hbm>>) target_semaphore(%run_scoped3A : memref<!tpu.dma_semaphore, #tpu.memory_space<semaphore_mem>>)
        %dma_wait3A = arith.constant 0 : i32
        %dma_wait3A_32 = tpu.memref_slice %arg6[%arg0, %mul3A_27, %dma_wait3A] : memref<2x10000x128xf32, #tpu.memory_space<hbm>> -> memref<1x640x128xf32, #tpu.memory_space<hbm>>
        %dma_wait3A_33 = tpu.memref_squeeze %dma_wait3A_32 : memref<1x640x128xf32, #tpu.memory_space<hbm>> -> memref<640x128xf32, #tpu.memory_space<hbm>>
        %dma_wait3A_34 = arith.constant 0 : i32
        %dma_wait3A_35 = tpu.memref_slice %arg11[%mul3A_25, %dma_wait3A_34] : memref<10008x128xf32, #tpu.memory_space<vmem_shared>> -> memref<640x128xf32, #tpu.memory_space<vmem_shared>>
        tpu.wait_dma2 semaphore(%run_scoped3A : memref<!tpu.dma_semaphore, #tpu.memory_space<semaphore_mem>>) src(%dma_wait3A_35 : memref<640x128xf32, #tpu.memory_space<vmem_shared>>) dst(%dma_wait3A_33 : memref<640x128xf32, #tpu.memory_space<hbm>>)
        tpu.yield
      }) : () -> ()
    } else {
    }
    %eq3A_19 = arith.constant 15 : i32
    %eq3A_20 = arith.cmpi eq, %arg1, %eq3A_19 : i32
    %convert_element_type3A_21 = arith.extui %eq3A_20 : i1 to i32
    %cond3A_22 = arith.constant 0 : i32
    %cond3A_23 = arith.cmpi ne, %convert_element_type3A_21, %cond3A_22 : i32
    scf.if %cond3A_23 {
      "tpu.region"() ({
        %run_scoped3A = tpu.sem_alloc : memref<!tpu.dma_semaphore, #tpu.memory_space<semaphore_mem>>
        %dma_start3A = arith.constant 9600 : i32
        %dma_start3A_24 = arith.constant 0 : i32
        %dma_start3A_25 = tpu.memref_slice %arg6[%arg0, %dma_start3A, %dma_start3A_24] : memref<2x10000x128xf32, #tpu.memory_space<hbm>> -> memref<1x400x128xf32, #tpu.memory_space<hbm>>
        %dma_start3A_26 = tpu.memref_squeeze %dma_start3A_25 : memref<1x400x128xf32, #tpu.memory_space<hbm>> -> memref<400x128xf32, #tpu.memory_space<hbm>>
        %dma_start3A_27 = arith.constant 9600 : i32
        %dma_start3A_28 = arith.constant 0 : i32
        %dma_start3A_29 = tpu.memref_slice %arg11[%dma_start3A_27, %dma_start3A_28] : memref<10008x128xf32, #tpu.memory_space<vmem_shared>> -> memref<400x128xf32, #tpu.memory_space<vmem_shared>>
        tpu.enqueue_dma source(%dma_start3A_29 : memref<400x128xf32, #tpu.memory_space<vmem_shared>>) target(%dma_start3A_26 : memref<400x128xf32, #tpu.memory_space<hbm>>) target_semaphore(%run_scoped3A : memref<!tpu.dma_semaphore, #tpu.memory_space<semaphore_mem>>)
        %dma_wait3A = arith.constant 9600 : i32
        %dma_wait3A_30 = arith.constant 0 : i32
        %dma_wait3A_31 = tpu.memref_slice %arg6[%arg0, %dma_wait3A, %dma_wait3A_30] : memref<2x10000x128xf32, #tpu.memory_space<hbm>> -> memref<1x400x128xf32, #tpu.memory_space<hbm>>
        %dma_wait3A_32 = tpu.memref_squeeze %dma_wait3A_31 : memref<1x400x128xf32, #tpu.memory_space<hbm>> -> memref<400x128xf32, #tpu.memory_space<hbm>>
        %dma_wait3A_33 = arith.constant 9600 : i32
        %dma_wait3A_34 = arith.constant 0 : i32
        %dma_wait3A_35 = tpu.memref_slice %arg11[%dma_wait3A_33, %dma_wait3A_34] : memref<10008x128xf32, #tpu.memory_space<vmem_shared>> -> memref<400x128xf32, #tpu.memory_space<vmem_shared>>
        tpu.wait_dma2 semaphore(%run_scoped3A : memref<!tpu.dma_semaphore, #tpu.memory_space<semaphore_mem>>) src(%dma_wait3A_35 : memref<400x128xf32, #tpu.memory_space<vmem_shared>>) dst(%dma_wait3A_32 : memref<400x128xf32, #tpu.memory_space<hbm>>)
        tpu.yield
      }) : () -> ()
    } else {
    }
    return
  }
}

module attributes {stable_mosaic.version = 14 : i64} {
  func.func @body(%arg0: i32, %arg1: memref<2x1000x1xf32, #tpu.memory_space<vmem>>, %arg2: memref<1000x128xf32, #tpu.memory_space<vmem>>, %arg3: memref<128x128xf32, #tpu.memory_space<vmem>>, %arg4: memref<1000x128xf32, #tpu.memory_space<vmem>>) attributes {dimension_semantics = [#tpu.dimension_semantics<arbitrary>], iteration_bounds = array<i64: 10>, scalar_prefetch = 0 : i64, scratch_operands = 0 : i64, tpu.core_type = #tpu.core_type<tc>, window_params = [{transform_indices = @transform_0, window_bounds = array<i64: 2, 1000, 1>}, {transform_indices = @transform_1, window_bounds = array<i64: 1000, 128>}, {pipeline_mode = #tpu.pipeline_mode<synchronous>, transform_indices = @transform_2, window_bounds = array<i64: 128, 128>}, {transform_indices = @transform_3, window_bounds = array<i64: 1000, 128>}]} {
    %get3A = arith.constant 0 : index
    %get3A_0 = arith.constant 0 : index
    %get3A_1 = arith.constant 0 : index
    %get3A_2 = vector.load %arg1[%get3A, %get3A_0, %get3A_1] : memref<2x1000x1xf32, #tpu.memory_space<vmem>>, vector<2x1000x1xf32>
    %slice3A = vector.extract_strided_slice %get3A_2 {offsets = [0, 0, 0], sizes = [1, 1000, 1], strides = [1, 1, 1]} : vector<2x1000x1xf32> to vector<1x1000x1xf32>
    %squeeze3A = vector.shape_cast %slice3A : vector<1x1000x1xf32> to vector<1000x1xf32>
    %slice3A_3 = vector.extract_strided_slice %get3A_2 {offsets = [1, 0, 0], sizes = [1, 1000, 1], strides = [1, 1, 1]} : vector<2x1000x1xf32> to vector<1x1000x1xf32>
    %squeeze3A_4 = vector.shape_cast %slice3A_3 : vector<1x1000x1xf32> to vector<1000x1xf32>
    %add3A = arith.addf %squeeze3A, %squeeze3A_4 : vector<1000x1xf32>
    %add3A_5 = arith.constant 1.000000e+00 : f32
    %add3A_6 = vector.broadcast %add3A_5 : f32 to vector<1000x1xf32>
    %add3A_7 = arith.addf %add3A, %add3A_6 : vector<1000x1xf32>
    %rsqrt3A = math.rsqrt %add3A_7 : vector<1000x1xf32>
    %get3A_8 = arith.constant 0 : index
    %get3A_9 = arith.constant 0 : index
    %get3A_10 = vector.load %arg2[%get3A_8, %get3A_9] : memref<1000x128xf32, #tpu.memory_space<vmem>>, vector<1000x128xf32>
    %get3A_11 = arith.constant 0 : index
    %get3A_12 = arith.constant 0 : index
    %get3A_13 = vector.load %arg3[%get3A_11, %get3A_12] : memref<128x128xf32, #tpu.memory_space<vmem>>, vector<128x128xf32>
    %dot_general3A = arith.constant dense<0.000000e+00> : vector<1000x128xf32>
    %dot_general3A_14 = tpu.matmul %get3A_10, %get3A_13, %dot_general3A {dimension_numbers = #tpu.dot_dimension_numbers<[1], [0], [0], [1], [0, 0, 1, 1], [], []>, transpose_lhs_hint = false} : vector<1000x128xf32>, vector<128x128xf32>, vector<1000x128xf32> -> vector<1000x128xf32>
    %mul3A = vector.broadcast %rsqrt3A : vector<1000x1xf32> to vector<1000x128xf32>
    %mul3A_15 = arith.mulf %mul3A, %dot_general3A_14 : vector<1000x128xf32>
    %swap3A = arith.constant 0 : index
    %swap3A_16 = arith.constant 0 : index
    %swap3A_17 = vector.load %arg4[%swap3A, %swap3A_16] : memref<1000x128xf32, #tpu.memory_space<vmem>>, vector<1000x128xf32>
    tpu.vector_store %arg4[%swap3A, %swap3A_16], %mul3A_15 {strides = array<i32>} : memref<1000x128xf32, #tpu.memory_space<vmem>>, vector<1000x128xf32>,
    return
  }
  func.func @transform_0(%arg0: i32) -> (i32, i32, i32) {
    %c0_i32 = arith.constant 0 : i32
    %c0_i32_0 = arith.constant 0 : i32
    %c0_i32_1 = arith.constant 0 : i32
    return %c0_i32, %arg0, %c0_i32_0 : i32, i32, i32
  }
  func.func @transform_1(%arg0: i32) -> (i32, i32) {
    %c0_i32 = arith.constant 0 : i32
    %c0_i32_0 = arith.constant 0 : i32
    return %arg0, %c0_i32 : i32, i32
  }
  func.func @transform_2(%arg0: i32) -> (i32, i32) {
    %c0_i32 = arith.constant 0 : i32
    %c0_i32_0 = arith.constant 0 : i32
    %c0_i32_1 = arith.constant 0 : i32
    return %c0_i32, %c0_i32_0 : i32, i32
  }
  func.func @transform_3(%arg0: i32) -> (i32, i32) {
    %c0_i32 = arith.constant 0 : i32
    %c0_i32_0 = arith.constant 0 : i32
    return %arg0, %c0_i32 : i32, i32
  }
}

module attributes {stable_mosaic.version = 14 : i64} {
  func.func @body(%arg0: i32, %arg1: memref<2x1000x1xf32, #tpu.memory_space<vmem>>, %arg2: memref<2x1000x128xf32, #tpu.memory_space<vmem>>, %arg3: memref<1000x128xf32, #tpu.memory_space<vmem>>, %arg4: memref<1x128xf32, #tpu.memory_space<vmem>>, %arg5: memref<128x128xf32, #tpu.memory_space<vmem>>, %arg6: memref<1000x128xf32, #tpu.memory_space<vmem>>) attributes {dimension_semantics = [#tpu.dimension_semantics<arbitrary>], iteration_bounds = array<i64: 10>, scalar_prefetch = 0 : i64, scratch_operands = 0 : i64, tpu.core_type = #tpu.core_type<tc>, window_params = [{transform_indices = @transform_0, window_bounds = array<i64: 2, 1000, 1>}, {transform_indices = @transform_1, window_bounds = array<i64: 2, 1000, 128>}, {transform_indices = @transform_2, window_bounds = array<i64: 1000, 128>}, {pipeline_mode = #tpu.pipeline_mode<synchronous>, transform_indices = @transform_3, window_bounds = array<i64: 1, 128>}, {pipeline_mode = #tpu.pipeline_mode<synchronous>, transform_indices = @transform_4, window_bounds = array<i64: 128, 128>}, {transform_indices = @transform_5, window_bounds = array<i64: 1000, 128>}]} {
    %get3A = arith.constant 0 : index
    %get3A_0 = arith.constant 0 : index
    %get3A_1 = arith.constant 0 : index
    %get3A_2 = vector.load %arg1[%get3A, %get3A_0, %get3A_1] : memref<2x1000x1xf32, #tpu.memory_space<vmem>>, vector<2x1000x1xf32>
    %slice3A = vector.extract_strided_slice %get3A_2 {offsets = [0, 0, 0], sizes = [1, 1000, 1], strides = [1, 1, 1]} : vector<2x1000x1xf32> to vector<1x1000x1xf32>
    %squeeze3A = vector.shape_cast %slice3A : vector<1x1000x1xf32> to vector<1000x1xf32>
    %slice3A_3 = vector.extract_strided_slice %get3A_2 {offsets = [1, 0, 0], sizes = [1, 1000, 1], strides = [1, 1, 1]} : vector<2x1000x1xf32> to vector<1x1000x1xf32>
    %squeeze3A_4 = vector.shape_cast %slice3A_3 : vector<1x1000x1xf32> to vector<1000x1xf32>
    %add3A = arith.addf %squeeze3A, %squeeze3A_4 : vector<1000x1xf32>
    %add3A_5 = arith.constant 1.000000e+00 : f32
    %add3A_6 = vector.broadcast %add3A_5 : f32 to vector<1000x1xf32>
    %add3A_7 = arith.addf %add3A, %add3A_6 : vector<1000x1xf32>
    %rsqrt3A = math.rsqrt %add3A_7 : vector<1000x1xf32>
    %get3A_8 = arith.constant 0 : index
    %get3A_9 = arith.constant 0 : index
    %get3A_10 = arith.constant 0 : index
    %get3A_11 = vector.load %arg2[%get3A_8, %get3A_9, %get3A_10] : memref<2x1000x128xf32, #tpu.memory_space<vmem>>, vector<2x1000x128xf32>
    %slice3A_12 = vector.extract_strided_slice %get3A_11 {offsets = [0, 0, 0], sizes = [1, 1000, 128], strides = [1, 1, 1]} : vector<2x1000x128xf32> to vector<1x1000x128xf32>
    %squeeze3A_13 = vector.shape_cast %slice3A_12 : vector<1x1000x128xf32> to vector<1000x128xf32>
    %slice3A_14 = vector.extract_strided_slice %get3A_11 {offsets = [1, 0, 0], sizes = [1, 1000, 128], strides = [1, 1, 1]} : vector<2x1000x128xf32> to vector<1x1000x128xf32>
    %squeeze3A_15 = vector.shape_cast %slice3A_14 : vector<1x1000x128xf32> to vector<1000x128xf32>
    %add3A_16 = arith.addf %squeeze3A_13, %squeeze3A_15 : vector<1000x128xf32>
    %get3A_17 = arith.constant 0 : index
    %get3A_18 = arith.constant 0 : index
    %get3A_19 = vector.load %arg3[%get3A_17, %get3A_18] : memref<1000x128xf32, #tpu.memory_space<vmem>>, vector<1000x128xf32>
    %add3A_20 = arith.addf %add3A_16, %get3A_19 : vector<1000x128xf32>
    %mul3A = vector.broadcast %rsqrt3A : vector<1000x1xf32> to vector<1000x128xf32>
    %mul3A_21 = arith.mulf %mul3A, %add3A_20 : vector<1000x128xf32>
    %get3A_22 = arith.constant 0 : index
    %get3A_23 = arith.constant 0 : index
    %get3A_24 = vector.load %arg4[%get3A_22, %get3A_23] : memref<1x128xf32, #tpu.memory_space<vmem>>, vector<1x128xf32>
    %add3A_25 = vector.broadcast %get3A_24 : vector<1x128xf32> to vector<1000x128xf32>
    %add3A_26 = arith.addf %mul3A_21, %add3A_25 : vector<1000x128xf32>
    %max3A = arith.constant 0.000000e+00 : f32
    %max3A_27 = vector.broadcast %max3A : f32 to vector<1000x128xf32>
    %max3A_28 = arith.maximumf %add3A_26, %max3A_27 : vector<1000x128xf32>
    %get3A_29 = arith.constant 0 : index
    %get3A_30 = arith.constant 0 : index
    %get3A_31 = vector.load %arg5[%get3A_29, %get3A_30] : memref<128x128xf32, #tpu.memory_space<vmem>>, vector<128x128xf32>
    %dot_general3A = arith.constant dense<0.000000e+00> : vector<1000x128xf32>
    %dot_general3A_32 = tpu.matmul %max3A_28, %get3A_31, %dot_general3A {dimension_numbers = #tpu.dot_dimension_numbers<[1], [0], [0], [1], [0, 0, 1, 1], [], []>, transpose_lhs_hint = false} : vector<1000x128xf32>, vector<128x128xf32>, vector<1000x128xf32> -> vector<1000x128xf32>
    %mul3A_33 = vector.broadcast %rsqrt3A : vector<1000x1xf32> to vector<1000x128xf32>
    %mul3A_34 = arith.mulf %mul3A_33, %dot_general3A_32 : vector<1000x128xf32>
    %swap3A = arith.constant 0 : index
    %swap3A_35 = arith.constant 0 : index
    %swap3A_36 = vector.load %arg6[%swap3A, %swap3A_35] : memref<1000x128xf32, #tpu.memory_space<vmem>>, vector<1000x128xf32>
    tpu.vector_store %arg6[%swap3A, %swap3A_35], %mul3A_34 {strides = array<i32>} : memref<1000x128xf32, #tpu.memory_space<vmem>>, vector<1000x128xf32>,
    return
  }
  func.func @transform_0(%arg0: i32) -> (i32, i32, i32) {
    %c0_i32 = arith.constant 0 : i32
    %c0_i32_0 = arith.constant 0 : i32
    %c0_i32_1 = arith.constant 0 : i32
    return %c0_i32, %arg0, %c0_i32_0 : i32, i32, i32
  }
  func.func @transform_1(%arg0: i32) -> (i32, i32, i32) {
    %c0_i32 = arith.constant 0 : i32
    %c0_i32_0 = arith.constant 0 : i32
    %c0_i32_1 = arith.constant 0 : i32
    return %c0_i32, %arg0, %c0_i32_0 : i32, i32, i32
  }
  func.func @transform_2(%arg0: i32) -> (i32, i32) {
    %c0_i32 = arith.constant 0 : i32
    %c0_i32_0 = arith.constant 0 : i32
    return %arg0, %c0_i32 : i32, i32
  }
  func.func @transform_3(%arg0: i32) -> (i32, i32) {
    %c0_i32 = arith.constant 0 : i32
    %c0_i32_0 = arith.constant 0 : i32
    %c0_i32_1 = arith.constant 0 : i32
    return %c0_i32, %c0_i32_0 : i32, i32
  }
  func.func @transform_4(%arg0: i32) -> (i32, i32) {
    %c0_i32 = arith.constant 0 : i32
    %c0_i32_0 = arith.constant 0 : i32
    %c0_i32_1 = arith.constant 0 : i32
    return %c0_i32, %c0_i32_0 : i32, i32
  }
  func.func @transform_5(%arg0: i32) -> (i32, i32) {
    %c0_i32 = arith.constant 0 : i32
    %c0_i32_0 = arith.constant 0 : i32
    return %arg0, %c0_i32 : i32, i32
  }
}

module attributes {stable_mosaic.version = 14 : i64} {
  func.func @body(%arg0: i32, %arg1: memref<2x1000x1xf32, #tpu.memory_space<vmem>>, %arg2: memref<2x1000x128xf32, #tpu.memory_space<vmem>>, %arg3: memref<1000x128xf32, #tpu.memory_space<vmem>>, %arg4: memref<1x128xf32, #tpu.memory_space<vmem>>, %arg5: memref<1x1x1000xi32, #tpu.memory_space<vmem>>, %arg6: memref<128x10xf32, #tpu.memory_space<vmem>>, %arg7: memref<1x10xf32, #tpu.memory_space<vmem>>, %arg8: memref<64x10xf32, #tpu.memory_space<vmem>>, %arg9: memref<64x128xf32, #tpu.memory_space<vmem>>, %arg10: memref<64x1xf32, #tpu.memory_space<vmem>>) attributes {dimension_semantics = [#tpu.dimension_semantics<arbitrary>], iteration_bounds = array<i64: 10>, scalar_prefetch = 0 : i64, scratch_operands = 2 : i64, tpu.core_type = #tpu.core_type<tc>, window_params = [{transform_indices = @transform_0, window_bounds = array<i64: 2, 1000, 1>}, {transform_indices = @transform_1, window_bounds = array<i64: 2, 1000, 128>}, {transform_indices = @transform_2, window_bounds = array<i64: 1000, 128>}, {pipeline_mode = #tpu.pipeline_mode<synchronous>, transform_indices = @transform_3, window_bounds = array<i64: 1, 128>}, {transform_indices = @transform_4, window_bounds = array<i64: 1, 1, 1000>}, {pipeline_mode = #tpu.pipeline_mode<synchronous>, transform_indices = @transform_5, window_bounds = array<i64: 128, 10>}, {pipeline_mode = #tpu.pipeline_mode<synchronous>, transform_indices = @transform_6, window_bounds = array<i64: 1, 10>}, {pipeline_mode = #tpu.pipeline_mode<synchronous>, transform_indices = @transform_7, window_bounds = array<i64: 64, 10>}]} {
    %eq3A = arith.constant 0 : i32
    %eq3A_0 = arith.cmpi eq, %arg0, %eq3A : i32
    %convert_element_type3A = arith.extui %eq3A_0 : i1 to i32
    %cond3A = arith.constant 0 : i32
    %cond3A_1 = arith.cmpi ne, %convert_element_type3A, %cond3A : i32
    scf.if %cond3A_1 {
      %broadcast_in_dim3A_60 = arith.constant 0.000000e+00 : f32
      %broadcast_in_dim3A_61 = vector.broadcast %broadcast_in_dim3A_60 : f32 to vector<64x128xf32>
      %swap3A_62 = arith.constant 0 : index
      %swap3A_63 = arith.constant 0 : index
      %swap3A_64 = vector.load %arg9[%swap3A_62, %swap3A_63] : memref<64x128xf32, #tpu.memory_space<vmem>>, vector<64x128xf32>
      tpu.vector_store %arg9[%swap3A_62, %swap3A_63], %broadcast_in_dim3A_61 {strides = array<i32>} : memref<64x128xf32, #tpu.memory_space<vmem>>, vector<64x128xf32>,
      %broadcast_in_dim3A_65 = arith.constant 0.000000e+00 : f32
      %broadcast_in_dim3A_66 = vector.broadcast %broadcast_in_dim3A_65 : f32 to vector<64x1xf32>
      %swap3A_67 = arith.constant 0 : index
      %swap3A_68 = arith.constant 0 : index
      %swap3A_69 = vector.load %arg10[%swap3A_67, %swap3A_68] : memref<64x1xf32, #tpu.memory_space<vmem>>, vector<64x1xf32>
      tpu.vector_store %arg10[%swap3A_67, %swap3A_68], %broadcast_in_dim3A_66 {strides = array<i32>} : memref<64x1xf32, #tpu.memory_space<vmem>>, vector<64x1xf32>,
    } else {
    }
    %get3A = arith.constant 0 : index
    %get3A_2 = arith.constant 0 : index
    %get3A_3 = arith.constant 0 : index
    %get3A_4 = vector.load %arg1[%get3A, %get3A_2, %get3A_3] : memref<2x1000x1xf32, #tpu.memory_space<vmem>>, vector<2x1000x1xf32>
    %slice3A = vector.extract_strided_slice %get3A_4 {offsets = [0, 0, 0], sizes = [1, 1000, 1], strides = [1, 1, 1]} : vector<2x1000x1xf32> to vector<1x1000x1xf32>
    %squeeze3A = vector.shape_cast %slice3A : vector<1x1000x1xf32> to vector<1000x1xf32>
    %slice3A_5 = vector.extract_strided_slice %get3A_4 {offsets = [1, 0, 0], sizes = [1, 1000, 1], strides = [1, 1, 1]} : vector<2x1000x1xf32> to vector<1x1000x1xf32>
    %squeeze3A_6 = vector.shape_cast %slice3A_5 : vector<1x1000x1xf32> to vector<1000x1xf32>
    %add3A = arith.addf %squeeze3A, %squeeze3A_6 : vector<1000x1xf32>
    %add3A_7 = arith.constant 1.000000e+00 : f32
    %add3A_8 = vector.broadcast %add3A_7 : f32 to vector<1000x1xf32>
    %add3A_9 = arith.addf %add3A, %add3A_8 : vector<1000x1xf32>
    %rsqrt3A = math.rsqrt %add3A_9 : vector<1000x1xf32>
    %get3A_10 = arith.constant 0 : index
    %get3A_11 = arith.constant 0 : index
    %get3A_12 = arith.constant 0 : index
    %get3A_13 = vector.load %arg2[%get3A_10, %get3A_11, %get3A_12] : memref<2x1000x128xf32, #tpu.memory_space<vmem>>, vector<2x1000x128xf32>
    %slice3A_14 = vector.extract_strided_slice %get3A_13 {offsets = [0, 0, 0], sizes = [1, 1000, 128], strides = [1, 1, 1]} : vector<2x1000x128xf32> to vector<1x1000x128xf32>
    %squeeze3A_15 = vector.shape_cast %slice3A_14 : vector<1x1000x128xf32> to vector<1000x128xf32>
    %slice3A_16 = vector.extract_strided_slice %get3A_13 {offsets = [1, 0, 0], sizes = [1, 1000, 128], strides = [1, 1, 1]} : vector<2x1000x128xf32> to vector<1x1000x128xf32>
    %squeeze3A_17 = vector.shape_cast %slice3A_16 : vector<1x1000x128xf32> to vector<1000x128xf32>
    %add3A_18 = arith.addf %squeeze3A_15, %squeeze3A_17 : vector<1000x128xf32>
    %get3A_19 = arith.constant 0 : index
    %get3A_20 = arith.constant 0 : index
    %get3A_21 = vector.load %arg3[%get3A_19, %get3A_20] : memref<1000x128xf32, #tpu.memory_space<vmem>>, vector<1000x128xf32>
    %add3A_22 = arith.addf %add3A_18, %get3A_21 : vector<1000x128xf32>
    %mul3A = vector.broadcast %rsqrt3A : vector<1000x1xf32> to vector<1000x128xf32>
    %mul3A_23 = arith.mulf %mul3A, %add3A_22 : vector<1000x128xf32>
    %get3A_24 = arith.constant 0 : index
    %get3A_25 = arith.constant 0 : index
    %get3A_26 = vector.load %arg4[%get3A_24, %get3A_25] : memref<1x128xf32, #tpu.memory_space<vmem>>, vector<1x128xf32>
    %add3A_27 = vector.broadcast %get3A_26 : vector<1x128xf32> to vector<1000x128xf32>
    %add3A_28 = arith.addf %mul3A_23, %add3A_27 : vector<1000x128xf32>
    %max3A = arith.constant 0.000000e+00 : f32
    %max3A_29 = vector.broadcast %max3A : f32 to vector<1000x128xf32>
    %max3A_30 = arith.maximumf %add3A_28, %max3A_29 : vector<1000x128xf32>
    %get3A_31 = arith.constant 0 : index
    %get3A_32 = arith.constant 0 : index
    %get3A_33 = arith.constant 0 : index
    %get3A_34 = vector.load %arg5[%get3A_31, %get3A_32, %get3A_33] : memref<1x1x1000xi32, #tpu.memory_space<vmem>>, vector<1x1x1000xi32>
    %reshape3A = vector.shape_cast %get3A_34 : vector<1x1x1000xi32> to vector<1x1000xi32>
    %iota3A = tpu.iota {dimensions = array<i32: 0>} : vector<64x1000xi32>
    %broadcast_in_dim3A = vector.shape_cast %reshape3A : vector<1x1000xi32> to vector<1x1000xi32>
    %broadcast_in_dim3A_35 = vector.broadcast %broadcast_in_dim3A : vector<1x1000xi32> to vector<64x1000xi32>
    %eq3A_36 = arith.cmpi eq, %iota3A, %broadcast_in_dim3A_35 : vector<64x1000xi32>
    %convert_element_type3A_37 = arith.extui %eq3A_36 : vector<64x1000xi1> to vector<64x1000xi32>
    %convert_element_type3A_38 = arith.sitofp %convert_element_type3A_37 : vector<64x1000xi32> to vector<64x1000xf32>
    %get3A_39 = arith.constant 0 : index
    %get3A_40 = arith.constant 0 : index
    %get3A_41 = vector.load %arg9[%get3A_39, %get3A_40] : memref<64x128xf32, #tpu.memory_space<vmem>>, vector<64x128xf32>
    %dot_general3A = arith.constant dense<0.000000e+00> : vector<64x128xf32>
    %dot_general3A_42 = tpu.matmul %convert_element_type3A_38, %max3A_30, %dot_general3A {dimension_numbers = #tpu.dot_dimension_numbers<[1], [0], [0], [1], [0, 0, 1, 1], [], []>, transpose_lhs_hint = false} : vector<64x1000xf32>, vector<1000x128xf32>, vector<64x128xf32> -> vector<64x128xf32>
    %add3A_43 = arith.addf %get3A_41, %dot_general3A_42 : vector<64x128xf32>
    %swap3A = arith.constant 0 : index
    %swap3A_44 = arith.constant 0 : index
    %swap3A_45 = vector.load %arg9[%swap3A, %swap3A_44] : memref<64x128xf32, #tpu.memory_space<vmem>>, vector<64x128xf32>
    tpu.vector_store %arg9[%swap3A, %swap3A_44], %add3A_43 {strides = array<i32>} : memref<64x128xf32, #tpu.memory_space<vmem>>, vector<64x128xf32>,
    %get3A_46 = arith.constant 0 : index
    %get3A_47 = arith.constant 0 : index
    %get3A_48 = vector.load %arg10[%get3A_46, %get3A_47] : memref<64x1xf32, #tpu.memory_space<vmem>>, vector<64x1xf32>
    %reduce_sum3A = arith.constant dense<0.000000e+00> : vector<64xf32>
    %reduce_sum3A_49 = vector.multi_reduction <add>, %convert_element_type3A_38, %reduce_sum3A [1] : vector<64x1000xf32> to vector<64xf32>
    %broadcast_in_dim3A_50 = vector.shape_cast %reduce_sum3A_49 : vector<64xf32> to vector<64x1xf32>
    %add3A_51 = arith.addf %get3A_48, %broadcast_in_dim3A_50 : vector<64x1xf32>
    %swap3A_52 = arith.constant 0 : index
    %swap3A_53 = arith.constant 0 : index
    %swap3A_54 = vector.load %arg10[%swap3A_52, %swap3A_53] : memref<64x1xf32, #tpu.memory_space<vmem>>, vector<64x1xf32>
    tpu.vector_store %arg10[%swap3A_52, %swap3A_53], %add3A_51 {strides = array<i32>} : memref<64x1xf32, #tpu.memory_space<vmem>>, vector<64x1xf32>,
    %eq3A_55 = arith.constant 9 : i32
    %eq3A_56 = arith.cmpi eq, %arg0, %eq3A_55 : i32
    %convert_element_type3A_57 = arith.extui %eq3A_56 : i1 to i32
    %cond3A_58 = arith.constant 0 : i32
    %cond3A_59 = arith.cmpi ne, %convert_element_type3A_57, %cond3A_58 : i32
    scf.if %cond3A_59 {
      %get3A_60 = arith.constant 0 : index
      %get3A_61 = arith.constant 0 : index
      %get3A_62 = vector.load %arg9[%get3A_60, %get3A_61] : memref<64x128xf32, #tpu.memory_space<vmem>>, vector<64x128xf32>
      %get3A_63 = arith.constant 0 : index
      %get3A_64 = arith.constant 0 : index
      %get3A_65 = vector.load %arg10[%get3A_63, %get3A_64] : memref<64x1xf32, #tpu.memory_space<vmem>>, vector<64x1xf32>
      %max3A_66 = arith.constant 1.000000e+00 : f32
      %max3A_67 = vector.broadcast %max3A_66 : f32 to vector<64x1xf32>
      %max3A_68 = arith.maximumf %get3A_65, %max3A_67 : vector<64x1xf32>
      %div3A = vector.broadcast %max3A_68 : vector<64x1xf32> to vector<64x128xf32>
      %div3A_69 = arith.divf %get3A_62, %div3A : vector<64x128xf32>
      %get3A_70 = arith.constant 0 : index
      %get3A_71 = arith.constant 0 : index
      %get3A_72 = vector.load %arg6[%get3A_70, %get3A_71] : memref<128x10xf32, #tpu.memory_space<vmem>>, vector<128x10xf32>
      %dot_general3A_73 = arith.constant dense<0.000000e+00> : vector<64x10xf32>
      %dot_general3A_74 = tpu.matmul %div3A_69, %get3A_72, %dot_general3A_73 {dimension_numbers = #tpu.dot_dimension_numbers<[1], [0], [0], [1], [0, 0, 1, 1], [], []>, transpose_lhs_hint = false} : vector<64x128xf32>, vector<128x10xf32>, vector<64x10xf32> -> vector<64x10xf32>
      %get3A_75 = arith.constant 0 : index
      %get3A_76 = arith.constant 0 : index
      %get3A_77 = vector.load %arg7[%get3A_75, %get3A_76] : memref<1x10xf32, #tpu.memory_space<vmem>>, vector<1x10xf32>
      %add3A_78 = vector.broadcast %get3A_77 : vector<1x10xf32> to vector<64x10xf32>
      %add3A_79 = arith.addf %dot_general3A_74, %add3A_78 : vector<64x10xf32>
      %swap3A_80 = arith.constant 0 : index
      %swap3A_81 = arith.constant 0 : index
      %swap3A_82 = vector.load %arg8[%swap3A_80, %swap3A_81] : memref<64x10xf32, #tpu.memory_space<vmem>>, vector<64x10xf32>
      tpu.vector_store %arg8[%swap3A_80, %swap3A_81], %add3A_79 {strides = array<i32>} : memref<64x10xf32, #tpu.memory_space<vmem>>, vector<64x10xf32>,
    } else {
    }
    return
  }
  func.func @transform_0(%arg0: i32) -> (i32, i32, i32) {
    %c0_i32 = arith.constant 0 : i32
    %c0_i32_0 = arith.constant 0 : i32
    %c0_i32_1 = arith.constant 0 : i32
    return %c0_i32, %arg0, %c0_i32_0 : i32, i32, i32
  }
  func.func @transform_1(%arg0: i32) -> (i32, i32, i32) {
    %c0_i32 = arith.constant 0 : i32
    %c0_i32_0 = arith.constant 0 : i32
    %c0_i32_1 = arith.constant 0 : i32
    return %c0_i32, %arg0, %c0_i32_0 : i32, i32, i32
  }
  func.func @transform_2(%arg0: i32) -> (i32, i32) {
    %c0_i32 = arith.constant 0 : i32
    %c0_i32_0 = arith.constant 0 : i32
    return %arg0, %c0_i32 : i32, i32
  }
  func.func @transform_3(%arg0: i32) -> (i32, i32) {
    %c0_i32 = arith.constant 0 : i32
    %c0_i32_0 = arith.constant 0 : i32
    %c0_i32_1 = arith.constant 0 : i32
    return %c0_i32, %c0_i32_0 : i32, i32
  }
  func.func @transform_4(%arg0: i32) -> (i32, i32, i32) {
    %c0_i32 = arith.constant 0 : i32
    %c0_i32_0 = arith.constant 0 : i32
    %c0_i32_1 = arith.constant 0 : i32
    return %arg0, %c0_i32, %c0_i32_0 : i32, i32, i32
  }
  func.func @transform_5(%arg0: i32) -> (i32, i32) {
    %c0_i32 = arith.constant 0 : i32
    %c0_i32_0 = arith.constant 0 : i32
    %c0_i32_1 = arith.constant 0 : i32
    return %c0_i32, %c0_i32_0 : i32, i32
  }
  func.func @transform_6(%arg0: i32) -> (i32, i32) {
    %c0_i32 = arith.constant 0 : i32
    %c0_i32_0 = arith.constant 0 : i32
    %c0_i32_1 = arith.constant 0 : i32
    return %c0_i32, %c0_i32_0 : i32, i32
  }
  func.func @transform_7(%arg0: i32) -> (i32, i32) {
    %c0_i32 = arith.constant 0 : i32
    %c0_i32_0 = arith.constant 0 : i32
    %c0_i32_1 = arith.constant 0 : i32
    return %c0_i32, %c0_i32_0 : i32, i32
  }
}

</mosaic_0001>

<sc_bundles>
// kernel: kernel.11.cloned.1.call-start
scs
__scs_entry_jumppad:
0x0: {  	(pc) =	sbr.rel $0x88, $3  }
0x1: {  	(tag) =	ssettag $0x0;
	lr =	simm.s32 $0x1  }
0x2: {  	[smem:$0x3F98] =	sst lr;
	_ =	strace $0xD0000000  }
0x3: {  	_ = 	snop  }
0x4: {  	_ = 	snop  }
0x5: {  	_ = 	snop  }
0x6: {  	_ = 	snop  }
0x7: {  	_ = 	snop  }
__scs_overlays_trampoline_lowered:
0x8: {  	[smem:$0x3FA7] =	sst s0  }
0x9: {  	[smem:$0x3FA8] =	sst s1  }
0xa: {  	[smem:$0x3FA9] =	sst s2  }
0xb: {  	[smem:$0x3FAA] =	sst s3  }
0xc: {  	[smem:$0x3FAB] =	sst s4  }
0xd: {  	[smem:$0x3FAC] =	sst s5  }
0xe: {  	[smem:$0x3FAD] =	sst s6  }
0xf: {  	[smem:$0x3FAE] =	sst s7  }
0x10: {  	[smem:$0x3FAF] =	sst s8  }
0x11: {  	[smem:$0x3FB0] =	sst s9;
	s0 =	simm.s32 @!p0 $0x0  }
0x12: {  	s1 =	sld [smem:$0x3F96];
	s0 =	simm.s32 @p0 $0x1  }
0x13: {  	[smem:$0x3FB1] =	sst s0;
	s0 =	simm.s32 @!p1 $0x0  }
0x14: {  	s2 =	sld [smem:$0x3F95];
	s0 =	simm.s32 @p1 $0x1  }
0x15: {  	[smem:$0x3FB2] =	sst s0;
	s0 =	simm.s32 @!p2 $0x0  }
0x16: {  	s3 =	sld [smem:$0x3FDB];
	s0 =	simm.s32 @p2 $0x1  }
0x17: {  	s4 =	simm.s32 $0x1BF5;
	[smem:$0x3FB4] =	sst s0  }
0x18: {  	s0 =	sld [smem:$0x3F97];
	_ =	swait.ge [sflag:s4], $0x0  }
0x19: {  	s7 =	sld [smem:$0x3F98]  }
0x1a: {  	s8 =	sadd.s32 $0xFFFFE003, lr  }
0x1b: {  	s9 =	sadd.s32 $0xFFFFFEF7, lr;
	s5 =	simm.s32 $0xFFFFFFFF;
	p2 =	slt.u32 s8, $0xFFFFF086  }
0x1c: {  	p1 =	slt.u32 s9, $0xF7A;
	s5 =	simm.s32 @!p2 $0x0  }
0x1d: {  	s5 =	simm.s32 @p1 $0x1;
	p0 =	seq.s32 s7, s2  }
0x1e: {  	s7 =	smul.u32 @!p0 $0xF7A, s2;
	p2 =	seq.s32 @!p0 s5, $0x0  }
0x1f: {  	s9 =	smul.u32 $0xF7A, s1;
	s8 =	simm.s32 @!p0 $0x1BF5;
	p2 =	por !p2, p0  }
0x20: {  	[sflag:s8] =	ssyncset.s32 @!p0 $0xFFFFF086;
	s6 =	sadd.s32 @!p0 s3, s7;
	s7 =	simm.s32 @!p0 $0x108  }
0x21: {  	s3 =	sadd.s32 s3, s9;
	s6 =	sadd.s32 @!p0 $0x88, s6;
	s7 =	simm.s32 @p2 $0x1082  }
0x22: {  	[simem:s7], [sflag:s8] =	dma.local @!p0 [hbm:s6], $0xF7A  }
0x23: {  	s9 =	sor.u32 $0xD0000000, s2;
	s6 =	simm.s32 $0x108;
	_ =	swait.ge @!p0 [sflag:s8], $0x0  }
0x24: {  	s3 =	sadd.s32 $0x88, s3;
	s6 =	simm.s32 @!p1 $0x1082;
	[sflag:s4] =	ssyncset.s32 $0xFFFFF086  }
0x25: {  	[simem:s6], [sflag:s4] =	dma.local [hbm:s3], $0xF7A  }
0x26: {  	[smem:$0x3F98] =	sst s1;
	(tag) =	ssettag s2;
	_ =	strace s9  }
0x27: {  	s1 =	sld [smem:$0x3FA8]  }
0x28: {  	s2 =	sld [smem:$0x3FA9]  }
0x29: {  	s4 =	sld [smem:$0x3FAB]  }
0x2a: {  	p0 =	seq.s32 s5, $0x0;
	s5 =	sld [smem:$0x3FAC]  }
0x2b: {  	s6 =	sld [smem:$0x3FAD]  }
0x2c: {  	s7 =	sld [smem:$0x3FAE]  }
0x2d: {  	s3 =	simm.s32 $0x108;
	s8 =	sld [smem:$0x3FAF]  }
0x2e: {  	s3 =	simm.s32 @!p0 $0x1082;
	s9 =	sld [smem:$0x3FB0]  }
0x2f: {  	lr =	sadd.s32 s0, s3;
	s0 =	sld [smem:$0x3FA7]  }
0x30: {  	s3 =	sld [smem:$0x3FAA]  }
0x31: {  	[smem:$0x3FB3] =	sst s10  }
0x32: {  	s10 =	sld [smem:$0x3FB1];
	_ =	sdelay $0x3  }
0x33: {  	p0 =	seq.s32 s10, $0x1;
	s10 =	sld [smem:$0x3FB3];
	_ =	sdelay $0x3  }
0x34: {  	[smem:$0x3FB3] =	sst s10  }
0x35: {  	s10 =	sld [smem:$0x3FB2];
	_ =	sdelay $0x3  }
0x36: {  	p1 =	seq.s32 s10, $0x1;
	s10 =	sld [smem:$0x3FB3];
	_ =	sdelay $0x3  }
0x37: {  	[smem:$0x3FB3] =	sst s10  }
0x38: {  	s10 =	sld [smem:$0x3FB4]  }
0x39: {  	_ = 	snop;
	(pc) =	sbr.ind lr, $3  }
0x3a: {  	_ = 	snop  }
0x3b: {  	_ = 	snop  }
0x3c: {  	p2 =	seq.s32 s10, $0x1;
	s10 =	sld [smem:$0x3FB3]  }
0x3d: {  	_ =	shalt  }
0x3e: {  	_ =	shalt  }
0x3f: {  	_ =	shalt  }
0x40: {  	_ =	shalt  }
0x41: {  	_ =	shalt  }
0x42: {  	_ =	shalt  }
0x43: {  	_ =	shalt  }
0x44: {  	_ =	shalt  }
0x45: {  	_ =	shalt  }
0x46: {  	_ =	shalt  }
0x47: {  	_ =	shalt  }
0x48: {  	_ =	shalt  }
0x49: {  	_ =	shalt  }
0x4a: {  	_ =	shalt  }
0x4b: {  	_ =	shalt  }
0x4c: {  	_ =	shalt  }
0x4d: {  	_ =	shalt  }
0x4e: {  	_ =	shalt  }
0x4f: {  	_ =	shalt  }
0x50: {  	_ =	shalt  }
0x51: {  	_ =	shalt  }
0x52: {  	_ =	shalt  }
0x53: {  	_ =	shalt  }
0x54: {  	_ =	shalt  }
0x55: {  	_ =	shalt  }
0x56: {  	_ =	shalt  }
0x57: {  	_ =	shalt  }
0x58: {  	_ =	shalt  }
0x59: {  	_ =	shalt  }
0x5a: {  	_ =	shalt  }
0x5b: {  	_ =	shalt  }
0x5c: {  	_ =	shalt  }
0x5d: {  	_ =	shalt  }
0x5e: {  	_ =	shalt  }
0x5f: {  	_ =	shalt  }
0x60: {  	_ =	shalt  }
0x61: {  	_ =	shalt  }
0x62: {  	_ =	shalt  }
0x63: {  	_ =	shalt  }
0x64: {  	_ =	shalt  }
0x65: {  	_ =	shalt  }
0x66: {  	_ =	shalt  }
0x67: {  	_ =	shalt  }
0x68: {  	_ =	shalt  }
0x69: {  	_ =	shalt  }
0x6a: {  	_ =	shalt  }
0x6b: {  	_ =	shalt  }
0x6c: {  	_ =	shalt  }
0x6d: {  	_ =	shalt  }
0x6e: {  	_ =	shalt  }
0x6f: {  	_ =	shalt  }
0x70: {  	_ =	shalt  }
0x71: {  	_ =	shalt  }
0x72: {  	_ =	shalt  }
0x73: {  	_ =	shalt  }
0x74: {  	_ =	shalt  }
0x75: {  	_ =	shalt  }
0x76: {  	_ =	shalt  }
0x77: {  	_ =	shalt  }
0x78: {  	_ =	shalt  }
0x79: {  	_ =	shalt  }
0x7a: {  	_ =	shalt  }
0x7b: {  	_ =	shalt  }
0x7c: {  	_ =	shalt  }
0x7d: {  	_ =	shalt  }
0x7e: {  	_ =	shalt  }
0x7f: {  	_ =	shalt  }
0x80: {  	_ =	shalt  }
0x81: {  	_ =	shalt  }
0x82: {  	_ =	shalt  }
0x83: {  	_ =	shalt  }
0x84: {  	_ =	shalt  }
0x85: {  	_ =	shalt  }
0x86: {  	_ =	shalt  }
0x87: {  	_ =	shalt  }
.Lfunc_end0:
.L_simem_size_0:
called_computation.1_lowered:
.L_overlay_start_0:
0x88: {  	s2 =	sld [smem:$0x3FD9]  }
0x89: {  	s3 =	sld [smem:$0x3FFE];
	_ =	sdelay $0x1  }
0x8a: {  	s1 =	srdreg.scid  }
0x8b: {  	s0 =	sand.u32 $0x1, s1  }
0x8c: {  	s16 =	sshll.u32 s0, $0xA;
	s2 =	sadd.s32 s3, s2  }
0x8d: {  	s2 =	sadd.s32 s2, s16  }
0x8e: {  	[smem:$0x3FBF] =	sst s2  }
0x8f: {  	_ = 	snop  }
0x90: {  	(tm) =	ssettm $0x1  }
0x91: {  	s17 =	sld [smem:$0x3FFB];
	_ =	sdelay $0x3  }
0x92: {  	_ =	strace s17  }
0x93: {  	s2 =	sld [smem:$0x3FFC];
	_ =	sdelay $0x3  }
0x94: {  	_ =	strace s2  }
0x95: {  	s2 =	sld [smem:$0x3FFD];
	_ =	sdelay $0x3  }
0x96: {  	_ =	strace s2  }
0x97: {  	_ =	strace $0x8FFFFFFF  }
0x98: {  	s18 =	sld [smem:$0x3FDB];
	_ =	sdelay $0x1  }
0x99: {  	s19 =	simm.s32 $_scs_section_size  }
0x9a: {  	s4 =	simm.s32 $_size__tile_overlayer_lowered;
	s5 =	simm.s32 $_tile_overlayer_lowered  }
0x9b: {  	s22 =	simm.s32 $0x1BFF;
	s21 =	sshll.u32 s5, $0x1;
	s2 =	sadd.s32 s19, s18  }
0x9c: {  	s6 =	simm.s32 $0x0;
	s20 =	sshll.u32 s4, $0x1;
	s4 =	sadd.s32 s21, s2  }
0x9d: {  	[timem:s6], [sflag:s22] =	dma.local [hbm:s4], s20  }
0x9e: {  	_ =	swait.ge [sflag:s22], s20  }
0x9f: {  	s3 =	ssub.s32 $0x0, s20;
	[sflag:s22] =	ssyncset.done $0x0  }
0xa0: {  	[sflag:s22] =	ssyncadd.s32 s3;
	_ =	sdelay $0x1  }
0xa1: {  	s23 =	simm.s32 $0x1B8B  }
0xa2: {  	_ =	swait.ge [sflag:s23], $0x1  }
0xa3: {  	[sflag:s23] =	ssyncset.done $0x0  }
0xa4: {  	s25 =	simm.s32 $0x1B8E;
	s24 =	sld [smem:$0x3FFE];
	[sflag:s23] =	ssyncadd.s32 $0xFFFFFFFF  }
0xa5: {  	s26 =	simm.s32 $execute0_lowered;
	[smem:$0x3FD2] =	sst s25  }
0xa6: {  	s4 =	sshll.u32 s26, $0x1;
	_ =	strace $0x80000049;
	[dreg:$0x1] =	wrdreg $0xFFFFFFFF  }
0xa7: {  	s28 =	simm.s32 $_size_execute0_lowered;
	s2 =	sadd.s32 s2, s4;
	[dreg:$0x0] =	wrdreg $0x0  }
0xa8: {  	s4 =	sshll.u32 s28, $0x1;
	[dreg:$0x2] =	wrdreg s2  }
0xa9: {  	[dreg:$0x3] =	wrdreg s4  }
0xaa: {  	[dreg:$0x4] =	wrdreg $0xC0  }
0xab: {  	_ =	task [dreg:s6], $0x5FFFF  }
0xac: {  	[dreg:$0x1] =	wrdreg $0xFFFFFFFF  }
0xad: {  	[dreg:$0x0] =	wrdreg $0x60  }
0xae: {  	[dreg:$0x2] =	wrdreg s24  }
0xaf: {  	[dreg:$0x3] =	wrdreg $0x58000  }
0xb0: {  	[dreg:$0x4] =	wrdreg $0x9  }
0xb1: {  	_ =	task.clear_ibuf [dreg:s6], $0x5FFFF;
	_ =	strace $0x90000049  }
0xb2: {  	s29 =	simm.s32 $0x9;
	_ =	strace $0x8000004B  }
0xb3: {  	_ =	swait.ge [sflag:s29], $0x1  }
0xb4: {  	[sflag:s29] =	ssyncadd.s32 $0xFFFFFFFF  }
0xb5: {  	_ =	strace $0x9000004B  }
0xb6: {  	_ =	sfence  }
0xb7: {  	s30 =	sld [smem:$0x0];
	_ =	sdelay $0x2  }
0xb8: {  	s31 =	sshll.u32 s1, $0xD;
	s1 =	sshrl.u32 s1, $0x2  }
0xb9: {  	s3 =	sand.u32 $0x4000, s31;
	s1 =	sadd.s32 s1, s30  }
0xba: {  	s0 =	sor.u32 s3, s0;
	s1 =	sshll.u32 s1, $0x11  }
0xbb: {  	s0 =	sor.u32 s1, s0  }
0xbc: {  	s0 =	sadd.s32 $0x8F2B, s0  }
0xbd: {  	[sflag:s0] =	ssyncadd.remote.s32 $0x1  }
0xbe: {  	_ =	sfence.sel $0xFFFF  }
0xbf: {  	[dreg:$0x0] =	wrdreg $0xFFFFFFFF;
	(pc) =	sbr.abs _section_cstart, $3  }
0xc0: {  	[dreg:$0x1] =	wrdreg $0xFFFFFFFF  }
0xc1: {  	_ =	task.clear_ibuf [dreg:s6], $0x2FFFF;
	_ =	strace $0x9FFFFFFF  }
0xc2: {  	(tm) =	ssettm $0x7FFFFFFF  }
0xc3: {  	_ =	shalt  }
tec
execute0_lowered:
.L_overlay_start_1:
0x0: {  	(tag) =	ssettag $0x1  }
0x1: {  	s0 =	rddreg [dreg:$0x0]  }
0x2: {  	s1 =	rddreg [dreg:$0x1]  }
0x3: {  	s2 =	simm.s32 $0x0;
	s3 =	srdreg.scid;
	s13 =	stileid.u32  }
0x4: {  	s15 =	simm.s32 $0x3;
	s16 =	simm.s32 $0x400;
	s17 =	simm.s32 $0x50  }
0x5: {  	s18 =	simm.s32 $0x800;
	s19 =	simm.s32 $0x1;
	s20 =	simm.s32 $0x80  }
0x6: {  	s21 =	simm.s32 $0x3000;
	s22 =	simm.s32 $0x2;
	s28 =	simm.s32 $0x200  }
0x7: {  	s29 =	simm.s32 $0x580;
	s30 =	simm.s32 $0x280;
	s31 =	simm.s32 $0x600  }
0x8: {  	[smem:$0x7FF] =	sst s2;
	s3 =	sand.u32 $0x1, s3;
	s6 =	smul.u32 $0x50000, s13  }
0x9: {  	s4 =	sadd.s32 $0x2A00, s0;
	s23 =	sadd.s32 $0x29C00, s0;
	s10 =	smul.u32 $0x14000, s13  }
0xa: {  	s11 =	sadd.s32 $0x12C000, s1;
	s12 =	sadd.s32 $0x138800, s1;
	s25 =	sshll.u32 s13, $0xB  }
0xb: {  	p0 =	seq.s32 s13, $0xF;
	_ =	strace $0x8000004A;
	s5 =	sshll.u32 s3, $0xF  }
0xc: {  	s8 =	ssub.s32 $0x2, s3;
	s3 =	smul.u32 $0x138800, s3;
	[dreg:$0x3] =	wrdreg s23  }
0xd: {  	s14 =	sshrl.u32 @p0 s11, $0x3;
	s23 =	simm.s32 $0x100;
	s11 =	simm.s32 $0x0  }
0xe: {  	s7 =	sadd.s32 s5, s0;
	s9 =	sshrl.u32 s8, $0x1;
	[dreg:$0xb] =	wrdreg s11  }
0xf: {  	s0 =	sadd.s32 $0x83A00, s0;
	s6 =	sshrl.u32 s6, $0x2;
	[dreg:$0x7] =	wrdreg s14  }
0x10: {  	s8 =	ssub.s32 s8, s9;
	s6 =	sadd.s32 s6, s1;
	s24 =	sadd.s32 s10, s3  }
0x11: {  	s3 =	sshrl.u32 s3, $0x3;
	s10 =	sadd.s32 s25, s7;
	s25 =	simm.s32 $0x180  }
0x12: {  	s7 =	simm.s32 $0x700;
	s9 =	sshrl.u32 s24, $0x3;
	s24 =	simm.s32 $0x480  }
0x13: {  	s26 =	sadd.s32 s0, s9;
	s0 =	sadd.s32 s0, s3;
	s9 =	smax.u32 s8, $0x1  }
0x14: {  	s3 =	simm.s32 $0x680;
	s8 =	simm.s32 $0x780;
	[dreg:$0x4] =	wrdreg s26  }
0x15: {  	s0 =	sadd.s32 $0x25800, s0;
	[dreg:$0x6] =	wrdreg s9;
	s9 =	sadd.s32 $0x63A00, s10  }
0x16: {  	s10 =	sadd.s32 $0x73A00, s10;
	[dreg:$0x5] =	wrdreg s0;
	s0 =	sshrl.u32 @p0 s12, $0x3  }
0x17: {  	[dreg:$0x8] =	wrdreg s0;
	s0 =	sshll.u32 @!p0 s13, $0x6;
	s13 =	sshrl.u32 @!p0 s6, $0x3  }
0x18: {  	s26 =	simm.s32 $0x500;
	s12 =	sor.u32 @!p0 $0x1C03, s0;
	[dreg:$0xa] =	wrdreg s13  }
0x19: {  	s6 =	simm.s32 $0x380;
	s0 =	simm.s32 $0x300;
	[dreg:$0x9] =	wrdreg s12  }
.LBB2_1:
0x1a: {  	s11 =	simm.s32 @p0 $0x1FC3;
	s5 =	rddreg [dreg:$0x3];
	s13 =	simm.s32 @p0 $0x3  }
0x1b: {  	[spmem:s14], [sflag:s11] =	dma.local @p0 [hbm:s5], $0x1900  }
0x1c: {  	_ =	swait.ge @p0 [sflag:s13], $0x1900  }
0x1d: {  	s14 =	smov.u32 s12;
	[sflag:s13] =	ssyncset.done @p0 $0x0  }
0x1e: {  	s11 =	simm.s32 @p0 $0x1FC3;
	s12 =	rddreg [dreg:$0x8];
	[sflag:s13] =	ssyncadd.s32 @p0 $0xFFFFE700  }
0x1f: {  	[spmem:s12], [sflag:s11] =	dma.local @p0 [hbm:s5], $0x80  }
0x20: {  	_ =	swait.ge @p0 [sflag:s13], $0x80  }
0x21: {  	[sflag:s13] =	ssyncset.done @p0 $0x0  }
0x22: {  	s11 =	rddreg [dreg:$0xa];
	[sflag:s13] =	ssyncadd.s32 @p0 $0xFFFFFF80  }
0x23: {  	[spmem:s11], [sflag:s14] =	dma.local @!p0 [hbm:s5], $0x2800  }
0x24: {  	s11 =	simm.s32 @!p0 $0x3  }
0x25: {  	_ =	swait.ge @!p0 [sflag:s11], $0x2800  }
0x26: {  	[sflag:s11] =	ssyncset.done @!p0 $0x0  }
0x27: {  	[sflag:s11] =	ssyncadd.s32 @!p0 $0xFFFFD800  }
0x28: {  	s13 =	sadd.s32 $0x0, s10;
	[bflag:$0x0] =	sbarrier.arrive $0xFFFF  }
0x29: {  	[tilespmem:s2], [sflag:$0x3] =	stream.linear.gather [hbm4b:s13+s2], $0x400, $0x38;
	[tilespmem:$0x190C0] =	vst v63  }
0x2a: {  	_ =	swait.ge [sflag:s15], $0x400  }
0x2b: {  	[sflag:s15] =	ssyncset.done $0x0  }
0x2c: {  	s14 =	sadd.s32 $0x0, s9;
	[sflag:s15] =	ssyncadd.s32 $0xFFFFFC00  }
0x2d: {  	[tilespmem:s16], [sflag:$0x3] =	stream.linear.gather [hbm4b:s14+s2], $0x400, $0x38;
	[tilespmem:$0x190C0] =	vst v63  }
0x2e: {  	_ =	swait.ge [sflag:s15], $0x400  }
0x2f: {  	[sflag:s15] =	ssyncset.done $0x0  }
0x30: {  	[sflag:s15] =	ssyncadd.s32 $0xFFFFFC00  }
0x31: {  	[tilespmem:s18], [sflag:$0x1] =	stream.indirect.gather [hbm4b:s4+s17], $0x80, s2, s17, $0xb8;
	[tilespmem:$0x190C0] =	vst v63  }
0x32: {  	_ =	swait.ge [sflag:s19], $0x2800  }
0x33: {  	[sflag:s19] =	ssyncset.done $0x0  }
0x34: {  	[sflag:s19] =	ssyncadd.s32 $0xFFFFD800  }
0x35: {  	[tilespmem:s21], [sflag:$0x2] =	stream.indirect.gather [hbm4b:s4+s17], $0x80, s20, s17, $0xb8;
	[tilespmem:$0x190C0] =	vst v63  }
0x36: {  	_ = 	snop  }
0x37: {  	[spmem:s1] =	stream.indirect.scatter.add.f32 [tilespmem:s18], [sflag:$0x3], $0x80, s16, s17, $0xb8;
	[tilespmem:$0x190C0] =	vst v63  }
0x38: {  	_ =	swait.ge [sflag:s15], $0x2800  }
0x39: {  	[sflag:s15] =	ssyncset.done $0x0  }
0x3a: {  	[sflag:s15] =	ssyncadd.s32 $0xFFFFD800  }
0x3b: {  	_ =	swait.ge [sflag:s22], $0x2800  }
0x3c: {  	[sflag:s22] =	ssyncset.done $0x0  }
0x3d: {  	[sflag:s22] =	ssyncadd.s32 $0xFFFFD800  }
0x3e: {  	[tilespmem:s18], [sflag:$0x1] =	stream.indirect.gather [hbm4b:s4+s17], $0x80, s23, s17, $0xb8;
	[tilespmem:$0x190C0] =	vst v63  }
0x3f: {  	_ = 	snop  }
0x40: {  	[spmem:s1] =	stream.indirect.scatter.add.f32 [tilespmem:s21], [sflag:$0x3], $0x80, s24, s17, $0xb8;
	[tilespmem:$0x190C0] =	vst v63  }
0x41: {  	_ =	swait.ge [sflag:s15], $0x2800  }
0x42: {  	[sflag:s15] =	ssyncset.done $0x0  }
0x43: {  	[sflag:s15] =	ssyncadd.s32 $0xFFFFD800  }
0x44: {  	_ =	swait.ge [sflag:s19], $0x2800  }
0x45: {  	[sflag:s19] =	ssyncset.done $0x0  }
0x46: {  	[sflag:s19] =	ssyncadd.s32 $0xFFFFD800  }
0x47: {  	[tilespmem:s21], [sflag:$0x2] =	stream.indirect.gather [hbm4b:s4+s17], $0x80, s25, s17, $0xb8;
	[tilespmem:$0x190C0] =	vst v63  }
0x48: {  	_ = 	snop  }
0x49: {  	[spmem:s1] =	stream.indirect.scatter.add.f32 [tilespmem:s18], [sflag:$0x3], $0x80, s26, s17, $0xb8;
	[tilespmem:$0x190C0] =	vst v63  }
0x4a: {  	_ =	swait.ge [sflag:s15], $0x2800  }
0x4b: {  	[sflag:s15] =	ssyncset.done $0x0  }
0x4c: {  	[sflag:s15] =	ssyncadd.s32 $0xFFFFD800  }
0x4d: {  	_ =	swait.ge [sflag:s22], $0x2800  }
0x4e: {  	[sflag:s22] =	ssyncset.done $0x0  }
0x4f: {  	[sflag:s22] =	ssyncadd.s32 $0xFFFFD800  }
0x50: {  	[tilespmem:s18], [sflag:$0x1] =	stream.indirect.gather [hbm4b:s4+s17], $0x80, s28, s17, $0xb8;
	[tilespmem:$0x190C0] =	vst v63  }
0x51: {  	_ = 	snop  }
0x52: {  	[spmem:s1] =	stream.indirect.scatter.add.f32 [tilespmem:s21], [sflag:$0x3], $0x80, s29, s17, $0xb8;
	[tilespmem:$0x190C0] =	vst v63  }
0x53: {  	_ =	swait.ge [sflag:s15], $0x2800  }
0x54: {  	[sflag:s15] =	ssyncset.done $0x0  }
0x55: {  	[sflag:s15] =	ssyncadd.s32 $0xFFFFD800  }
0x56: {  	_ =	swait.ge [sflag:s19], $0x2800  }
0x57: {  	[sflag:s19] =	ssyncset.done $0x0  }
0x58: {  	[sflag:s19] =	ssyncadd.s32 $0xFFFFD800  }
0x59: {  	[tilespmem:s21], [sflag:$0x2] =	stream.indirect.gather [hbm4b:s4+s17], $0x80, s30, s17, $0xb8;
	[tilespmem:$0x190C0] =	vst v63  }
0x5a: {  	_ = 	snop  }
0x5b: {  	[spmem:s1] =	stream.indirect.scatter.add.f32 [tilespmem:s18], [sflag:$0x3], $0x80, s31, s17, $0xb8;
	[tilespmem:$0x190C0] =	vst v63  }
0x5c: {  	_ =	swait.ge [sflag:s15], $0x2800  }
0x5d: {  	[sflag:s15] =	ssyncset.done $0x0  }
0x5e: {  	[sflag:s15] =	ssyncadd.s32 $0xFFFFD800  }
0x5f: {  	_ =	swait.ge [sflag:s22], $0x2800  }
0x60: {  	[sflag:s22] =	ssyncset.done $0x0  }
0x61: {  	[sflag:s22] =	ssyncadd.s32 $0xFFFFD800  }
0x62: {  	[tilespmem:s18], [sflag:$0x1] =	stream.indirect.gather [hbm4b:s4+s17], $0x80, s0, s17, $0xb8;
	[tilespmem:$0x190C0] =	vst v63  }
0x63: {  	_ = 	snop  }
0x64: {  	[spmem:s1] =	stream.indirect.scatter.add.f32 [tilespmem:s21], [sflag:$0x3], $0x80, s3, s17, $0xb8;
	[tilespmem:$0x190C0] =	vst v63  }
0x65: {  	_ =	swait.ge [sflag:s15], $0x2800  }
0x66: {  	[sflag:s15] =	ssyncset.done $0x0  }
0x67: {  	[sflag:s15] =	ssyncadd.s32 $0xFFFFD800  }
0x68: {  	_ =	swait.ge [sflag:s19], $0x2800  }
0x69: {  	[sflag:s19] =	ssyncset.done $0x0  }
0x6a: {  	[sflag:s19] =	ssyncadd.s32 $0xFFFFD800  }
0x6b: {  	[tilespmem:s21], [sflag:$0x2] =	stream.indirect.gather [hbm4b:s4+s17], $0x80, s6, s17, $0xb8;
	[tilespmem:$0x190C0] =	vst v63  }
0x6c: {  	_ = 	snop  }
0x6d: {  	[spmem:s1] =	stream.indirect.scatter.add.f32 [tilespmem:s18], [sflag:$0x3], $0x80, s7, s17, $0xb8;
	[tilespmem:$0x190C0] =	vst v63  }
0x6e: {  	_ =	swait.ge [sflag:s15], $0x2800  }
0x6f: {  	[sflag:s15] =	ssyncset.done $0x0  }
0x70: {  	[sflag:s15] =	ssyncadd.s32 $0xFFFFD800  }
0x71: {  	_ =	swait.ge [sflag:s22], $0x2800  }
0x72: {  	[sflag:s22] =	ssyncset.done $0x0  }
0x73: {  	[sflag:s22] =	ssyncadd.s32 $0xFFFFD800  }
0x74: {  	[spmem:s1] =	stream.indirect.scatter.add.f32 [tilespmem:s21], [sflag:$0x3], $0x80, s8, s17, $0xb8;
	[tilespmem:$0x190C0] =	vst v63  }
0x75: {  	_ =	swait.ge [sflag:s15], $0x2800  }
0x76: {  	s11 =	simm.s32 $0x80;
	s13 =	simm.s32 $0x100;
	[sflag:s15] =	ssyncset.done $0x0  }
.LBB2_2:
0x77: {  	s5 =	sadd.s32 s11, s10  }
0x78: {  	[sflag:s15] =	ssyncadd.s32 $0xFFFFD800;
	s12 =	smov.u32 s13;
	s14 =	sadd.s32 $0x80, s13  }
0x79: {  	[tilespmem:s2], [sflag:$0x3] =	stream.linear.gather [hbm4b:s5+s2], $0x400, $0x38;
	[tilespmem:$0x190C0] =	vst v63  }
0x7a: {  	p1 =	sne.s32 s13, $0x780;
	_ =	swait.ge [sflag:s15], $0x400  }
0x7b: {  	[sflag:s15] =	ssyncset.done $0x0  }
0x7c: {  	s5 =	sadd.s32 s11, s9;
	s11 =	smov.u32 s12;
	[sflag:s15] =	ssyncadd.s32 $0xFFFFFC00  }
0x7d: {  	[tilespmem:s16], [sflag:$0x3] =	stream.linear.gather [hbm4b:s5+s2], $0x400, $0x38;
	[tilespmem:$0x190C0] =	vst v63  }
0x7e: {  	_ =	swait.ge [sflag:s15], $0x400  }
0x7f: {  	[sflag:s15] =	ssyncset.done $0x0  }
0x80: {  	[sflag:s15] =	ssyncadd.s32 $0xFFFFFC00  }
0x81: {  	[tilespmem:s18], [sflag:$0x1] =	stream.indirect.gather [hbm4b:s4+s17], $0x80, s2, s17, $0xb8;
	[tilespmem:$0x190C0] =	vst v63  }
0x82: {  	_ =	swait.ge [sflag:s19], $0x2800  }
0x83: {  	[sflag:s19] =	ssyncset.done $0x0  }
0x84: {  	[sflag:s19] =	ssyncadd.s32 $0xFFFFD800  }
0x85: {  	[tilespmem:s21], [sflag:$0x2] =	stream.indirect.gather [hbm4b:s4+s17], $0x80, s20, s17, $0xb8;
	[tilespmem:$0x190C0] =	vst v63  }
0x86: {  	_ = 	snop  }
0x87: {  	[spmem:s1] =	stream.indirect.scatter.add.f32 [tilespmem:s18], [sflag:$0x3], $0x80, s16, s17, $0xb8;
	[tilespmem:$0x190C0] =	vst v63  }
0x88: {  	_ =	swait.ge [sflag:s15], $0x2800  }
0x89: {  	[sflag:s15] =	ssyncset.done $0x0  }
0x8a: {  	[sflag:s15] =	ssyncadd.s32 $0xFFFFD800  }
0x8b: {  	_ =	swait.ge [sflag:s22], $0x2800  }
0x8c: {  	[sflag:s22] =	ssyncset.done $0x0  }
0x8d: {  	[sflag:s22] =	ssyncadd.s32 $0xFFFFD800  }
0x8e: {  	[tilespmem:s18], [sflag:$0x1] =	stream.indirect.gather [hbm4b:s4+s17], $0x80, s23, s17, $0xb8;
	[tilespmem:$0x190C0] =	vst v63  }
0x8f: {  	_ = 	snop  }
0x90: {  	[spmem:s1] =	stream.indirect.scatter.add.f32 [tilespmem:s21], [sflag:$0x3], $0x80, s24, s17, $0xb8;
	[tilespmem:$0x190C0] =	vst v63  }
0x91: {  	_ =	swait.ge [sflag:s15], $0x2800  }
0x92: {  	[sflag:s15] =	ssyncset.done $0x0  }
0x93: {  	[sflag:s15] =	ssyncadd.s32 $0xFFFFD800  }
0x94: {  	_ =	swait.ge [sflag:s19], $0x2800  }
0x95: {  	[sflag:s19] =	ssyncset.done $0x0  }
0x96: {  	[sflag:s19] =	ssyncadd.s32 $0xFFFFD800  }
0x97: {  	[tilespmem:s21], [sflag:$0x2] =	stream.indirect.gather [hbm4b:s4+s17], $0x80, s25, s17, $0xb8;
	[tilespmem:$0x190C0] =	vst v63  }
0x98: {  	_ = 	snop  }
0x99: {  	[spmem:s1] =	stream.indirect.scatter.add.f32 [tilespmem:s18], [sflag:$0x3], $0x80, s26, s17, $0xb8;
	[tilespmem:$0x190C0] =	vst v63  }
0x9a: {  	_ =	swait.ge [sflag:s15], $0x2800  }
0x9b: {  	[sflag:s15] =	ssyncset.done $0x0  }
0x9c: {  	[sflag:s15] =	ssyncadd.s32 $0xFFFFD800  }
0x9d: {  	_ =	swait.ge [sflag:s22], $0x2800  }
0x9e: {  	[sflag:s22] =	ssyncset.done $0x0  }
0x9f: {  	[sflag:s22] =	ssyncadd.s32 $0xFFFFD800  }
0xa0: {  	[tilespmem:s18], [sflag:$0x1] =	stream.indirect.gather [hbm4b:s4+s17], $0x80, s28, s17, $0xb8;
	[tilespmem:$0x190C0] =	vst v63  }
0xa1: {  	_ = 	snop  }
0xa2: {  	[spmem:s1] =	stream.indirect.scatter.add.f32 [tilespmem:s21], [sflag:$0x3], $0x80, s29, s17, $0xb8;
	[tilespmem:$0x190C0] =	vst v63  }
0xa3: {  	_ =	swait.ge [sflag:s15], $0x2800  }
0xa4: {  	[sflag:s15] =	ssyncset.done $0x0  }
0xa5: {  	[sflag:s15] =	ssyncadd.s32 $0xFFFFD800  }
0xa6: {  	_ =	swait.ge [sflag:s19], $0x2800  }
0xa7: {  	[sflag:s19] =	ssyncset.done $0x0  }
0xa8: {  	[sflag:s19] =	ssyncadd.s32 $0xFFFFD800  }
0xa9: {  	[tilespmem:s21], [sflag:$0x2] =	stream.indirect.gather [hbm4b:s4+s17], $0x80, s30, s17, $0xb8;
	[tilespmem:$0x190C0] =	vst v63  }
0xaa: {  	_ = 	snop  }
0xab: {  	[spmem:s1] =	stream.indirect.scatter.add.f32 [tilespmem:s18], [sflag:$0x3], $0x80, s31, s17, $0xb8;
	[tilespmem:$0x190C0] =	vst v63  }
0xac: {  	_ =	swait.ge [sflag:s15], $0x2800  }
0xad: {  	[sflag:s15] =	ssyncset.done $0x0  }
0xae: {  	[sflag:s15] =	ssyncadd.s32 $0xFFFFD800  }
0xaf: {  	_ =	swait.ge [sflag:s22], $0x2800  }
0xb0: {  	[sflag:s22] =	ssyncset.done $0x0  }
0xb1: {  	[sflag:s22] =	ssyncadd.s32 $0xFFFFD800  }
0xb2: {  	[tilespmem:s18], [sflag:$0x1] =	stream.indirect.gather [hbm4b:s4+s17], $0x80, s0, s17, $0xb8;
	[tilespmem:$0x190C0] =	vst v63  }
0xb3: {  	_ = 	snop  }
0xb4: {  	[spmem:s1] =	stream.indirect.scatter.add.f32 [tilespmem:s21], [sflag:$0x3], $0x80, s3, s17, $0xb8;
	[tilespmem:$0x190C0] =	vst v63  }
0xb5: {  	_ =	swait.ge [sflag:s15], $0x2800  }
0xb6: {  	[sflag:s15] =	ssyncset.done $0x0  }
0xb7: {  	[sflag:s15] =	ssyncadd.s32 $0xFFFFD800  }
0xb8: {  	_ =	swait.ge [sflag:s19], $0x2800  }
0xb9: {  	[sflag:s19] =	ssyncset.done $0x0  }
0xba: {  	[sflag:s19] =	ssyncadd.s32 $0xFFFFD800  }
0xbb: {  	[tilespmem:s21], [sflag:$0x2] =	stream.indirect.gather [hbm4b:s4+s17], $0x80, s6, s17, $0xb8;
	[tilespmem:$0x190C0] =	vst v63  }
0xbc: {  	_ = 	snop  }
0xbd: {  	[spmem:s1] =	stream.indirect.scatter.add.f32 [tilespmem:s18], [sflag:$0x3], $0x80, s7, s17, $0xb8;
	[tilespmem:$0x190C0] =	vst v63  }
0xbe: {  	_ =	swait.ge [sflag:s15], $0x2800  }
0xbf: {  	[sflag:s15] =	ssyncset.done $0x0  }
0xc0: {  	[sflag:s15] =	ssyncadd.s32 $0xFFFFD800  }
0xc1: {  	_ =	swait.ge [sflag:s22], $0x2800  }
.Ltmp0:
0xc2: {  	[sflag:s22] =	ssyncset.done $0x0;
	(pc) =	sbr.rel @p1 .LBB2_2-.Ltmp0, $4  }
0xc3: {  	[sflag:s22] =	ssyncadd.s32 $0xFFFFD800  }
0xc4: {  	[spmem:s1] =	stream.indirect.scatter.add.f32 [tilespmem:s21], [sflag:$0x3], $0x80, s8, s17, $0xb8;
	[tilespmem:$0x190C0] =	vst v63  }
0xc5: {  	_ =	swait.ge [sflag:s15], $0x2800  }
0xc6: {  	s13 =	smov.u32 s14;
	[sflag:s15] =	ssyncset.done $0x0  }
0xc7: {  	s5 =	sadd.s32 s11, s10;
	[sflag:s15] =	ssyncadd.s32 $0xFFFFD800  }
0xc8: {  	[tilespmem:s2], [sflag:$0x3] =	stream.linear.gather [hbm4b:s5+s2], $0x400, $0x38;
	[tilespmem:$0x190C0] =	vst v63  }
0xc9: {  	_ =	swait.ge [sflag:s15], $0x400  }
0xca: {  	[sflag:s15] =	ssyncset.done $0x0  }
0xcb: {  	s12 =	sadd.s32 s11, s9;
	[sflag:s15] =	ssyncadd.s32 $0xFFFFFC00  }
0xcc: {  	[tilespmem:s16], [sflag:$0x3] =	stream.linear.gather [hbm4b:s12+s2], $0x400, $0x38;
	[tilespmem:$0x190C0] =	vst v63  }
0xcd: {  	_ =	swait.ge [sflag:s15], $0x400  }
0xce: {  	[sflag:s15] =	ssyncset.done $0x0  }
0xcf: {  	[sflag:s15] =	ssyncadd.s32 $0xFFFFFC00  }
0xd0: {  	[tilespmem:s18], [sflag:$0x1] =	stream.indirect.gather [hbm4b:s4+s17], $0x80, s2, s17, $0xb8;
	[tilespmem:$0x190C0] =	vst v63  }
0xd1: {  	_ =	swait.ge [sflag:s19], $0x2800  }
0xd2: {  	[sflag:s19] =	ssyncset.done $0x0  }
0xd3: {  	[sflag:s19] =	ssyncadd.s32 $0xFFFFD800  }
0xd4: {  	[tilespmem:s21], [sflag:$0x2] =	stream.indirect.gather [hbm4b:s4+s17], $0x80, s20, s17, $0xb8;
	[tilespmem:$0x190C0] =	vst v63  }
0xd5: {  	_ = 	snop  }
0xd6: {  	[spmem:s1] =	stream.indirect.scatter.add.f32 [tilespmem:s18], [sflag:$0x3], $0x80, s16, s17, $0xb8;
	[tilespmem:$0x190C0] =	vst v63  }
0xd7: {  	_ =	swait.ge [sflag:s15], $0x2800  }
0xd8: {  	[sflag:s15] =	ssyncset.done $0x0  }
0xd9: {  	[sflag:s15] =	ssyncadd.s32 $0xFFFFD800  }
0xda: {  	_ =	swait.ge [sflag:s22], $0x2800  }
0xdb: {  	[sflag:s22] =	ssyncset.done $0x0  }
0xdc: {  	[sflag:s22] =	ssyncadd.s32 $0xFFFFD800  }
0xdd: {  	[tilespmem:s18], [sflag:$0x1] =	stream.indirect.gather [hbm4b:s4+s17], $0x80, s23, s17, $0xb8;
	[tilespmem:$0x190C0] =	vst v63  }
0xde: {  	_ = 	snop  }
0xdf: {  	[spmem:s1] =	stream.indirect.scatter.add.f32 [tilespmem:s21], [sflag:$0x3], $0x80, s24, s17, $0xb8;
	[tilespmem:$0x190C0] =	vst v63  }
0xe0: {  	_ =	swait.ge [sflag:s15], $0x2800  }
0xe1: {  	[sflag:s15] =	ssyncset.done $0x0  }
0xe2: {  	[sflag:s15] =	ssyncadd.s32 $0xFFFFD800  }
0xe3: {  	_ =	swait.ge [sflag:s19], $0x2800  }
0xe4: {  	[sflag:s19] =	ssyncset.done $0x0  }
0xe5: {  	[sflag:s19] =	ssyncadd.s32 $0xFFFFD800  }
0xe6: {  	[tilespmem:s21], [sflag:$0x2] =	stream.indirect.gather [hbm4b:s4+s17], $0x80, s25, s17, $0xb8;
	[tilespmem:$0x190C0] =	vst v63  }
0xe7: {  	_ = 	snop  }
0xe8: {  	[spmem:s1] =	stream.indirect.scatter.add.f32 [tilespmem:s18], [sflag:$0x3], $0x80, s26, s17, $0xb8;
	[tilespmem:$0x190C0] =	vst v63  }
0xe9: {  	_ =	swait.ge [sflag:s15], $0x2800  }
0xea: {  	[sflag:s15] =	ssyncset.done $0x0  }
0xeb: {  	[sflag:s15] =	ssyncadd.s32 $0xFFFFD800  }
0xec: {  	_ =	swait.ge [sflag:s22], $0x2800  }
0xed: {  	[sflag:s22] =	ssyncset.done $0x0  }
0xee: {  	[sflag:s22] =	ssyncadd.s32 $0xFFFFD800  }
0xef: {  	[tilespmem:s18], [sflag:$0x1] =	stream.indirect.gather [hbm4b:s4+s17], $0x80, s28, s17, $0xb8;
	[tilespmem:$0x190C0] =	vst v63  }
0xf0: {  	_ = 	snop  }
0xf1: {  	[spmem:s1] =	stream.indirect.scatter.add.f32 [tilespmem:s21], [sflag:$0x3], $0x80, s29, s17, $0xb8;
	[tilespmem:$0x190C0] =	vst v63  }
0xf2: {  	_ =	swait.ge [sflag:s15], $0x2800  }
0xf3: {  	[sflag:s15] =	ssyncset.done $0x0  }
0xf4: {  	[sflag:s15] =	ssyncadd.s32 $0xFFFFD800  }
0xf5: {  	_ =	swait.ge [sflag:s19], $0x2800  }
0xf6: {  	[sflag:s19] =	ssyncset.done $0x0  }
0xf7: {  	[sflag:s19] =	ssyncadd.s32 $0xFFFFD800  }
0xf8: {  	[tilespmem:s21], [sflag:$0x2] =	stream.indirect.gather [hbm4b:s4+s17], $0x80, s30, s17, $0xb8;
	[tilespmem:$0x190C0] =	vst v63  }
0xf9: {  	_ = 	snop  }
0xfa: {  	[spmem:s1] =	stream.indirect.scatter.add.f32 [tilespmem:s18], [sflag:$0x3], $0x80, s31, s17, $0xb8;
	[tilespmem:$0x190C0] =	vst v63  }
0xfb: {  	_ =	swait.ge [sflag:s15], $0x2800  }
0xfc: {  	[sflag:s15] =	ssyncset.done $0x0  }
0xfd: {  	[sflag:s15] =	ssyncadd.s32 $0xFFFFD800  }
0xfe: {  	_ =	swait.ge [sflag:s22], $0x2800  }
0xff: {  	[sflag:s22] =	ssyncset.done $0x0  }
0x100: {  	[sflag:s22] =	ssyncadd.s32 $0xFFFFD800  }
0x101: {  	[tilespmem:s18], [sflag:$0x1] =	stream.indirect.gather [hbm4b:s4+s17], $0x80, s0, s17, $0xb8;
	[tilespmem:$0x190C0] =	vst v63  }
0x102: {  	_ = 	snop  }
0x103: {  	[spmem:s1] =	stream.indirect.scatter.add.f32 [tilespmem:s21], [sflag:$0x3], $0x80, s3, s17, $0xb8;
	[tilespmem:$0x190C0] =	vst v63  }
0x104: {  	_ =	swait.ge [sflag:s15], $0x2800  }
0x105: {  	[sflag:s15] =	ssyncset.done $0x0  }
0x106: {  	[sflag:s15] =	ssyncadd.s32 $0xFFFFD800  }
0x107: {  	_ =	swait.ge [sflag:s19], $0x2800  }
0x108: {  	[sflag:s19] =	ssyncset.done $0x0  }
0x109: {  	[sflag:s19] =	ssyncadd.s32 $0xFFFFD800  }
0x10a: {  	[tilespmem:s21], [sflag:$0x2] =	stream.indirect.gather [hbm4b:s4+s17], $0x80, s6, s17, $0xb8;
	[tilespmem:$0x190C0] =	vst v63  }
0x10b: {  	_ = 	snop  }
0x10c: {  	[spmem:s1] =	stream.indirect.scatter.add.f32 [tilespmem:s18], [sflag:$0x3], $0x80, s7, s17, $0xb8;
	[tilespmem:$0x190C0] =	vst v63  }
0x10d: {  	_ =	swait.ge [sflag:s15], $0x2800  }
0x10e: {  	[sflag:s15] =	ssyncset.done $0x0  }
0x10f: {  	[sflag:s15] =	ssyncadd.s32 $0xFFFFD800  }
0x110: {  	_ =	swait.ge [sflag:s22], $0x2800  }
0x111: {  	[sflag:s22] =	ssyncset.done $0x0  }
0x112: {  	[sflag:s22] =	ssyncadd.s32 $0xFFFFD800  }
0x113: {  	[spmem:s1] =	stream.indirect.scatter.add.f32 [tilespmem:s21], [sflag:$0x3], $0x80, s8, s17, $0xb8;
	[tilespmem:$0x190C0] =	vst v63  }
0x114: {  	_ =	swait.ge [sflag:s15], $0x2800  }
0x115: {  	[sflag:s15] =	ssyncset.done $0x0  }
0x116: {  	[sflag:s15] =	ssyncadd.s32 $0xFFFFD800  }
0x117: {  	[bflag:$0x0] =	sbarrier.arrive $0xFFFF  }
0x118: {  	s11 =	rddreg [dreg:$0x5]  }
0x119: {  	s5 =	simm.s32 @p0 $0x1FC3;
	s14 =	rddreg [dreg:$0x7]  }
0x11a: {  	[hbm:s11], [sflag:s5] =	dma.local @p0 [spmem:s14], $0x1900  }
0x11b: {  	s5 =	simm.s32 @p0 $0x3  }
0x11c: {  	_ =	swait.ge @p0 [sflag:s5], $0x1900  }
0x11d: {  	s12 =	rddreg [dreg:$0x9]  }
0x11e: {  	[sflag:s5] =	ssyncset.done @p0 $0x0;
	s13 =	rddreg [dreg:$0xa]  }
0x11f: {  	s11 =	simm.s32 @!p0 $0x3;
	[sflag:s5] =	ssyncadd.s32 @p0 $0xFFFFE700;
	s5 =	rddreg [dreg:$0x4]  }
0x120: {  	[hbm:s5], [sflag:s12] =	dma.local @!p0 [spmem:s13], $0x2800  }
0x121: {  	_ =	swait.ge @!p0 [sflag:s11], $0x2800  }
0x122: {  	s13 =	rddreg [dreg:$0xb]  }
0x123: {  	s5 =	sadd.s32 $0x1, s13;
	s13 =	rddreg [dreg:$0x6]  }
0x124: {  	p1 =	sne.s32 s5, s13  }
.Ltmp1:
0x125: {  	_ = 	snop;
	(pc) =	sbr.rel @p1 .LBB2_1-.Ltmp1, $3  }
0x126: {  	_ =	sdelay $0x1  }
0x127: {  	[sflag:s11] =	ssyncset.done @!p0 $0x0;
	[dreg:$0xb] =	wrdreg s5;
	s5 =	simm.s32 @!p0 $0x3  }
0x128: {  	[sflag:s5] =	ssyncadd.s32 @!p0 $0xFFFFD800  }
0x129: {  	_ =	sfence.sel $0x180000  }
0x12a: {  	[bflag:$0x0] =	sbarrier.arrive $0xFFFF  }
0x12b: {  	_ =	strace $0x9000004A  }
0x12c: {  	s0 =	stileid.u32;
	[bflag:$0x2] =	sbarrier.arrive $0xFFFF  }
0x12d: {  	p0 =	sne.s32 s0, $0x0;
	s0 =	rddreg [dreg:$0x2]  }
0x12e: {  	s0 =	sadd.s32 @!p0 $0x100000, s0  }
0x12f: {  	[sflag:s0] =	ssyncadd.tile.s32 @!p0 $0x1;
	_ =	shalt  }
.Lfunc_end2:
_tile_overlayer_lowered:
.L_overlay_start_2:
0x130: {  	(tag) =	ssettag $0x2  }
0x131: {  	s0 =	rddreg [dreg:$0x0];
	s2 =	stileid.u32  }
0x132: {  	s1 =	rddreg [dreg:$0x1];
	p0 =	sne.s32 s2, $0x0  }
0x133: {  	s3 =	rddreg [dreg:$0x2];
	[bflag:$0x3] =	sbarrier.arrive $0xFFFF;
	s2 =	simm.s32 @!p0 $0x1C03  }
0x134: {  	[timem:s3], [sflag:s2] =	dma.local @!p0 [hbm:s0], s1  }
0x135: {  	s0 =	simm.s32 @!p0 $0x3  }
0x136: {  	_ =	swait.ge @!p0 [sflag:s0], s1  }
0x137: {  	s1 =	ssub.s32 @!p0 $0x0, s1;
	[sflag:s0] =	ssyncset.done @!p0 $0x0  }
0x138: {  	[sflag:s0] =	ssyncadd.s32 @!p0 s1  }
0x139: {  	[bflag:$0x3] =	sbarrier.arrive $0xFFFF  }
0x13a: {  	_ =	shalt  }

// kernel: kernel.14.cloned.1.call-start
scs
__scs_entry_jumppad:
0x0: {  	(pc) =	sbr.rel $0x88, $3  }
0x1: {  	(tag) =	ssettag $0x0;
	lr =	simm.s32 $0x1  }
0x2: {  	[smem:$0x3F98] =	sst lr;
	_ =	strace $0xD0000000  }
0x3: {  	_ = 	snop  }
0x4: {  	_ = 	snop  }
0x5: {  	_ = 	snop  }
0x6: {  	_ = 	snop  }
0x7: {  	_ = 	snop  }
__scs_overlays_trampoline_lowered:
0x8: {  	[smem:$0x3FA7] =	sst s0  }
0x9: {  	[smem:$0x3FA8] =	sst s1  }
0xa: {  	[smem:$0x3FA9] =	sst s2  }
0xb: {  	[smem:$0x3FAA] =	sst s3  }
0xc: {  	[smem:$0x3FAB] =	sst s4  }
0xd: {  	[smem:$0x3FAC] =	sst s5  }
0xe: {  	[smem:$0x3FAD] =	sst s6  }
0xf: {  	[smem:$0x3FAE] =	sst s7  }
0x10: {  	[smem:$0x3FAF] =	sst s8  }
0x11: {  	[smem:$0x3FB0] =	sst s9;
	s0 =	simm.s32 @!p0 $0x0  }
0x12: {  	s1 =	sld [smem:$0x3F96];
	s0 =	simm.s32 @p0 $0x1  }
0x13: {  	[smem:$0x3FB1] =	sst s0;
	s0 =	simm.s32 @!p1 $0x0  }
0x14: {  	s2 =	sld [smem:$0x3F95];
	s0 =	simm.s32 @p1 $0x1  }
0x15: {  	[smem:$0x3FB2] =	sst s0;
	s0 =	simm.s32 @!p2 $0x0  }
0x16: {  	s3 =	sld [smem:$0x3FDB];
	s0 =	simm.s32 @p2 $0x1  }
0x17: {  	s4 =	simm.s32 $0x1BF5;
	[smem:$0x3FB4] =	sst s0  }
0x18: {  	s0 =	sld [smem:$0x3F97];
	_ =	swait.ge [sflag:s4], $0x0  }
0x19: {  	s7 =	sld [smem:$0x3F98]  }
0x1a: {  	s8 =	sadd.s32 $0xFFFFE003, lr  }
0x1b: {  	s9 =	sadd.s32 $0xFFFFFEF7, lr;
	s5 =	simm.s32 $0xFFFFFFFF;
	p2 =	slt.u32 s8, $0xFFFFF086  }
0x1c: {  	p1 =	slt.u32 s9, $0xF7A;
	s5 =	simm.s32 @!p2 $0x0  }
0x1d: {  	s5 =	simm.s32 @p1 $0x1;
	p0 =	seq.s32 s7, s2  }
0x1e: {  	s7 =	smul.u32 @!p0 $0xF7A, s2;
	p2 =	seq.s32 @!p0 s5, $0x0  }
0x1f: {  	s9 =	smul.u32 $0xF7A, s1;
	s8 =	simm.s32 @!p0 $0x1BF5;
	p2 =	por !p2, p0  }
0x20: {  	[sflag:s8] =	ssyncset.s32 @!p0 $0xFFFFF086;
	s6 =	sadd.s32 @!p0 s3, s7;
	s7 =	simm.s32 @!p0 $0x108  }
0x21: {  	s3 =	sadd.s32 s3, s9;
	s6 =	sadd.s32 @!p0 $0x88, s6;
	s7 =	simm.s32 @p2 $0x1082  }
0x22: {  	[simem:s7], [sflag:s8] =	dma.local @!p0 [hbm:s6], $0xF7A  }
0x23: {  	s9 =	sor.u32 $0xD0000000, s2;
	s6 =	simm.s32 $0x108;
	_ =	swait.ge @!p0 [sflag:s8], $0x0  }
0x24: {  	s3 =	sadd.s32 $0x88, s3;
	s6 =	simm.s32 @!p1 $0x1082;
	[sflag:s4] =	ssyncset.s32 $0xFFFFF086  }
0x25: {  	[simem:s6], [sflag:s4] =	dma.local [hbm:s3], $0xF7A  }
0x26: {  	[smem:$0x3F98] =	sst s1;
	(tag) =	ssettag s2;
	_ =	strace s9  }
0x27: {  	s1 =	sld [smem:$0x3FA8]  }
0x28: {  	s2 =	sld [smem:$0x3FA9]  }
0x29: {  	s4 =	sld [smem:$0x3FAB]  }
0x2a: {  	p0 =	seq.s32 s5, $0x0;
	s5 =	sld [smem:$0x3FAC]  }
0x2b: {  	s6 =	sld [smem:$0x3FAD]  }
0x2c: {  	s7 =	sld [smem:$0x3FAE]  }
0x2d: {  	s3 =	simm.s32 $0x108;
	s8 =	sld [smem:$0x3FAF]  }
0x2e: {  	s3 =	simm.s32 @!p0 $0x1082;
	s9 =	sld [smem:$0x3FB0]  }
0x2f: {  	lr =	sadd.s32 s0, s3;
	s0 =	sld [smem:$0x3FA7]  }
0x30: {  	s3 =	sld [smem:$0x3FAA]  }
0x31: {  	[smem:$0x3FB3] =	sst s10  }
0x32: {  	s10 =	sld [smem:$0x3FB1];
	_ =	sdelay $0x3  }
0x33: {  	p0 =	seq.s32 s10, $0x1;
	s10 =	sld [smem:$0x3FB3];
	_ =	sdelay $0x3  }
0x34: {  	[smem:$0x3FB3] =	sst s10  }
0x35: {  	s10 =	sld [smem:$0x3FB2];
	_ =	sdelay $0x3  }
0x36: {  	p1 =	seq.s32 s10, $0x1;
	s10 =	sld [smem:$0x3FB3];
	_ =	sdelay $0x3  }
0x37: {  	[smem:$0x3FB3] =	sst s10  }
0x38: {  	s10 =	sld [smem:$0x3FB4]  }
0x39: {  	_ = 	snop;
	(pc) =	sbr.ind lr, $3  }
0x3a: {  	_ = 	snop  }
0x3b: {  	_ = 	snop  }
0x3c: {  	p2 =	seq.s32 s10, $0x1;
	s10 =	sld [smem:$0x3FB3]  }
0x3d: {  	_ =	shalt  }
0x3e: {  	_ =	shalt  }
0x3f: {  	_ =	shalt  }
0x40: {  	_ =	shalt  }
0x41: {  	_ =	shalt  }
0x42: {  	_ =	shalt  }
0x43: {  	_ =	shalt  }
0x44: {  	_ =	shalt  }
0x45: {  	_ =	shalt  }
0x46: {  	_ =	shalt  }
0x47: {  	_ =	shalt  }
0x48: {  	_ =	shalt  }
0x49: {  	_ =	shalt  }
0x4a: {  	_ =	shalt  }
0x4b: {  	_ =	shalt  }
0x4c: {  	_ =	shalt  }
0x4d: {  	_ =	shalt  }
0x4e: {  	_ =	shalt  }
0x4f: {  	_ =	shalt  }
0x50: {  	_ =	shalt  }
0x51: {  	_ =	shalt  }
0x52: {  	_ =	shalt  }
0x53: {  	_ =	shalt  }
0x54: {  	_ =	shalt  }
0x55: {  	_ =	shalt  }
0x56: {  	_ =	shalt  }
0x57: {  	_ =	shalt  }
0x58: {  	_ =	shalt  }
0x59: {  	_ =	shalt  }
0x5a: {  	_ =	shalt  }
0x5b: {  	_ =	shalt  }
0x5c: {  	_ =	shalt  }
0x5d: {  	_ =	shalt  }
0x5e: {  	_ =	shalt  }
0x5f: {  	_ =	shalt  }
0x60: {  	_ =	shalt  }
0x61: {  	_ =	shalt  }
0x62: {  	_ =	shalt  }
0x63: {  	_ =	shalt  }
0x64: {  	_ =	shalt  }
0x65: {  	_ =	shalt  }
0x66: {  	_ =	shalt  }
0x67: {  	_ =	shalt  }
0x68: {  	_ =	shalt  }
0x69: {  	_ =	shalt  }
0x6a: {  	_ =	shalt  }
0x6b: {  	_ =	shalt  }
0x6c: {  	_ =	shalt  }
0x6d: {  	_ =	shalt  }
0x6e: {  	_ =	shalt  }
0x6f: {  	_ =	shalt  }
0x70: {  	_ =	shalt  }
0x71: {  	_ =	shalt  }
0x72: {  	_ =	shalt  }
0x73: {  	_ =	shalt  }
0x74: {  	_ =	shalt  }
0x75: {  	_ =	shalt  }
0x76: {  	_ =	shalt  }
0x77: {  	_ =	shalt  }
0x78: {  	_ =	shalt  }
0x79: {  	_ =	shalt  }
0x7a: {  	_ =	shalt  }
0x7b: {  	_ =	shalt  }
0x7c: {  	_ =	shalt  }
0x7d: {  	_ =	shalt  }
0x7e: {  	_ =	shalt  }
0x7f: {  	_ =	shalt  }
0x80: {  	_ =	shalt  }
0x81: {  	_ =	shalt  }
0x82: {  	_ =	shalt  }
0x83: {  	_ =	shalt  }
0x84: {  	_ =	shalt  }
0x85: {  	_ =	shalt  }
0x86: {  	_ =	shalt  }
0x87: {  	_ =	shalt  }
.Lfunc_end0:
.L_simem_size_0:
called_computation.2_lowered:
.L_overlay_start_0:
0x88: {  	s2 =	sld [smem:$0x3FD9]  }
0x89: {  	s3 =	sld [smem:$0x3FFE];
	_ =	sdelay $0x1  }
0x8a: {  	s1 =	srdreg.scid  }
0x8b: {  	s0 =	sand.u32 $0x1, s1  }
0x8c: {  	s16 =	sshll.u32 s0, $0xA;
	s2 =	sadd.s32 s3, s2  }
0x8d: {  	s2 =	sadd.s32 s2, s16  }
0x8e: {  	[smem:$0x3FBF] =	sst s2  }
0x8f: {  	_ = 	snop  }
0x90: {  	(tm) =	ssettm $0x1  }
0x91: {  	s17 =	sld [smem:$0x3FFB];
	_ =	sdelay $0x3  }
0x92: {  	_ =	strace s17  }
0x93: {  	s2 =	sld [smem:$0x3FFC];
	_ =	sdelay $0x3  }
0x94: {  	_ =	strace s2  }
0x95: {  	s2 =	sld [smem:$0x3FFD];
	_ =	sdelay $0x3  }
0x96: {  	_ =	strace s2  }
0x97: {  	_ =	strace $0x8FFFFFFF  }
0x98: {  	s18 =	sld [smem:$0x3FDB];
	_ =	sdelay $0x1  }
0x99: {  	s19 =	simm.s32 $_scs_section_size  }
0x9a: {  	s4 =	simm.s32 $_size__tile_overlayer_lowered;
	s5 =	simm.s32 $_tile_overlayer_lowered  }
0x9b: {  	s22 =	simm.s32 $0x1BFF;
	s21 =	sshll.u32 s5, $0x1;
	s2 =	sadd.s32 s19, s18  }
0x9c: {  	s6 =	simm.s32 $0x0;
	s20 =	sshll.u32 s4, $0x1;
	s4 =	sadd.s32 s21, s2  }
0x9d: {  	[timem:s6], [sflag:s22] =	dma.local [hbm:s4], s20  }
0x9e: {  	_ =	swait.ge [sflag:s22], s20  }
0x9f: {  	s3 =	ssub.s32 $0x0, s20;
	[sflag:s22] =	ssyncset.done $0x0  }
0xa0: {  	[sflag:s22] =	ssyncadd.s32 s3;
	_ =	sdelay $0x1  }
0xa1: {  	s23 =	simm.s32 $0x1B8B  }
0xa2: {  	_ =	swait.ge [sflag:s23], $0x1  }
0xa3: {  	[sflag:s23] =	ssyncset.done $0x0  }
0xa4: {  	s25 =	simm.s32 $0x1B8E;
	s24 =	sld [smem:$0x3FFE];
	[sflag:s23] =	ssyncadd.s32 $0xFFFFFFFF  }
0xa5: {  	s26 =	simm.s32 $execute0_lowered;
	[smem:$0x3FD2] =	sst s25  }
0xa6: {  	s4 =	sshll.u32 s26, $0x1;
	_ =	strace $0x8000004C;
	[dreg:$0x1] =	wrdreg $0xFFFFFFFF  }
0xa7: {  	s28 =	simm.s32 $_size_execute0_lowered;
	s2 =	sadd.s32 s2, s4;
	[dreg:$0x0] =	wrdreg $0x0  }
0xa8: {  	s4 =	sshll.u32 s28, $0x1;
	[dreg:$0x2] =	wrdreg s2  }
0xa9: {  	[dreg:$0x3] =	wrdreg s4  }
0xaa: {  	[dreg:$0x4] =	wrdreg $0xC0  }
0xab: {  	_ =	task [dreg:s6], $0x5FFFF  }
0xac: {  	[dreg:$0x1] =	wrdreg $0xFFFFFFFF  }
0xad: {  	[dreg:$0x0] =	wrdreg $0x60  }
0xae: {  	[dreg:$0x2] =	wrdreg s24  }
0xaf: {  	[dreg:$0x3] =	wrdreg $0x58000  }
0xb0: {  	[dreg:$0x4] =	wrdreg $0x9  }
0xb1: {  	_ =	task.clear_ibuf [dreg:s6], $0x5FFFF;
	_ =	strace $0x9000004C  }
0xb2: {  	s29 =	simm.s32 $0x9;
	_ =	strace $0x8000004E  }
0xb3: {  	_ =	swait.ge [sflag:s29], $0x1  }
0xb4: {  	[sflag:s29] =	ssyncadd.s32 $0xFFFFFFFF  }
0xb5: {  	_ =	strace $0x9000004E  }
0xb6: {  	_ =	sfence  }
0xb7: {  	s30 =	sld [smem:$0x0];
	_ =	sdelay $0x2  }
0xb8: {  	s31 =	sshll.u32 s1, $0xD;
	s1 =	sshrl.u32 s1, $0x2  }
0xb9: {  	s3 =	sand.u32 $0x4000, s31;
	s1 =	sadd.s32 s1, s30  }
0xba: {  	s0 =	sor.u32 s3, s0;
	s1 =	sshll.u32 s1, $0x11  }
0xbb: {  	s0 =	sor.u32 s1, s0  }
0xbc: {  	s0 =	sadd.s32 $0x8F2B, s0  }
0xbd: {  	[sflag:s0] =	ssyncadd.remote.s32 $0x1  }
0xbe: {  	_ =	sfence.sel $0xFFFF  }
0xbf: {  	[dreg:$0x0] =	wrdreg $0xFFFFFFFF;
	(pc) =	sbr.abs _section_cstart, $3  }
0xc0: {  	[dreg:$0x1] =	wrdreg $0xFFFFFFFF  }
0xc1: {  	_ =	task.clear_ibuf [dreg:s6], $0x2FFFF;
	_ =	strace $0x9FFFFFFF  }
0xc2: {  	(tm) =	ssettm $0x7FFFFFFF  }
0xc3: {  	_ =	shalt  }
tec
execute0_lowered:
.L_overlay_start_1:
0x0: {  	(tag) =	ssettag $0x1  }
0x1: {  	s0 =	rddreg [dreg:$0x0]  }
0x2: {  	s1 =	rddreg [dreg:$0x1]  }
0x3: {  	s2 =	simm.s32 $0x0;
	s3 =	srdreg.scid;
	s13 =	stileid.u32  }
0x4: {  	s15 =	simm.s32 $0x3;
	s16 =	simm.s32 $0x400;
	s17 =	simm.s32 $0x50  }
0x5: {  	s18 =	simm.s32 $0x800;
	s19 =	simm.s32 $0x1;
	s20 =	simm.s32 $0x80  }
0x6: {  	s21 =	simm.s32 $0x3000;
	s22 =	simm.s32 $0x2;
	s28 =	simm.s32 $0x200  }
0x7: {  	s29 =	simm.s32 $0x580;
	s30 =	simm.s32 $0x280;
	s31 =	simm.s32 $0x600  }
0x8: {  	[smem:$0x7FF] =	sst s2;
	s3 =	sand.u32 $0x1, s3;
	s6 =	smul.u32 $0x50000, s13  }
0x9: {  	s4 =	sadd.s32 $0x2A00, s0;
	s23 =	sadd.s32 $0x29C00, s0;
	s10 =	smul.u32 $0x14000, s13  }
0xa: {  	s11 =	sadd.s32 $0x12C000, s1;
	s12 =	sadd.s32 $0x138800, s1;
	s25 =	sshll.u32 s13, $0xB  }
0xb: {  	p0 =	seq.s32 s13, $0xF;
	_ =	strace $0x8000004D;
	s5 =	sshll.u32 s3, $0xF  }
0xc: {  	s8 =	ssub.s32 $0x2, s3;
	s3 =	smul.u32 $0x138800, s3;
	[dreg:$0x3] =	wrdreg s23  }
0xd: {  	s14 =	sshrl.u32 @p0 s11, $0x3;
	s23 =	simm.s32 $0x100;
	s11 =	simm.s32 $0x0  }
0xe: {  	s7 =	sadd.s32 s5, s0;
	s9 =	sshrl.u32 s8, $0x1;
	[dreg:$0xb] =	wrdreg s11  }
0xf: {  	s0 =	sadd.s32 $0x83A00, s0;
	s6 =	sshrl.u32 s6, $0x2;
	[dreg:$0x7] =	wrdreg s14  }
0x10: {  	s8 =	ssub.s32 s8, s9;
	s6 =	sadd.s32 s6, s1;
	s24 =	sadd.s32 s10, s3  }
0x11: {  	s3 =	sshrl.u32 s3, $0x3;
	s10 =	sadd.s32 s25, s7;
	s25 =	simm.s32 $0x180  }
0x12: {  	s7 =	simm.s32 $0x700;
	s9 =	sshrl.u32 s24, $0x3;
	s24 =	simm.s32 $0x480  }
0x13: {  	s26 =	sadd.s32 s0, s9;
	s0 =	sadd.s32 s0, s3;
	s9 =	smax.u32 s8, $0x1  }
0x14: {  	s3 =	simm.s32 $0x680;
	s8 =	simm.s32 $0x780;
	[dreg:$0x4] =	wrdreg s26  }
0x15: {  	s0 =	sadd.s32 $0x25800, s0;
	[dreg:$0x6] =	wrdreg s9;
	s9 =	sadd.s32 $0x63A00, s10  }
0x16: {  	s10 =	sadd.s32 $0x73A00, s10;
	[dreg:$0x5] =	wrdreg s0;
	s0 =	sshrl.u32 @p0 s12, $0x3  }
0x17: {  	[dreg:$0x8] =	wrdreg s0;
	s0 =	sshll.u32 @!p0 s13, $0x6;
	s13 =	sshrl.u32 @!p0 s6, $0x3  }
0x18: {  	s26 =	simm.s32 $0x500;
	s12 =	sor.u32 @!p0 $0x1C03, s0;
	[dreg:$0xa] =	wrdreg s13  }
0x19: {  	s6 =	simm.s32 $0x380;
	s0 =	simm.s32 $0x300;
	[dreg:$0x9] =	wrdreg s12  }
.LBB2_1:
0x1a: {  	s11 =	simm.s32 @p0 $0x1FC3;
	s5 =	rddreg [dreg:$0x3];
	s13 =	simm.s32 @p0 $0x3  }
0x1b: {  	[spmem:s14], [sflag:s11] =	dma.local @p0 [hbm:s5], $0x1900  }
0x1c: {  	_ =	swait.ge @p0 [sflag:s13], $0x1900  }
0x1d: {  	s14 =	smov.u32 s12;
	[sflag:s13] =	ssyncset.done @p0 $0x0  }
0x1e: {  	s11 =	simm.s32 @p0 $0x1FC3;
	s12 =	rddreg [dreg:$0x8];
	[sflag:s13] =	ssyncadd.s32 @p0 $0xFFFFE700  }
0x1f: {  	[spmem:s12], [sflag:s11] =	dma.local @p0 [hbm:s5], $0x80  }
0x20: {  	_ =	swait.ge @p0 [sflag:s13], $0x80  }
0x21: {  	[sflag:s13] =	ssyncset.done @p0 $0x0  }
0x22: {  	s11 =	rddreg [dreg:$0xa];
	[sflag:s13] =	ssyncadd.s32 @p0 $0xFFFFFF80  }
0x23: {  	[spmem:s11], [sflag:s14] =	dma.local @!p0 [hbm:s5], $0x2800  }
0x24: {  	s11 =	simm.s32 @!p0 $0x3  }
0x25: {  	_ =	swait.ge @!p0 [sflag:s11], $0x2800  }
0x26: {  	[sflag:s11] =	ssyncset.done @!p0 $0x0  }
0x27: {  	[sflag:s11] =	ssyncadd.s32 @!p0 $0xFFFFD800  }
0x28: {  	s13 =	sadd.s32 $0x0, s10;
	[bflag:$0x0] =	sbarrier.arrive $0xFFFF  }
0x29: {  	[tilespmem:s2], [sflag:$0x3] =	stream.linear.gather [hbm4b:s13+s2], $0x400, $0x38;
	[tilespmem:$0x190C0] =	vst v63  }
0x2a: {  	_ =	swait.ge [sflag:s15], $0x400  }
0x2b: {  	[sflag:s15] =	ssyncset.done $0x0  }
0x2c: {  	s14 =	sadd.s32 $0x0, s9;
	[sflag:s15] =	ssyncadd.s32 $0xFFFFFC00  }
0x2d: {  	[tilespmem:s16], [sflag:$0x3] =	stream.linear.gather [hbm4b:s14+s2], $0x400, $0x38;
	[tilespmem:$0x190C0] =	vst v63  }
0x2e: {  	_ =	swait.ge [sflag:s15], $0x400  }
0x2f: {  	[sflag:s15] =	ssyncset.done $0x0  }
0x30: {  	[sflag:s15] =	ssyncadd.s32 $0xFFFFFC00  }
0x31: {  	[tilespmem:s18], [sflag:$0x1] =	stream.indirect.gather [hbm4b:s4+s17], $0x80, s2, s17, $0xb8;
	[tilespmem:$0x190C0] =	vst v63  }
0x32: {  	_ =	swait.ge [sflag:s19], $0x2800  }
0x33: {  	[sflag:s19] =	ssyncset.done $0x0  }
0x34: {  	[sflag:s19] =	ssyncadd.s32 $0xFFFFD800  }
0x35: {  	[tilespmem:s21], [sflag:$0x2] =	stream.indirect.gather [hbm4b:s4+s17], $0x80, s20, s17, $0xb8;
	[tilespmem:$0x190C0] =	vst v63  }
0x36: {  	_ = 	snop  }
0x37: {  	[spmem:s1] =	stream.indirect.scatter.add.f32 [tilespmem:s18], [sflag:$0x3], $0x80, s16, s17, $0xb8;
	[tilespmem:$0x190C0] =	vst v63  }
0x38: {  	_ =	swait.ge [sflag:s15], $0x2800  }
0x39: {  	[sflag:s15] =	ssyncset.done $0x0  }
0x3a: {  	[sflag:s15] =	ssyncadd.s32 $0xFFFFD800  }
0x3b: {  	_ =	swait.ge [sflag:s22], $0x2800  }
0x3c: {  	[sflag:s22] =	ssyncset.done $0x0  }
0x3d: {  	[sflag:s22] =	ssyncadd.s32 $0xFFFFD800  }
0x3e: {  	[tilespmem:s18], [sflag:$0x1] =	stream.indirect.gather [hbm4b:s4+s17], $0x80, s23, s17, $0xb8;
	[tilespmem:$0x190C0] =	vst v63  }
0x3f: {  	_ = 	snop  }
0x40: {  	[spmem:s1] =	stream.indirect.scatter.add.f32 [tilespmem:s21], [sflag:$0x3], $0x80, s24, s17, $0xb8;
	[tilespmem:$0x190C0] =	vst v63  }
0x41: {  	_ =	swait.ge [sflag:s15], $0x2800  }
0x42: {  	[sflag:s15] =	ssyncset.done $0x0  }
0x43: {  	[sflag:s15] =	ssyncadd.s32 $0xFFFFD800  }
0x44: {  	_ =	swait.ge [sflag:s19], $0x2800  }
0x45: {  	[sflag:s19] =	ssyncset.done $0x0  }
0x46: {  	[sflag:s19] =	ssyncadd.s32 $0xFFFFD800  }
0x47: {  	[tilespmem:s21], [sflag:$0x2] =	stream.indirect.gather [hbm4b:s4+s17], $0x80, s25, s17, $0xb8;
	[tilespmem:$0x190C0] =	vst v63  }
0x48: {  	_ = 	snop  }
0x49: {  	[spmem:s1] =	stream.indirect.scatter.add.f32 [tilespmem:s18], [sflag:$0x3], $0x80, s26, s17, $0xb8;
	[tilespmem:$0x190C0] =	vst v63  }
0x4a: {  	_ =	swait.ge [sflag:s15], $0x2800  }
0x4b: {  	[sflag:s15] =	ssyncset.done $0x0  }
0x4c: {  	[sflag:s15] =	ssyncadd.s32 $0xFFFFD800  }
0x4d: {  	_ =	swait.ge [sflag:s22], $0x2800  }
0x4e: {  	[sflag:s22] =	ssyncset.done $0x0  }
0x4f: {  	[sflag:s22] =	ssyncadd.s32 $0xFFFFD800  }
0x50: {  	[tilespmem:s18], [sflag:$0x1] =	stream.indirect.gather [hbm4b:s4+s17], $0x80, s28, s17, $0xb8;
	[tilespmem:$0x190C0] =	vst v63  }
0x51: {  	_ = 	snop  }
0x52: {  	[spmem:s1] =	stream.indirect.scatter.add.f32 [tilespmem:s21], [sflag:$0x3], $0x80, s29, s17, $0xb8;
	[tilespmem:$0x190C0] =	vst v63  }
0x53: {  	_ =	swait.ge [sflag:s15], $0x2800  }
0x54: {  	[sflag:s15] =	ssyncset.done $0x0  }
0x55: {  	[sflag:s15] =	ssyncadd.s32 $0xFFFFD800  }
0x56: {  	_ =	swait.ge [sflag:s19], $0x2800  }
0x57: {  	[sflag:s19] =	ssyncset.done $0x0  }
0x58: {  	[sflag:s19] =	ssyncadd.s32 $0xFFFFD800  }
0x59: {  	[tilespmem:s21], [sflag:$0x2] =	stream.indirect.gather [hbm4b:s4+s17], $0x80, s30, s17, $0xb8;
	[tilespmem:$0x190C0] =	vst v63  }
0x5a: {  	_ = 	snop  }
0x5b: {  	[spmem:s1] =	stream.indirect.scatter.add.f32 [tilespmem:s18], [sflag:$0x3], $0x80, s31, s17, $0xb8;
	[tilespmem:$0x190C0] =	vst v63  }
0x5c: {  	_ =	swait.ge [sflag:s15], $0x2800  }
0x5d: {  	[sflag:s15] =	ssyncset.done $0x0  }
0x5e: {  	[sflag:s15] =	ssyncadd.s32 $0xFFFFD800  }
0x5f: {  	_ =	swait.ge [sflag:s22], $0x2800  }
0x60: {  	[sflag:s22] =	ssyncset.done $0x0  }
0x61: {  	[sflag:s22] =	ssyncadd.s32 $0xFFFFD800  }
0x62: {  	[tilespmem:s18], [sflag:$0x1] =	stream.indirect.gather [hbm4b:s4+s17], $0x80, s0, s17, $0xb8;
	[tilespmem:$0x190C0] =	vst v63  }
0x63: {  	_ = 	snop  }
0x64: {  	[spmem:s1] =	stream.indirect.scatter.add.f32 [tilespmem:s21], [sflag:$0x3], $0x80, s3, s17, $0xb8;
	[tilespmem:$0x190C0] =	vst v63  }
0x65: {  	_ =	swait.ge [sflag:s15], $0x2800  }
0x66: {  	[sflag:s15] =	ssyncset.done $0x0  }
0x67: {  	[sflag:s15] =	ssyncadd.s32 $0xFFFFD800  }
0x68: {  	_ =	swait.ge [sflag:s19], $0x2800  }
0x69: {  	[sflag:s19] =	ssyncset.done $0x0  }
0x6a: {  	[sflag:s19] =	ssyncadd.s32 $0xFFFFD800  }
0x6b: {  	[tilespmem:s21], [sflag:$0x2] =	stream.indirect.gather [hbm4b:s4+s17], $0x80, s6, s17, $0xb8;
	[tilespmem:$0x190C0] =	vst v63  }
0x6c: {  	_ = 	snop  }
0x6d: {  	[spmem:s1] =	stream.indirect.scatter.add.f32 [tilespmem:s18], [sflag:$0x3], $0x80, s7, s17, $0xb8;
	[tilespmem:$0x190C0] =	vst v63  }
0x6e: {  	_ =	swait.ge [sflag:s15], $0x2800  }
0x6f: {  	[sflag:s15] =	ssyncset.done $0x0  }
0x70: {  	[sflag:s15] =	ssyncadd.s32 $0xFFFFD800  }
0x71: {  	_ =	swait.ge [sflag:s22], $0x2800  }
0x72: {  	[sflag:s22] =	ssyncset.done $0x0  }
0x73: {  	[sflag:s22] =	ssyncadd.s32 $0xFFFFD800  }
0x74: {  	[spmem:s1] =	stream.indirect.scatter.add.f32 [tilespmem:s21], [sflag:$0x3], $0x80, s8, s17, $0xb8;
	[tilespmem:$0x190C0] =	vst v63  }
0x75: {  	_ =	swait.ge [sflag:s15], $0x2800  }
0x76: {  	s11 =	simm.s32 $0x80;
	s13 =	simm.s32 $0x100;
	[sflag:s15] =	ssyncset.done $0x0  }
.LBB2_2:
0x77: {  	s5 =	sadd.s32 s11, s10  }
0x78: {  	[sflag:s15] =	ssyncadd.s32 $0xFFFFD800;
	s12 =	smov.u32 s13;
	s14 =	sadd.s32 $0x80, s13  }
0x79: {  	[tilespmem:s2], [sflag:$0x3] =	stream.linear.gather [hbm4b:s5+s2], $0x400, $0x38;
	[tilespmem:$0x190C0] =	vst v63  }
0x7a: {  	p1 =	sne.s32 s13, $0x780;
	_ =	swait.ge [sflag:s15], $0x400  }
0x7b: {  	[sflag:s15] =	ssyncset.done $0x0  }
0x7c: {  	s5 =	sadd.s32 s11, s9;
	s11 =	smov.u32 s12;
	[sflag:s15] =	ssyncadd.s32 $0xFFFFFC00  }
0x7d: {  	[tilespmem:s16], [sflag:$0x3] =	stream.linear.gather [hbm4b:s5+s2], $0x400, $0x38;
	[tilespmem:$0x190C0] =	vst v63  }
0x7e: {  	_ =	swait.ge [sflag:s15], $0x400  }
0x7f: {  	[sflag:s15] =	ssyncset.done $0x0  }
0x80: {  	[sflag:s15] =	ssyncadd.s32 $0xFFFFFC00  }
0x81: {  	[tilespmem:s18], [sflag:$0x1] =	stream.indirect.gather [hbm4b:s4+s17], $0x80, s2, s17, $0xb8;
	[tilespmem:$0x190C0] =	vst v63  }
0x82: {  	_ =	swait.ge [sflag:s19], $0x2800  }
0x83: {  	[sflag:s19] =	ssyncset.done $0x0  }
0x84: {  	[sflag:s19] =	ssyncadd.s32 $0xFFFFD800  }
0x85: {  	[tilespmem:s21], [sflag:$0x2] =	stream.indirect.gather [hbm4b:s4+s17], $0x80, s20, s17, $0xb8;
	[tilespmem:$0x190C0] =	vst v63  }
0x86: {  	_ = 	snop  }
0x87: {  	[spmem:s1] =	stream.indirect.scatter.add.f32 [tilespmem:s18], [sflag:$0x3], $0x80, s16, s17, $0xb8;
	[tilespmem:$0x190C0] =	vst v63  }
0x88: {  	_ =	swait.ge [sflag:s15], $0x2800  }
0x89: {  	[sflag:s15] =	ssyncset.done $0x0  }
0x8a: {  	[sflag:s15] =	ssyncadd.s32 $0xFFFFD800  }
0x8b: {  	_ =	swait.ge [sflag:s22], $0x2800  }
0x8c: {  	[sflag:s22] =	ssyncset.done $0x0  }
0x8d: {  	[sflag:s22] =	ssyncadd.s32 $0xFFFFD800  }
0x8e: {  	[tilespmem:s18], [sflag:$0x1] =	stream.indirect.gather [hbm4b:s4+s17], $0x80, s23, s17, $0xb8;
	[tilespmem:$0x190C0] =	vst v63  }
0x8f: {  	_ = 	snop  }
0x90: {  	[spmem:s1] =	stream.indirect.scatter.add.f32 [tilespmem:s21], [sflag:$0x3], $0x80, s24, s17, $0xb8;
	[tilespmem:$0x190C0] =	vst v63  }
0x91: {  	_ =	swait.ge [sflag:s15], $0x2800  }
0x92: {  	[sflag:s15] =	ssyncset.done $0x0  }
0x93: {  	[sflag:s15] =	ssyncadd.s32 $0xFFFFD800  }
0x94: {  	_ =	swait.ge [sflag:s19], $0x2800  }
0x95: {  	[sflag:s19] =	ssyncset.done $0x0  }
0x96: {  	[sflag:s19] =	ssyncadd.s32 $0xFFFFD800  }
0x97: {  	[tilespmem:s21], [sflag:$0x2] =	stream.indirect.gather [hbm4b:s4+s17], $0x80, s25, s17, $0xb8;
	[tilespmem:$0x190C0] =	vst v63  }
0x98: {  	_ = 	snop  }
0x99: {  	[spmem:s1] =	stream.indirect.scatter.add.f32 [tilespmem:s18], [sflag:$0x3], $0x80, s26, s17, $0xb8;
	[tilespmem:$0x190C0] =	vst v63  }
0x9a: {  	_ =	swait.ge [sflag:s15], $0x2800  }
0x9b: {  	[sflag:s15] =	ssyncset.done $0x0  }
0x9c: {  	[sflag:s15] =	ssyncadd.s32 $0xFFFFD800  }
0x9d: {  	_ =	swait.ge [sflag:s22], $0x2800  }
0x9e: {  	[sflag:s22] =	ssyncset.done $0x0  }
0x9f: {  	[sflag:s22] =	ssyncadd.s32 $0xFFFFD800  }
0xa0: {  	[tilespmem:s18], [sflag:$0x1] =	stream.indirect.gather [hbm4b:s4+s17], $0x80, s28, s17, $0xb8;
	[tilespmem:$0x190C0] =	vst v63  }
0xa1: {  	_ = 	snop  }
0xa2: {  	[spmem:s1] =	stream.indirect.scatter.add.f32 [tilespmem:s21], [sflag:$0x3], $0x80, s29, s17, $0xb8;
	[tilespmem:$0x190C0] =	vst v63  }
0xa3: {  	_ =	swait.ge [sflag:s15], $0x2800  }
0xa4: {  	[sflag:s15] =	ssyncset.done $0x0  }
0xa5: {  	[sflag:s15] =	ssyncadd.s32 $0xFFFFD800  }
0xa6: {  	_ =	swait.ge [sflag:s19], $0x2800  }
0xa7: {  	[sflag:s19] =	ssyncset.done $0x0  }
0xa8: {  	[sflag:s19] =	ssyncadd.s32 $0xFFFFD800  }
0xa9: {  	[tilespmem:s21], [sflag:$0x2] =	stream.indirect.gather [hbm4b:s4+s17], $0x80, s30, s17, $0xb8;
	[tilespmem:$0x190C0] =	vst v63  }
0xaa: {  	_ = 	snop  }
0xab: {  	[spmem:s1] =	stream.indirect.scatter.add.f32 [tilespmem:s18], [sflag:$0x3], $0x80, s31, s17, $0xb8;
	[tilespmem:$0x190C0] =	vst v63  }
0xac: {  	_ =	swait.ge [sflag:s15], $0x2800  }
0xad: {  	[sflag:s15] =	ssyncset.done $0x0  }
0xae: {  	[sflag:s15] =	ssyncadd.s32 $0xFFFFD800  }
0xaf: {  	_ =	swait.ge [sflag:s22], $0x2800  }
0xb0: {  	[sflag:s22] =	ssyncset.done $0x0  }
0xb1: {  	[sflag:s22] =	ssyncadd.s32 $0xFFFFD800  }
0xb2: {  	[tilespmem:s18], [sflag:$0x1] =	stream.indirect.gather [hbm4b:s4+s17], $0x80, s0, s17, $0xb8;
	[tilespmem:$0x190C0] =	vst v63  }
0xb3: {  	_ = 	snop  }
0xb4: {  	[spmem:s1] =	stream.indirect.scatter.add.f32 [tilespmem:s21], [sflag:$0x3], $0x80, s3, s17, $0xb8;
	[tilespmem:$0x190C0] =	vst v63  }
0xb5: {  	_ =	swait.ge [sflag:s15], $0x2800  }
0xb6: {  	[sflag:s15] =	ssyncset.done $0x0  }
0xb7: {  	[sflag:s15] =	ssyncadd.s32 $0xFFFFD800  }
0xb8: {  	_ =	swait.ge [sflag:s19], $0x2800  }
0xb9: {  	[sflag:s19] =	ssyncset.done $0x0  }
0xba: {  	[sflag:s19] =	ssyncadd.s32 $0xFFFFD800  }
0xbb: {  	[tilespmem:s21], [sflag:$0x2] =	stream.indirect.gather [hbm4b:s4+s17], $0x80, s6, s17, $0xb8;
	[tilespmem:$0x190C0] =	vst v63  }
0xbc: {  	_ = 	snop  }
0xbd: {  	[spmem:s1] =	stream.indirect.scatter.add.f32 [tilespmem:s18], [sflag:$0x3], $0x80, s7, s17, $0xb8;
	[tilespmem:$0x190C0] =	vst v63  }
0xbe: {  	_ =	swait.ge [sflag:s15], $0x2800  }
0xbf: {  	[sflag:s15] =	ssyncset.done $0x0  }
0xc0: {  	[sflag:s15] =	ssyncadd.s32 $0xFFFFD800  }
0xc1: {  	_ =	swait.ge [sflag:s22], $0x2800  }
.Ltmp0:
0xc2: {  	[sflag:s22] =	ssyncset.done $0x0;
	(pc) =	sbr.rel @p1 .LBB2_2-.Ltmp0, $4  }
0xc3: {  	[sflag:s22] =	ssyncadd.s32 $0xFFFFD800  }
0xc4: {  	[spmem:s1] =	stream.indirect.scatter.add.f32 [tilespmem:s21], [sflag:$0x3], $0x80, s8, s17, $0xb8;
	[tilespmem:$0x190C0] =	vst v63  }
0xc5: {  	_ =	swait.ge [sflag:s15], $0x2800  }
0xc6: {  	s13 =	smov.u32 s14;
	[sflag:s15] =	ssyncset.done $0x0  }
0xc7: {  	s5 =	sadd.s32 s11, s10;
	[sflag:s15] =	ssyncadd.s32 $0xFFFFD800  }
0xc8: {  	[tilespmem:s2], [sflag:$0x3] =	stream.linear.gather [hbm4b:s5+s2], $0x400, $0x38;
	[tilespmem:$0x190C0] =	vst v63  }
0xc9: {  	_ =	swait.ge [sflag:s15], $0x400  }
0xca: {  	[sflag:s15] =	ssyncset.done $0x0  }
0xcb: {  	s12 =	sadd.s32 s11, s9;
	[sflag:s15] =	ssyncadd.s32 $0xFFFFFC00  }
0xcc: {  	[tilespmem:s16], [sflag:$0x3] =	stream.linear.gather [hbm4b:s12+s2], $0x400, $0x38;
	[tilespmem:$0x190C0] =	vst v63  }
0xcd: {  	_ =	swait.ge [sflag:s15], $0x400  }
0xce: {  	[sflag:s15] =	ssyncset.done $0x0  }
0xcf: {  	[sflag:s15] =	ssyncadd.s32 $0xFFFFFC00  }
0xd0: {  	[tilespmem:s18], [sflag:$0x1] =	stream.indirect.gather [hbm4b:s4+s17], $0x80, s2, s17, $0xb8;
	[tilespmem:$0x190C0] =	vst v63  }
0xd1: {  	_ =	swait.ge [sflag:s19], $0x2800  }
0xd2: {  	[sflag:s19] =	ssyncset.done $0x0  }
0xd3: {  	[sflag:s19] =	ssyncadd.s32 $0xFFFFD800  }
0xd4: {  	[tilespmem:s21], [sflag:$0x2] =	stream.indirect.gather [hbm4b:s4+s17], $0x80, s20, s17, $0xb8;
	[tilespmem:$0x190C0] =	vst v63  }
0xd5: {  	_ = 	snop  }
0xd6: {  	[spmem:s1] =	stream.indirect.scatter.add.f32 [tilespmem:s18], [sflag:$0x3], $0x80, s16, s17, $0xb8;
	[tilespmem:$0x190C0] =	vst v63  }
0xd7: {  	_ =	swait.ge [sflag:s15], $0x2800  }
0xd8: {  	[sflag:s15] =	ssyncset.done $0x0  }
0xd9: {  	[sflag:s15] =	ssyncadd.s32 $0xFFFFD800  }
0xda: {  	_ =	swait.ge [sflag:s22], $0x2800  }
0xdb: {  	[sflag:s22] =	ssyncset.done $0x0  }
0xdc: {  	[sflag:s22] =	ssyncadd.s32 $0xFFFFD800  }
0xdd: {  	[tilespmem:s18], [sflag:$0x1] =	stream.indirect.gather [hbm4b:s4+s17], $0x80, s23, s17, $0xb8;
	[tilespmem:$0x190C0] =	vst v63  }
0xde: {  	_ = 	snop  }
0xdf: {  	[spmem:s1] =	stream.indirect.scatter.add.f32 [tilespmem:s21], [sflag:$0x3], $0x80, s24, s17, $0xb8;
	[tilespmem:$0x190C0] =	vst v63  }
0xe0: {  	_ =	swait.ge [sflag:s15], $0x2800  }
0xe1: {  	[sflag:s15] =	ssyncset.done $0x0  }
0xe2: {  	[sflag:s15] =	ssyncadd.s32 $0xFFFFD800  }
0xe3: {  	_ =	swait.ge [sflag:s19], $0x2800  }
0xe4: {  	[sflag:s19] =	ssyncset.done $0x0  }
0xe5: {  	[sflag:s19] =	ssyncadd.s32 $0xFFFFD800  }
0xe6: {  	[tilespmem:s21], [sflag:$0x2] =	stream.indirect.gather [hbm4b:s4+s17], $0x80, s25, s17, $0xb8;
	[tilespmem:$0x190C0] =	vst v63  }
0xe7: {  	_ = 	snop  }
0xe8: {  	[spmem:s1] =	stream.indirect.scatter.add.f32 [tilespmem:s18], [sflag:$0x3], $0x80, s26, s17, $0xb8;
	[tilespmem:$0x190C0] =	vst v63  }
0xe9: {  	_ =	swait.ge [sflag:s15], $0x2800  }
0xea: {  	[sflag:s15] =	ssyncset.done $0x0  }
0xeb: {  	[sflag:s15] =	ssyncadd.s32 $0xFFFFD800  }
0xec: {  	_ =	swait.ge [sflag:s22], $0x2800  }
0xed: {  	[sflag:s22] =	ssyncset.done $0x0  }
0xee: {  	[sflag:s22] =	ssyncadd.s32 $0xFFFFD800  }
0xef: {  	[tilespmem:s18], [sflag:$0x1] =	stream.indirect.gather [hbm4b:s4+s17], $0x80, s28, s17, $0xb8;
	[tilespmem:$0x190C0] =	vst v63  }
0xf0: {  	_ = 	snop  }
0xf1: {  	[spmem:s1] =	stream.indirect.scatter.add.f32 [tilespmem:s21], [sflag:$0x3], $0x80, s29, s17, $0xb8;
	[tilespmem:$0x190C0] =	vst v63  }
0xf2: {  	_ =	swait.ge [sflag:s15], $0x2800  }
0xf3: {  	[sflag:s15] =	ssyncset.done $0x0  }
0xf4: {  	[sflag:s15] =	ssyncadd.s32 $0xFFFFD800  }
0xf5: {  	_ =	swait.ge [sflag:s19], $0x2800  }
0xf6: {  	[sflag:s19] =	ssyncset.done $0x0  }
0xf7: {  	[sflag:s19] =	ssyncadd.s32 $0xFFFFD800  }
0xf8: {  	[tilespmem:s21], [sflag:$0x2] =	stream.indirect.gather [hbm4b:s4+s17], $0x80, s30, s17, $0xb8;
	[tilespmem:$0x190C0] =	vst v63  }
0xf9: {  	_ = 	snop  }
0xfa: {  	[spmem:s1] =	stream.indirect.scatter.add.f32 [tilespmem:s18], [sflag:$0x3], $0x80, s31, s17, $0xb8;
	[tilespmem:$0x190C0] =	vst v63  }
0xfb: {  	_ =	swait.ge [sflag:s15], $0x2800  }
0xfc: {  	[sflag:s15] =	ssyncset.done $0x0  }
0xfd: {  	[sflag:s15] =	ssyncadd.s32 $0xFFFFD800  }
0xfe: {  	_ =	swait.ge [sflag:s22], $0x2800  }
0xff: {  	[sflag:s22] =	ssyncset.done $0x0  }
0x100: {  	[sflag:s22] =	ssyncadd.s32 $0xFFFFD800  }
0x101: {  	[tilespmem:s18], [sflag:$0x1] =	stream.indirect.gather [hbm4b:s4+s17], $0x80, s0, s17, $0xb8;
	[tilespmem:$0x190C0] =	vst v63  }
0x102: {  	_ = 	snop  }
0x103: {  	[spmem:s1] =	stream.indirect.scatter.add.f32 [tilespmem:s21], [sflag:$0x3], $0x80, s3, s17, $0xb8;
	[tilespmem:$0x190C0] =	vst v63  }
0x104: {  	_ =	swait.ge [sflag:s15], $0x2800  }
0x105: {  	[sflag:s15] =	ssyncset.done $0x0  }
0x106: {  	[sflag:s15] =	ssyncadd.s32 $0xFFFFD800  }
0x107: {  	_ =	swait.ge [sflag:s19], $0x2800  }
0x108: {  	[sflag:s19] =	ssyncset.done $0x0  }
0x109: {  	[sflag:s19] =	ssyncadd.s32 $0xFFFFD800  }
0x10a: {  	[tilespmem:s21], [sflag:$0x2] =	stream.indirect.gather [hbm4b:s4+s17], $0x80, s6, s17, $0xb8;
	[tilespmem:$0x190C0] =	vst v63  }
0x10b: {  	_ = 	snop  }
0x10c: {  	[spmem:s1] =	stream.indirect.scatter.add.f32 [tilespmem:s18], [sflag:$0x3], $0x80, s7, s17, $0xb8;
	[tilespmem:$0x190C0] =	vst v63  }
0x10d: {  	_ =	swait.ge [sflag:s15], $0x2800  }
0x10e: {  	[sflag:s15] =	ssyncset.done $0x0  }
0x10f: {  	[sflag:s15] =	ssyncadd.s32 $0xFFFFD800  }
0x110: {  	_ =	swait.ge [sflag:s22], $0x2800  }
0x111: {  	[sflag:s22] =	ssyncset.done $0x0  }
0x112: {  	[sflag:s22] =	ssyncadd.s32 $0xFFFFD800  }
0x113: {  	[spmem:s1] =	stream.indirect.scatter.add.f32 [tilespmem:s21], [sflag:$0x3], $0x80, s8, s17, $0xb8;
	[tilespmem:$0x190C0] =	vst v63  }
0x114: {  	_ =	swait.ge [sflag:s15], $0x2800  }
0x115: {  	[sflag:s15] =	ssyncset.done $0x0  }
0x116: {  	[sflag:s15] =	ssyncadd.s32 $0xFFFFD800  }
0x117: {  	[bflag:$0x0] =	sbarrier.arrive $0xFFFF  }
0x118: {  	s11 =	rddreg [dreg:$0x5]  }
0x119: {  	s5 =	simm.s32 @p0 $0x1FC3;
	s14 =	rddreg [dreg:$0x7]  }
0x11a: {  	[hbm:s11], [sflag:s5] =	dma.local @p0 [spmem:s14], $0x1900  }
0x11b: {  	s5 =	simm.s32 @p0 $0x3  }
0x11c: {  	_ =	swait.ge @p0 [sflag:s5], $0x1900  }
0x11d: {  	s12 =	rddreg [dreg:$0x9]  }
0x11e: {  	[sflag:s5] =	ssyncset.done @p0 $0x0;
	s13 =	rddreg [dreg:$0xa]  }
0x11f: {  	s11 =	simm.s32 @!p0 $0x3;
	[sflag:s5] =	ssyncadd.s32 @p0 $0xFFFFE700;
	s5 =	rddreg [dreg:$0x4]  }
0x120: {  	[hbm:s5], [sflag:s12] =	dma.local @!p0 [spmem:s13], $0x2800  }
0x121: {  	_ =	swait.ge @!p0 [sflag:s11], $0x2800  }
0x122: {  	s13 =	rddreg [dreg:$0xb]  }
0x123: {  	s5 =	sadd.s32 $0x1, s13;
	s13 =	rddreg [dreg:$0x6]  }
0x124: {  	p1 =	sne.s32 s5, s13  }
.Ltmp1:
0x125: {  	_ = 	snop;
	(pc) =	sbr.rel @p1 .LBB2_1-.Ltmp1, $3  }
0x126: {  	_ =	sdelay $0x1  }
0x127: {  	[sflag:s11] =	ssyncset.done @!p0 $0x0;
	[dreg:$0xb] =	wrdreg s5;
	s5 =	simm.s32 @!p0 $0x3  }
0x128: {  	[sflag:s5] =	ssyncadd.s32 @!p0 $0xFFFFD800  }
0x129: {  	_ =	sfence.sel $0x180000  }
0x12a: {  	[bflag:$0x0] =	sbarrier.arrive $0xFFFF  }
0x12b: {  	_ =	strace $0x9000004D  }
0x12c: {  	s0 =	stileid.u32;
	[bflag:$0x2] =	sbarrier.arrive $0xFFFF  }
0x12d: {  	p0 =	sne.s32 s0, $0x0;
	s0 =	rddreg [dreg:$0x2]  }
0x12e: {  	s0 =	sadd.s32 @!p0 $0x100000, s0  }
0x12f: {  	[sflag:s0] =	ssyncadd.tile.s32 @!p0 $0x1;
	_ =	shalt  }
.Lfunc_end2:
_tile_overlayer_lowered:
.L_overlay_start_2:
0x130: {  	(tag) =	ssettag $0x2  }
0x131: {  	s0 =	rddreg [dreg:$0x0];
	s2 =	stileid.u32  }
0x132: {  	s1 =	rddreg [dreg:$0x1];
	p0 =	sne.s32 s2, $0x0  }
0x133: {  	s3 =	rddreg [dreg:$0x2];
	[bflag:$0x3] =	sbarrier.arrive $0xFFFF;
	s2 =	simm.s32 @!p0 $0x1C03  }
0x134: {  	[timem:s3], [sflag:s2] =	dma.local @!p0 [hbm:s0], s1  }
0x135: {  	s0 =	simm.s32 @!p0 $0x3  }
0x136: {  	_ =	swait.ge @!p0 [sflag:s0], s1  }
0x137: {  	s1 =	ssub.s32 @!p0 $0x0, s1;
	[sflag:s0] =	ssyncset.done @!p0 $0x0  }
0x138: {  	[sflag:s0] =	ssyncadd.s32 @!p0 s1  }
0x139: {  	[bflag:$0x3] =	sbarrier.arrive $0xFFFF  }
0x13a: {  	_ =	shalt  }

// kernel: kernel.8.cloned.1.call-start
scs
__scs_entry_jumppad:
0x0: {  	(pc) =	sbr.rel $0x88, $3  }
0x1: {  	(tag) =	ssettag $0x0;
	lr =	simm.s32 $0x1  }
0x2: {  	[smem:$0x3F98] =	sst lr;
	_ =	strace $0xD0000000  }
0x3: {  	_ = 	snop  }
0x4: {  	_ = 	snop  }
0x5: {  	_ = 	snop  }
0x6: {  	_ = 	snop  }
0x7: {  	_ = 	snop  }
__scs_overlays_trampoline_lowered:
0x8: {  	[smem:$0x3FA7] =	sst s0  }
0x9: {  	[smem:$0x3FA8] =	sst s1  }
0xa: {  	[smem:$0x3FA9] =	sst s2  }
0xb: {  	[smem:$0x3FAA] =	sst s3  }
0xc: {  	[smem:$0x3FAB] =	sst s4  }
0xd: {  	[smem:$0x3FAC] =	sst s5  }
0xe: {  	[smem:$0x3FAD] =	sst s6  }
0xf: {  	[smem:$0x3FAE] =	sst s7  }
0x10: {  	[smem:$0x3FAF] =	sst s8  }
0x11: {  	[smem:$0x3FB0] =	sst s9;
	s0 =	simm.s32 @!p0 $0x0  }
0x12: {  	s1 =	sld [smem:$0x3F96];
	s0 =	simm.s32 @p0 $0x1  }
0x13: {  	[smem:$0x3FB1] =	sst s0;
	s0 =	simm.s32 @!p1 $0x0  }
0x14: {  	s2 =	sld [smem:$0x3F95];
	s0 =	simm.s32 @p1 $0x1  }
0x15: {  	[smem:$0x3FB2] =	sst s0;
	s0 =	simm.s32 @!p2 $0x0  }
0x16: {  	s3 =	sld [smem:$0x3FDB];
	s0 =	simm.s32 @p2 $0x1  }
0x17: {  	s4 =	simm.s32 $0x1BF5;
	[smem:$0x3FB4] =	sst s0  }
0x18: {  	s0 =	sld [smem:$0x3F97];
	_ =	swait.ge [sflag:s4], $0x0  }
0x19: {  	s7 =	sld [smem:$0x3F98]  }
0x1a: {  	s8 =	sadd.s32 $0xFFFFE003, lr  }
0x1b: {  	s9 =	sadd.s32 $0xFFFFFEF7, lr;
	s5 =	simm.s32 $0xFFFFFFFF;
	p2 =	slt.u32 s8, $0xFFFFF086  }
0x1c: {  	p1 =	slt.u32 s9, $0xF7A;
	s5 =	simm.s32 @!p2 $0x0  }
0x1d: {  	s5 =	simm.s32 @p1 $0x1;
	p0 =	seq.s32 s7, s2  }
0x1e: {  	s7 =	smul.u32 @!p0 $0xF7A, s2;
	p2 =	seq.s32 @!p0 s5, $0x0  }
0x1f: {  	s9 =	smul.u32 $0xF7A, s1;
	s8 =	simm.s32 @!p0 $0x1BF5;
	p2 =	por !p2, p0  }
0x20: {  	[sflag:s8] =	ssyncset.s32 @!p0 $0xFFFFF086;
	s6 =	sadd.s32 @!p0 s3, s7;
	s7 =	simm.s32 @!p0 $0x108  }
0x21: {  	s3 =	sadd.s32 s3, s9;
	s6 =	sadd.s32 @!p0 $0x88, s6;
	s7 =	simm.s32 @p2 $0x1082  }
0x22: {  	[simem:s7], [sflag:s8] =	dma.local @!p0 [hbm:s6], $0xF7A  }
0x23: {  	s9 =	sor.u32 $0xD0000000, s2;
	s6 =	simm.s32 $0x108;
	_ =	swait.ge @!p0 [sflag:s8], $0x0  }
0x24: {  	s3 =	sadd.s32 $0x88, s3;
	s6 =	simm.s32 @!p1 $0x1082;
	[sflag:s4] =	ssyncset.s32 $0xFFFFF086  }
0x25: {  	[simem:s6], [sflag:s4] =	dma.local [hbm:s3], $0xF7A  }
0x26: {  	[smem:$0x3F98] =	sst s1;
	(tag) =	ssettag s2;
	_ =	strace s9  }
0x27: {  	s1 =	sld [smem:$0x3FA8]  }
0x28: {  	s2 =	sld [smem:$0x3FA9]  }
0x29: {  	s4 =	sld [smem:$0x3FAB]  }
0x2a: {  	p0 =	seq.s32 s5, $0x0;
	s5 =	sld [smem:$0x3FAC]  }
0x2b: {  	s6 =	sld [smem:$0x3FAD]  }
0x2c: {  	s7 =	sld [smem:$0x3FAE]  }
0x2d: {  	s3 =	simm.s32 $0x108;
	s8 =	sld [smem:$0x3FAF]  }
0x2e: {  	s3 =	simm.s32 @!p0 $0x1082;
	s9 =	sld [smem:$0x3FB0]  }
0x2f: {  	lr =	sadd.s32 s0, s3;
	s0 =	sld [smem:$0x3FA7]  }
0x30: {  	s3 =	sld [smem:$0x3FAA]  }
0x31: {  	[smem:$0x3FB3] =	sst s10  }
0x32: {  	s10 =	sld [smem:$0x3FB1];
	_ =	sdelay $0x3  }
0x33: {  	p0 =	seq.s32 s10, $0x1;
	s10 =	sld [smem:$0x3FB3];
	_ =	sdelay $0x3  }
0x34: {  	[smem:$0x3FB3] =	sst s10  }
0x35: {  	s10 =	sld [smem:$0x3FB2];
	_ =	sdelay $0x3  }
0x36: {  	p1 =	seq.s32 s10, $0x1;
	s10 =	sld [smem:$0x3FB3];
	_ =	sdelay $0x3  }
0x37: {  	[smem:$0x3FB3] =	sst s10  }
0x38: {  	s10 =	sld [smem:$0x3FB4]  }
0x39: {  	_ = 	snop;
	(pc) =	sbr.ind lr, $3  }
0x3a: {  	_ = 	snop  }
0x3b: {  	_ = 	snop  }
0x3c: {  	p2 =	seq.s32 s10, $0x1;
	s10 =	sld [smem:$0x3FB3]  }
0x3d: {  	_ =	shalt  }
0x3e: {  	_ =	shalt  }
0x3f: {  	_ =	shalt  }
0x40: {  	_ =	shalt  }
0x41: {  	_ =	shalt  }
0x42: {  	_ =	shalt  }
0x43: {  	_ =	shalt  }
0x44: {  	_ =	shalt  }
0x45: {  	_ =	shalt  }
0x46: {  	_ =	shalt  }
0x47: {  	_ =	shalt  }
0x48: {  	_ =	shalt  }
0x49: {  	_ =	shalt  }
0x4a: {  	_ =	shalt  }
0x4b: {  	_ =	shalt  }
0x4c: {  	_ =	shalt  }
0x4d: {  	_ =	shalt  }
0x4e: {  	_ =	shalt  }
0x4f: {  	_ =	shalt  }
0x50: {  	_ =	shalt  }
0x51: {  	_ =	shalt  }
0x52: {  	_ =	shalt  }
0x53: {  	_ =	shalt  }
0x54: {  	_ =	shalt  }
0x55: {  	_ =	shalt  }
0x56: {  	_ =	shalt  }
0x57: {  	_ =	shalt  }
0x58: {  	_ =	shalt  }
0x59: {  	_ =	shalt  }
0x5a: {  	_ =	shalt  }
0x5b: {  	_ =	shalt  }
0x5c: {  	_ =	shalt  }
0x5d: {  	_ =	shalt  }
0x5e: {  	_ =	shalt  }
0x5f: {  	_ =	shalt  }
0x60: {  	_ =	shalt  }
0x61: {  	_ =	shalt  }
0x62: {  	_ =	shalt  }
0x63: {  	_ =	shalt  }
0x64: {  	_ =	shalt  }
0x65: {  	_ =	shalt  }
0x66: {  	_ =	shalt  }
0x67: {  	_ =	shalt  }
0x68: {  	_ =	shalt  }
0x69: {  	_ =	shalt  }
0x6a: {  	_ =	shalt  }
0x6b: {  	_ =	shalt  }
0x6c: {  	_ =	shalt  }
0x6d: {  	_ =	shalt  }
0x6e: {  	_ =	shalt  }
0x6f: {  	_ =	shalt  }
0x70: {  	_ =	shalt  }
0x71: {  	_ =	shalt  }
0x72: {  	_ =	shalt  }
0x73: {  	_ =	shalt  }
0x74: {  	_ =	shalt  }
0x75: {  	_ =	shalt  }
0x76: {  	_ =	shalt  }
0x77: {  	_ =	shalt  }
0x78: {  	_ =	shalt  }
0x79: {  	_ =	shalt  }
0x7a: {  	_ =	shalt  }
0x7b: {  	_ =	shalt  }
0x7c: {  	_ =	shalt  }
0x7d: {  	_ =	shalt  }
0x7e: {  	_ =	shalt  }
0x7f: {  	_ =	shalt  }
0x80: {  	_ =	shalt  }
0x81: {  	_ =	shalt  }
0x82: {  	_ =	shalt  }
0x83: {  	_ =	shalt  }
0x84: {  	_ =	shalt  }
0x85: {  	_ =	shalt  }
0x86: {  	_ =	shalt  }
0x87: {  	_ =	shalt  }
.Lfunc_end0:
.L_simem_size_0:
called_computation_lowered:
.L_overlay_start_0:
0x88: {  	s2 =	sld [smem:$0x3FD9]  }
0x89: {  	s3 =	sld [smem:$0x3FFE];
	_ =	sdelay $0x1  }
0x8a: {  	s1 =	srdreg.scid  }
0x8b: {  	s0 =	sand.u32 $0x1, s1  }
0x8c: {  	s16 =	sshll.u32 s0, $0xA;
	s2 =	sadd.s32 s3, s2  }
0x8d: {  	s2 =	sadd.s32 s2, s16  }
0x8e: {  	[smem:$0x3FBF] =	sst s2  }
0x8f: {  	_ = 	snop  }
0x90: {  	(tm) =	ssettm $0x1  }
0x91: {  	s17 =	sld [smem:$0x3FFB];
	_ =	sdelay $0x3  }
0x92: {  	_ =	strace s17  }
0x93: {  	s2 =	sld [smem:$0x3FFC];
	_ =	sdelay $0x3  }
0x94: {  	_ =	strace s2  }
0x95: {  	s2 =	sld [smem:$0x3FFD];
	_ =	sdelay $0x3  }
0x96: {  	_ =	strace s2  }
0x97: {  	_ =	strace $0x8FFFFFFF  }
0x98: {  	s18 =	sld [smem:$0x3FDB];
	_ =	sdelay $0x1  }
0x99: {  	s19 =	simm.s32 $_scs_section_size  }
0x9a: {  	s4 =	simm.s32 $_size__tile_overlayer_lowered;
	s5 =	simm.s32 $_tile_overlayer_lowered  }
0x9b: {  	s22 =	simm.s32 $0x1BFF;
	s21 =	sshll.u32 s5, $0x1;
	s2 =	sadd.s32 s19, s18  }
0x9c: {  	s6 =	simm.s32 $0x0;
	s20 =	sshll.u32 s4, $0x1;
	s4 =	sadd.s32 s21, s2  }
0x9d: {  	[timem:s6], [sflag:s22] =	dma.local [hbm:s4], s20  }
0x9e: {  	_ =	swait.ge [sflag:s22], s20  }
0x9f: {  	s3 =	ssub.s32 $0x0, s20;
	[sflag:s22] =	ssyncset.done $0x0  }
0xa0: {  	[sflag:s22] =	ssyncadd.s32 s3;
	_ =	sdelay $0x1  }
0xa1: {  	s23 =	simm.s32 $0x1B8B  }
0xa2: {  	_ =	swait.ge [sflag:s23], $0x1  }
0xa3: {  	[sflag:s23] =	ssyncset.done $0x0  }
0xa4: {  	s25 =	simm.s32 $0x1B8E;
	s24 =	sld [smem:$0x3FFE];
	[sflag:s23] =	ssyncadd.s32 $0xFFFFFFFF  }
0xa5: {  	s26 =	simm.s32 $execute0_lowered;
	[smem:$0x3FD2] =	sst s25  }
0xa6: {  	s4 =	sshll.u32 s26, $0x1;
	_ =	strace $0x80000046;
	[dreg:$0x1] =	wrdreg $0xFFFFFFFF  }
0xa7: {  	s28 =	simm.s32 $_size_execute0_lowered;
	s2 =	sadd.s32 s2, s4;
	[dreg:$0x0] =	wrdreg $0x0  }
0xa8: {  	s4 =	sshll.u32 s28, $0x1;
	[dreg:$0x2] =	wrdreg s2  }
0xa9: {  	[dreg:$0x3] =	wrdreg s4  }
0xaa: {  	[dreg:$0x4] =	wrdreg $0xC0  }
0xab: {  	_ =	task [dreg:s6], $0x5FFFF  }
0xac: {  	[dreg:$0x1] =	wrdreg $0xFFFFFFFF  }
0xad: {  	[dreg:$0x0] =	wrdreg $0x60  }
0xae: {  	[dreg:$0x2] =	wrdreg s24  }
0xaf: {  	[dreg:$0x3] =	wrdreg $0x68000  }
0xb0: {  	[dreg:$0x4] =	wrdreg $0x9  }
0xb1: {  	_ =	task.clear_ibuf [dreg:s6], $0x5FFFF;
	_ =	strace $0x90000046  }
0xb2: {  	s29 =	simm.s32 $0x9;
	_ =	strace $0x80000048  }
0xb3: {  	_ =	swait.ge [sflag:s29], $0x1  }
0xb4: {  	[sflag:s29] =	ssyncadd.s32 $0xFFFFFFFF  }
0xb5: {  	_ =	strace $0x90000048  }
0xb6: {  	_ =	sfence  }
0xb7: {  	s30 =	sld [smem:$0x0];
	_ =	sdelay $0x2  }
0xb8: {  	s31 =	sshll.u32 s1, $0xD;
	s1 =	sshrl.u32 s1, $0x2  }
0xb9: {  	s3 =	sand.u32 $0x4000, s31;
	s1 =	sadd.s32 s1, s30  }
0xba: {  	s0 =	sor.u32 s3, s0;
	s1 =	sshll.u32 s1, $0x11  }
0xbb: {  	s0 =	sor.u32 s1, s0  }
0xbc: {  	s0 =	sadd.s32 $0x8F2B, s0  }
0xbd: {  	[sflag:s0] =	ssyncadd.remote.s32 $0x1  }
0xbe: {  	_ =	sfence.sel $0xFFFF  }
0xbf: {  	[dreg:$0x0] =	wrdreg $0xFFFFFFFF;
	(pc) =	sbr.abs _section_cstart, $3  }
0xc0: {  	[dreg:$0x1] =	wrdreg $0xFFFFFFFF  }
0xc1: {  	_ =	task.clear_ibuf [dreg:s6], $0x2FFFF;
	_ =	strace $0x9FFFFFFF  }
0xc2: {  	(tm) =	ssettm $0x7FFFFFFF  }
0xc3: {  	_ =	shalt  }
tec
execute0_lowered:
.L_overlay_start_1:
0x0: {  	(tag) =	ssettag $0x1  }
0x1: {  	s6 =	rddreg [dreg:$0x0]  }
0x2: {  	s2 =	rddreg [dreg:$0x1]  }
0x3: {  	s0 =	rddreg [dreg:$0x2]  }
0x4: {  	s3 =	simm.s32 $0x0;
	s1 =	stileid.u32;
	s8 =	srdreg.scid  }
0x5: {  	s15 =	simm.s32 $0x50;
	s16 =	simm.s32 $0x0;
	[smem:$0x7FF] =	sst s3  }
0x6: {  	s4 =	sshll.u32 s1, $0xB;
	s5 =	sadd.s32 $0x12A00, s6;
	s25 =	smul.u32 $0x50000, s1  }
0x7: {  	s9 =	sadd.s32 $0x15800, s6;
	s24 =	sand.u32 $0x1, s8;
	s28 =	smul.u32 $0x14000, s1  }
0x8: {  	p0 =	seq.s32 s1, $0xF;
	_ =	strace $0x80000047;
	s7 =	sadd.s32 s4, s6  }
0x9: {  	s4 =	sadd.s32 $0x15200, s6;
	s10 =	ssub.s32 $0x2, s24;
	s11 =	sshll.u32 s24, $0xF  }
0xa: {  	s12 =	smul.u32 $0x138800, s24;
	s13 =	sshll.u32 @!p0 s1, $0x6;
	s26 =	sshrl.u32 s10, $0x1  }
0xb: {  	s7 =	sadd.s32 s11, s7;
	s29 =	sshrl.u32 s25, $0x2;
	s11 =	simm.s32 $0x1  }
0xc: {  	s13 =	sor.u32 @!p0 $0x1C01, s13;
	s10 =	ssub.s32 s10, s26;
	s6 =	sadd.s32 $0x2A00, s7  }
0xd: {  	s14 =	sadd.s32 s29, s2;
	s30 =	sadd.s32 s28, s12;
	s31 =	sshrl.u32 s12, $0x3  }
0xe: {  	s12 =	sadd.s32 $0x12C000, s2;
	s7 =	sshrl.u32 s30, $0x3;
	s8 =	sadd.s32 s9, s31  }
0xf: {  	s12 =	sshrl.u32 @p0 s12, $0x3;
	s14 =	sshrl.u32 @!p0 s14, $0x3;
	s7 =	sadd.s32 s9, s7  }
0x10: {  	s8 =	sadd.s32 $0x25800, s8;
	s9 =	smax.u32 s10, $0x1;
	s10 =	simm.s32 $0x4000  }
.LBB2_1:
0x11: {  	[tilespmem:s10], [sflag:$0x1] =	stream.linear.gather [hbm4b:s4+s3], $0x2800, $0x38;
	[tilespmem:$0x6A78] =	vst v63  }
0x12: {  	_ =	swait.ge [sflag:s11], $0x2800  }
0x13: {  	[sflag:s11] =	ssyncset.done $0x0  }
0x14: {  	[sflag:s11] =	ssyncadd.s32 $0xFFFFD800  }
0x15: {  	[tilespmem:s3], [sflag:$0x1] =	stream.linear.gather [hbm4b:s6+s3], $0x4000, $0x38;
	[tilespmem:$0x6A78] =	vst v63  }
0x16: {  	_ =	swait.ge [sflag:s11], $0x4000  }
0x17: {  	[sflag:s11] =	ssyncset.done $0x0  }
0x18: {  	s17 =	simm.s32 @p0 $0x1FC1;
	[sflag:s11] =	ssyncadd.s32 $0xFFFFC000  }
0x19: {  	[spmem:s12], [sflag:s17] =	dma.local @p0 [hbm:s5], $0x1900  }
0x1a: {  	s17 =	simm.s32 @p0 $0x1  }
0x1b: {  	_ =	swait.ge @p0 [sflag:s17], $0x1900  }
0x1c: {  	[sflag:s17] =	ssyncset.done @p0 $0x0  }
0x1d: {  	[sflag:s17] =	ssyncadd.s32 @p0 $0xFFFFE700;
	s17 =	simm.s32 @!p0 $0x1  }
0x1e: {  	[spmem:s14], [sflag:s13] =	dma.local @!p0 [hbm:s5], $0x2800  }
0x1f: {  	_ =	swait.ge @!p0 [sflag:s17], $0x2800  }
0x20: {  	[sflag:s17] =	ssyncset.done @!p0 $0x0  }
0x21: {  	[sflag:s17] =	ssyncadd.s32 @!p0 $0xFFFFD800  }
0x22: {  	s31 =	simm.s32 $0x0;
	[bflag:$0x0] =	sbarrier.arrive $0xFFFF  }
0x23: {  	[spmem:s2] =	stream.indirect.scatter.add.f32 [tilespmem:s10], [sflag:$0x1], $0x1, s31, s15, $0xb8;
	[tilespmem:$0x6A78] =	vst v63  }
0x24: {  	_ =	swait.ge [sflag:s11], $0x50  }
0x25: {  	s17 =	simm.s32 $0x200;
	[sflag:s11] =	ssyncset.done $0x0  }
.LBB2_2:
0x26: {  	s18 =	sshra.s32 s17, $0x2;
	[sflag:s11] =	ssyncadd.s32 $0xFFFFFFB0;
	p1 =	sne.s32 s17, $0xFE00  }
0x27: {  	[spmem:s2] =	stream.indirect.scatter.add.f32 [tilespmem:s10], [sflag:$0x1], $0x1, s18, s15, $0xb8;
	[tilespmem:$0x6A78] =	vst v63  }
.Ltmp0:
0x28: {  	_ = 	snop;
	(pc) =	sbr.rel @p1 .LBB2_2-.Ltmp0, $4  }
0x29: {  	_ = 	snop  }
0x2a: {  	s17 =	sadd.s32 $0x200, s17  }
0x2b: {  	_ =	swait.ge [sflag:s11], $0x50  }
0x2c: {  	[sflag:s11] =	ssyncset.done $0x0  }
0x2d: {  	[sflag:s11] =	ssyncadd.s32 $0xFFFFFFB0  }
0x2e: {  	s17 =	simm.s32 @p0 $0x1FC1;
	[bflag:$0x0] =	sbarrier.arrive $0xFFFF  }
0x2f: {  	[hbm:s8], [sflag:s17] =	dma.local @p0 [spmem:s12], $0x1900  }
0x30: {  	s17 =	simm.s32 @p0 $0x1  }
0x31: {  	s16 =	sadd.s32 $0x1, s16;
	_ =	swait.ge @p0 [sflag:s17], $0x1900  }
0x32: {  	p1 =	sne.s32 s16, s9;
	[sflag:s17] =	ssyncset.done @p0 $0x0  }
.Ltmp1:
0x33: {  	[sflag:s17] =	ssyncadd.s32 @p0 $0xFFFFE700;
	s17 =	simm.s32 @!p0 $0x1;
	(pc) =	sbr.rel @p1 .LBB2_1-.Ltmp1, $4  }
0x34: {  	[hbm:s7], [sflag:s13] =	dma.local @!p0 [spmem:s14], $0x2800  }
0x35: {  	_ =	swait.ge @!p0 [sflag:s17], $0x2800  }
0x36: {  	[sflag:s17] =	ssyncset.done @!p0 $0x0  }
0x37: {  	[sflag:s17] =	ssyncadd.s32 @!p0 $0xFFFFD800  }
0x38: {  	_ =	sfence.sel $0x180000  }
0x39: {  	[bflag:$0x0] =	sbarrier.arrive $0xFFFF  }
0x3a: {  	p0 =	sne.s32 s1, $0x0;
	_ =	strace $0x90000047  }
0x3b: {  	s0 =	sadd.s32 @!p0 $0x100000, s0;
	[bflag:$0x2] =	sbarrier.arrive $0xFFFF  }
0x3c: {  	[sflag:s0] =	ssyncadd.tile.s32 @!p0 $0x1;
	_ =	shalt  }
.Lfunc_end2:
_tile_overlayer_lowered:
.L_overlay_start_2:
0x3d: {  	(tag) =	ssettag $0x2  }
0x3e: {  	s0 =	rddreg [dreg:$0x0];
	s2 =	stileid.u32  }
0x3f: {  	s1 =	rddreg [dreg:$0x1];
	p0 =	sne.s32 s2, $0x0  }
0x40: {  	s3 =	rddreg [dreg:$0x2];
	[bflag:$0x3] =	sbarrier.arrive $0xFFFF;
	s2 =	simm.s32 @!p0 $0x1C01  }
0x41: {  	[timem:s3], [sflag:s2] =	dma.local @!p0 [hbm:s0], s1  }
0x42: {  	s0 =	simm.s32 @!p0 $0x1  }
0x43: {  	_ =	swait.ge @!p0 [sflag:s0], s1  }
0x44: {  	s1 =	ssub.s32 @!p0 $0x0, s1;
	[sflag:s0] =	ssyncset.done @!p0 $0x0  }
0x45: {  	[sflag:s0] =	ssyncadd.s32 @!p0 s1  }
0x46: {  	[bflag:$0x3] =	sbarrier.arrive $0xFFFF  }
0x47: {  	_ =	shalt  }

</sc_bundles>
